<compile_context>
chip_gen: v7x
topology: tpu7x:2x2x1
jax: 0.10.2.dev20260603
libtpu: 0.0.44.dev20260713+nightly
codegen_flags: <defaults>
</compile_context>

<pallas_src>
import functools

import numpy as np
import jax
import jax.numpy as jnp
from jax import lax
from jax.experimental import pallas as pl
from jax.experimental.pallas import tpu as pltpu
from jax.experimental.pallas import tpu_sc as plsc

_RES = 384
_NPTS = _RES * _RES // 4
_BATCH = 8

_NW = 32
_NTEAM = 4
_NPOS = _NW // _NTEAM
_ROWS_PER_W = _RES // _NPOS
_PLANE = _ROWS_PER_W * _RES
_SLAB = 5 * _PLANE
_PTS_PER_TEAM = _NPTS // _NTEAM

_jj = np.arange(_RES, dtype=np.float64)
_ph = np.exp(2j * np.pi * np.outer(_jj, _jj) / _RES)
_sgn = (-1.0) ** (_jj[:, None] + _jj[None, :])
_E = _sgn * _ph
_C_NP = np.ascontiguousarray(_E.real)
_S_NP = np.ascontiguousarray(_E.imag)
_CPS_NP = _C_NP + _S_NP

_OFFS = ((0, 1), (1, 0), (1, 1), (1, -1))


_UNROLL = 8


def _k5_body(traj_hbm, out_hbm, txy_v, slab_v):
    wid = lax.axis_index("s") * 2 + lax.axis_index("c")
    team = wid % _NTEAM
    pos = wid // _NTEAM
    row_lo = pos * _ROWS_PER_W
    row_hi = row_lo + _ROWS_PER_W
    samp_lo = team * _PTS_PER_TEAM

    pltpu.sync_copy(traj_hbm.at[:, pl.ds(samp_lo, _PTS_PER_TEAM)], txy_v)

    zv = jnp.zeros((16,), jnp.float32)

    def _zero(i, carry):
        for j in range(8):
            slab_v[pl.ds((i * 8 + j) * 16, 16)] = zv
        return carry

    lax.fori_loop(0, _SLAB // 16 // 8, _zero, 0)

    cx = jnp.float32((_RES - 1) / _RES)
    c0 = jnp.float32((_RES - 1) / 2.0)
    fmax = jnp.float32(_RES - 1)

    def _group(g):
        s = pl.ds(g * 16, 16)
        ty = txy_v[1, s]
        gy = jnp.minimum(jnp.maximum(ty * cx + c0, 0.0), fmax)
        yi = gy.astype(jnp.int32)
        in0 = (yi >= row_lo) & (yi < row_hi)
        y1i = yi + 1
        in1 = (y1i >= row_lo) & (y1i < row_hi)

        tx = txy_v[0, s]
        gx = jnp.minimum(jnp.maximum(tx * cx + c0, 0.0), fmax)
        xi = gx.astype(jnp.int32)
        wx1 = gx - xi.astype(jnp.float32)
        wy1 = gy - yi.astype(jnp.float32)
        wx0 = 1.0 - wx1
        wy0 = 1.0 - wy1
        w00 = wy0 * wx0
        w01 = wy0 * wx1
        w10 = wy1 * wx0
        w11 = wy1 * wx1

        base = (yi - row_lo) * _RES + xi

        plsc.addupdate_scatter(slab_v, [base], w00 * w00, mask=in0)
        plsc.addupdate_scatter(slab_v, [base + _PLANE], w00 * w01, mask=in0)
        plsc.addupdate_scatter(slab_v, [base + 2 * _PLANE], w00 * w10, mask=in0)
        plsc.addupdate_scatter(slab_v, [base + 3 * _PLANE], w00 * w11, mask=in0)
        plsc.addupdate_scatter(slab_v, [base + 1], w01 * w01, mask=in0)
        plsc.addupdate_scatter(slab_v, [base + 1 + 4 * _PLANE], w01 * w10, mask=in0)
        plsc.addupdate_scatter(slab_v, [base + 1 + 2 * _PLANE], w01 * w11, mask=in0)
        plsc.addupdate_scatter(slab_v, [base + _RES], w10 * w10, mask=in1)
        plsc.addupdate_scatter(slab_v, [base + _RES + _PLANE], w10 * w11, mask=in1)
        plsc.addupdate_scatter(slab_v, [base + _RES + 1], w11 * w11, mask=in1)

    def _step(i, carry):
        for j in range(_UNROLL):
            _group(i * _UNROLL + j)
        return carry

    lax.fori_loop(0, _PTS_PER_TEAM // 16 // _UNROLL, _step, 0)

    for p in range(5):
        pltpu.sync_copy(
            slab_v.at[pl.ds(p * _PLANE, _PLANE)],
            out_hbm.at[team, pl.ds(p * _RES * _RES + row_lo * _RES, _PLANE)],
        )


_k5_call = functools.partial(
    pl.kernel,
    mesh=plsc.VectorSubcoreMesh(core_axis_name="c", subcore_axis_name="s"),
    out_type=jax.ShapeDtypeStruct((_NTEAM, 5 * _RES * _RES), jnp.float32),
    scratch_types=[
        pltpu.VMEM((2, _PTS_PER_TEAM), jnp.float32),
        pltpu.VMEM((_SLAB,), jnp.float32),
    ],
    compiler_params=pltpu.CompilerParams(needs_layout_passes=False),
)(_k5_body)


def _roll2(a, dy, dx):
    if dy:
        a = jnp.concatenate([a[-dy % _RES:, :], a[:-dy % _RES, :]], axis=0)
    if dx:
        a = jnp.concatenate([a[:, -dx % _RES:], a[:, :-dx % _RES]], axis=1)
    return a


def _tc_body(ksp_ref, k5_ref, c_ref, s_ref, cps_ref, out_ref, ks_ref):
    b = pl.program_id(0)

    @pl.when(b == 0)
    def _sum_parts():
        for p in range(5):
            ks_ref[p] = (k5_ref[0, p] + k5_ref[1, p]) + (k5_ref[2, p] + k5_ref[3, p])

    zr = ksp_ref[0, 0]
    zi = ksp_ref[0, 1]

    def stencil(z):
        g = ks_ref[0] * z
        for p, (dy, dx) in enumerate(_OFFS):
            kd = ks_ref[1 + p]
            g = g + kd * _roll2(z, -dy, -dx) + _roll2(kd * z, dy, dx)
        return g

    gr = stencil(zr)
    gi = stencil(zi)

    cm = c_ref[...]
    sm = s_ref[...]
    cps = cps_ref[...]

    def mm(a, b):
        return jnp.dot(a, b, preferred_element_type=jnp.float32)

    m1 = mm(cm, gr)
    m2 = mm(sm, gi)
    m3 = mm(cps, gr + gi)
    tr = m1 - m2
    ti = m3 - m1 - m2
    n1 = mm(tr, cm)
    n2 = mm(ti, sm)
    n3 = mm(tr + ti, cps)
    out_ref[0, 0, 0] = n1 - n2
    out_ref[0, 0, 1] = n3 - n1 - n2


def _tc_call(ksp, k5_parts, cm, sm, cps):
    return pl.pallas_call(
        _tc_body,
        grid=(_BATCH,),
        in_specs=[
            pl.BlockSpec((1, 2, _RES, _RES), lambda b: (b, 0, 0, 0)),
            pl.BlockSpec((_NTEAM, 5, _RES, _RES), lambda b: (0, 0, 0, 0)),
            pl.BlockSpec((_RES, _RES), lambda b: (0, 0)),
            pl.BlockSpec((_RES, _RES), lambda b: (0, 0)),
            pl.BlockSpec((_RES, _RES), lambda b: (0, 0)),
        ],
        out_specs=pl.BlockSpec((1, 1, 2, _RES, _RES), lambda b: (b, 0, 0, 0, 0)),
        out_shape=jax.ShapeDtypeStruct((_BATCH, 1, 2, _RES, _RES), jnp.float32),
        scratch_shapes=[pltpu.VMEM((5, _RES, _RES), jnp.float32)],
        compiler_params=pltpu.CompilerParams(
            dimension_semantics=("arbitrary",),
        ),
    )(ksp, k5_parts, cm, sm, cps)


def kernel(k_space_input, trajectory):
    ksp = jnp.transpose(k_space_input, (0, 1, 4, 2, 3))[:, 0]

    traj_re = (trajectory.reshape(16, _NPTS // 16, 2)
               .transpose(2, 1, 0)
               .reshape(2, _NPTS))
    k5_parts = _k5_call(traj_re)
    k5_parts = k5_parts.reshape(_NTEAM, 5, _RES, _RES)

    cm = jnp.asarray(_C_NP, jnp.float32)
    sm = jnp.asarray(_S_NP, jnp.float32)
    cps = jnp.asarray(_CPS_NP, jnp.float32)

    return _tc_call(ksp, k5_parts, cm, sm, cps)

# --- scband reference (transcript-rebuilt; emitter-appended) ---
"""Pipeline reference for scband-sub-sampling-layer-62191126446417 (READ-ONLY COPY).

The authoritative reference and input builder live on the scoring server;
editing this copy changes nothing except your own understanding.
"""

import jax, jax.numpy as jnp
import numpy as np

RES = 384
DEC = 4
NM = RES * RES // DEC  # 36864
BATCH = 8


def _spiral_trajectory(res, n):
    t = np.linspace(0.0, 1.0, n, dtype=np.float64)
    turns = 32.0
    r = (res / 2.0 - 1.0) * t
    ang = 2.0 * np.pi * turns * t
    x = r * np.cos(ang)
    y = r * np.sin(ang)
    return jnp.asarray(np.stack([x, y], axis=-1), dtype=jnp.float32)


def setup_inputs(seed: int = 0):
    key = jax.random.key(seed)
    k_space_input = jax.random.normal(key, (BATCH, 1, RES, RES, 2), dtype=jnp.float32)
    trajectory = _spiral_trajectory(RES, NM)  # learned parameter, spiral init
    return {"k_space_input": k_space_input, "trajectory": trajectory}


def _bilinear_coords(traj, res):
    # traj values live in [-res/2, res/2]; map to pixel coords (align_corners=True style)
    gx = (traj[:, 0] / (res / 2.0) + 1.0) / 2.0 * (res - 1)
    gy = (traj[:, 1] / (res / 2.0) + 1.0) / 2.0 * (res - 1)
    gx = jnp.clip(gx, 0.0, res - 1.0)
    gy = jnp.clip(gy, 0.0, res - 1.0)
    x0f = jnp.floor(gx)
    y0f = jnp.floor(gy)
    wx1 = gx - x0f
    wx0 = 1.0 - wx1
    wy1 = gy - y0f
    wy0 = 1.0 - wy1
    x0 = jnp.clip(x0f.astype(jnp.int32), 0, res - 1)
    y0 = jnp.clip(y0f.astype(jnp.int32), 0, res - 1)
    x1 = jnp.clip(x0 + 1, 0, res - 1)
    y1 = jnp.clip(y0 + 1, 0, res - 1)
    return x0, x1, y0, y1, wx0, wx1, wy0, wy1


def _bilinear_sample(img, traj, res):
    # img: [B, C, H, W] -> samples [B, C, N]  (grid_sample equivalent)
    x0, x1, y0, y1, wx0, wx1, wy0, wy1 = _bilinear_coords(traj, res)
    v = (img[:, :, y0, x0] * (wy0 * wx0)
         + img[:, :, y0, x1] * (wy0 * wx1)
         + img[:, :, y1, x0] * (wy1 * wx0)
         + img[:, :, y1, x1] * (wy1 * wx1))
    return v


def _nufft_adjoint(vals, traj, res):
    # vals: [B, 2, N] complex-as-channels k-space samples
    # gridding via bilinear scatter-add, then centered 2D inverse FFT
    B, C, N = vals.shape
    x0, x1, y0, y1, wx0, wx1, wy0, wy1 = _bilinear_coords(traj, res)
    grid = jnp.zeros((B, C, res, res), dtype=vals.dtype)
    grid = grid.at[:, :, y0, x0].add(vals * (wy0 * wx0))
    grid = grid.at[:, :, y0, x1].add(vals * (wy0 * wx1))
    grid = grid.at[:, :, y1, x0].add(vals * (wy1 * wx0))
    grid = grid.at[:, :, y1, x1].add(vals * (wy1 * wx1))
    z = grid[:, 0, :, :] + 1j * grid[:, 1, :, :]
    img = jnp.fft.ifft2(jnp.fft.ifftshift(z, axes=(-2, -1)))
    img = jnp.fft.fftshift(img, axes=(-2, -1)) * float(res * res)
    return jnp.stack([jnp.real(img), jnp.imag(img)], axis=1)  # [B, 2, H, W]


def reference(k_space_input, trajectory):
    # k_space_input: [B, 1, H, W, 2] -> permute(0,1,4,2,3).squeeze(1) -> [B, 2, H, W]
    ksp = jnp.transpose(k_space_input, (0, 1, 4, 2, 3))[:, 0]
    sub_ksp = _bilinear_sample(ksp, trajectory, RES)          # interp.bilinear_interpolate_torch_gridsample
    output = _nufft_adjoint(sub_ksp, trajectory, RES)          # nufft.nufft_adjoint
    return output[:, None]                                     # unsqueeze(1) -> [B, 1, 2, H, W]

if __name__ == "__main__":
    import jax
    _d = setup_inputs()
    print(jax.jit(kernel)(*tuple(_d.values())))

</pallas_src>

<mosaic_0001>
#map = affine_map<(d0, d1) -> (0, 0)>
module attributes {stable_mosaic.version = 14 : i64} {
  func.func @_k5_body(%arg0: i32, %arg1: i32, %arg2: memref<2x36864xf32, #tpu.memory_space<hbm>>, %arg3: memref<4x737280xf32, #tpu.memory_space<hbm>>, %arg4: memref<2x9216xf32, #tpu.memory_space<vmem>>, %arg5: memref<92160xf32, #tpu.memory_space<vmem>>) attributes {dimension_semantics = [#tpu.dimension_semantics<core_parallel>, #tpu.dimension_semantics<subcore_parallel>], iteration_bounds = array<i64: 2, 16>, scalar_prefetch = 0 : i64, scratch_operands = 2 : i64, tpu.core_type = #tpu.core_type<sc_vector_subcore>, window_params = [{transform_indices = #map}, {transform_indices = #map}]} {
    %mul3A = arith.constant 2 : i32
    %mul3A_0 = arith.muli %arg1, %mul3A : i32
    %add3A = arith.addi %mul3A_0, %arg0 : i32
    %jit3A = arith.constant 4 : i32
    %eq3A = arith.constant 0 : i32
    %eq3A_1 = arith.cmpi eq, %jit3A, %eq3A : i32
    %jit3A_2 = arith.constant 1 : i32
    %select_n3A = arith.select %eq3A_1, %jit3A_2, %jit3A : i32
    %rem3A = arith.remsi %add3A, %select_n3A : i32
    %ne3A = arith.constant 0 : i32
    %ne3A_3 = arith.cmpi ne, %rem3A, %ne3A : i32
    %lt3A = arith.constant 0 : i32
    %lt3A_4 = arith.cmpi slt, %rem3A, %lt3A : i32
    %lt3A_5 = arith.constant 0 : i32
    %lt3A_6 = arith.cmpi slt, %select_n3A, %lt3A_5 : i32
    %ne3A_7 = arith.xori %lt3A_4, %lt3A_6 : i1
    %and3A = arith.andi %ne3A_7, %ne3A_3 : i1
    %add3A_8 = arith.addi %rem3A, %select_n3A : i32
    %select_n3A_9 = arith.select %and3A, %add3A_8, %rem3A : i32
    %jit3A_10 = arith.constant 4 : i32
    %div3A = arith.divsi %add3A, %jit3A_10 : i32
    %sign3A = arith.constant 0 : i32
    %sign3A_11 = arith.cmpi sgt, %add3A, %sign3A : i32
    %sign3A_12 = arith.extui %sign3A_11 : i1 to i32
    %sign3A_13 = arith.constant 0 : i32
    %sign3A_14 = arith.cmpi slt, %add3A, %sign3A_13 : i32
    %sign3A_15 = arith.extui %sign3A_14 : i1 to i32
    %sign3A_16 = arith.subi %sign3A_12, %sign3A_15 : i32
    %sign3A_17 = arith.constant 0 : i32
    %sign3A_18 = arith.cmpi sgt, %jit3A_10, %sign3A_17 : i32
    %sign3A_19 = arith.extui %sign3A_18 : i1 to i32
    %sign3A_20 = arith.constant 0 : i32
    %sign3A_21 = arith.cmpi slt, %jit3A_10, %sign3A_20 : i32
    %sign3A_22 = arith.extui %sign3A_21 : i1 to i32
    %sign3A_23 = arith.subi %sign3A_19, %sign3A_22 : i32
    %ne3A_24 = arith.cmpi ne, %sign3A_16, %sign3A_23 : i32
    %rem3A_25 = arith.remsi %add3A, %jit3A_10 : i32
    %ne3A_26 = arith.constant 0 : i32
    %ne3A_27 = arith.cmpi ne, %rem3A_25, %ne3A_26 : i32
    %and3A_28 = arith.andi %ne3A_24, %ne3A_27 : i1
    %sub3A = arith.constant 1 : i32
    %sub3A_29 = arith.subi %div3A, %sub3A : i32
    %select_n3A_30 = arith.select %and3A_28, %sub3A_29, %div3A : i32
    %mul3A_31 = arith.constant 48 : i32
    %mul3A_32 = arith.muli %select_n3A_30, %mul3A_31 : i32
    %add3A_33 = arith.constant 48 : i32
    %add3A_34 = arith.addi %mul3A_32, %add3A_33 : i32
    %mul3A_35 = arith.constant 9216 : i32
    %mul3A_36 = arith.muli %select_n3A_9, %mul3A_35 : i32
    "tpu.region"() ({
      %run_scoped3A = tpu.sem_alloc : memref<!tpu.dma_semaphore, #tpu.memory_space<semaphore_mem>>
      %dma_start3A = arith.constant 0 : i32
      %dma_start3A_72 = tpu.memref_slice %arg2[%dma_start3A, %mul3A_36] : memref<2x36864xf32, #tpu.memory_space<hbm>> -> memref<2x9216xf32, #tpu.memory_space<hbm>>
      %dma_start3A_73 = arith.constant 0 : i32
      %dma_start3A_74 = tpu.memref_slice %arg2[%dma_start3A_73, %mul3A_36] : memref<2x36864xf32, #tpu.memory_space<hbm>> -> memref<2x9216xf32, #tpu.memory_space<hbm>>
      tpu.enqueue_dma source(%dma_start3A_74 : memref<2x9216xf32, #tpu.memory_space<hbm>>) target(%arg4 : memref<2x9216xf32, #tpu.memory_space<vmem>>) target_semaphore(%run_scoped3A : memref<!tpu.dma_semaphore, #tpu.memory_space<semaphore_mem>>)
      %dma_wait3A = arith.constant 0 : i32
      %dma_wait3A_75 = tpu.memref_slice %arg2[%dma_wait3A, %mul3A_36] : memref<2x36864xf32, #tpu.memory_space<hbm>> -> memref<2x9216xf32, #tpu.memory_space<hbm>>
      %dma_wait3A_76 = arith.constant 0 : i32
      %dma_wait3A_77 = tpu.memref_slice %arg2[%dma_wait3A_76, %mul3A_36] : memref<2x36864xf32, #tpu.memory_space<hbm>> -> memref<2x9216xf32, #tpu.memory_space<hbm>>
      tpu.wait_dma2 semaphore(%run_scoped3A : memref<!tpu.dma_semaphore, #tpu.memory_space<semaphore_mem>>) src(%dma_wait3A_77 : memref<2x9216xf32, #tpu.memory_space<hbm>>) dst(%arg4 : memref<2x9216xf32, #tpu.memory_space<vmem>>)
      tpu.yield
    }) : () -> ()
    %broadcast_in_dim3A = arith.constant 0.000000e+00 : f32
    %broadcast_in_dim3A_37 = vector.broadcast %broadcast_in_dim3A : f32 to vector<16xf32>
    %scan3A = arith.constant 0 : i32
    %scan3A_38 = arith.constant 0 : i32
    %scan3A_39 = arith.constant 720 : i32
    %scan3A_40 = arith.addi %scan3A_38, %scan3A_39 : i32
    %scan3A_41 = arith.constant 1 : i32
    scf.for %scan3A_72 = %scan3A_38 to %scan3A_40 step %scan3A_41  : i32 {
      %mul3A_73 = arith.constant 8 : i32
      %mul3A_74 = arith.muli %scan3A_72, %mul3A_73 : i32
      %add3A_75 = arith.constant 0 : i32
      %add3A_76 = arith.addi %mul3A_74, %add3A_75 : i32
      %mul3A_77 = arith.constant 16 : i32
      %mul3A_78 = arith.muli %add3A_76, %mul3A_77 : i32
      %swap3A = arith.index_cast %mul3A_78 : i32 to index
      %swap3A_79 = tpu.vector_load %arg5[%swap3A] {strides = array<i32>} : memref<92160xf32, #tpu.memory_space<vmem>>, vector<16xf32>,
      tpu.vector_store %arg5[%swap3A], %broadcast_in_dim3A_37 {strides = array<i32>} : memref<92160xf32, #tpu.memory_space<vmem>>, vector<16xf32>,
      %mul3A_80 = arith.constant 8 : i32
      %mul3A_81 = arith.muli %scan3A_72, %mul3A_80 : i32
      %add3A_82 = arith.constant 1 : i32
      %add3A_83 = arith.addi %mul3A_81, %add3A_82 : i32
      %mul3A_84 = arith.constant 16 : i32
      %mul3A_85 = arith.muli %add3A_83, %mul3A_84 : i32
      %swap3A_86 = arith.index_cast %mul3A_85 : i32 to index
      %swap3A_87 = tpu.vector_load %arg5[%swap3A_86] {strides = array<i32>} : memref<92160xf32, #tpu.memory_space<vmem>>, vector<16xf32>,
      tpu.vector_store %arg5[%swap3A_86], %broadcast_in_dim3A_37 {strides = array<i32>} : memref<92160xf32, #tpu.memory_space<vmem>>, vector<16xf32>,
      %mul3A_88 = arith.constant 8 : i32
      %mul3A_89 = arith.muli %scan3A_72, %mul3A_88 : i32
      %add3A_90 = arith.constant 2 : i32
      %add3A_91 = arith.addi %mul3A_89, %add3A_90 : i32
      %mul3A_92 = arith.constant 16 : i32
      %mul3A_93 = arith.muli %add3A_91, %mul3A_92 : i32
      %swap3A_94 = arith.index_cast %mul3A_93 : i32 to index
      %swap3A_95 = tpu.vector_load %arg5[%swap3A_94] {strides = array<i32>} : memref<92160xf32, #tpu.memory_space<vmem>>, vector<16xf32>,
      tpu.vector_store %arg5[%swap3A_94], %broadcast_in_dim3A_37 {strides = array<i32>} : memref<92160xf32, #tpu.memory_space<vmem>>, vector<16xf32>,
      %mul3A_96 = arith.constant 8 : i32
      %mul3A_97 = arith.muli %scan3A_72, %mul3A_96 : i32
      %add3A_98 = arith.constant 3 : i32
      %add3A_99 = arith.addi %mul3A_97, %add3A_98 : i32
      %mul3A_100 = arith.constant 16 : i32
      %mul3A_101 = arith.muli %add3A_99, %mul3A_100 : i32
      %swap3A_102 = arith.index_cast %mul3A_101 : i32 to index
      %swap3A_103 = tpu.vector_load %arg5[%swap3A_102] {strides = array<i32>} : memref<92160xf32, #tpu.memory_space<vmem>>, vector<16xf32>,
      tpu.vector_store %arg5[%swap3A_102], %broadcast_in_dim3A_37 {strides = array<i32>} : memref<92160xf32, #tpu.memory_space<vmem>>, vector<16xf32>,
      %mul3A_104 = arith.constant 8 : i32
      %mul3A_105 = arith.muli %scan3A_72, %mul3A_104 : i32
      %add3A_106 = arith.constant 4 : i32
      %add3A_107 = arith.addi %mul3A_105, %add3A_106 : i32
      %mul3A_108 = arith.constant 16 : i32
      %mul3A_109 = arith.muli %add3A_107, %mul3A_108 : i32
      %swap3A_110 = arith.index_cast %mul3A_109 : i32 to index
      %swap3A_111 = tpu.vector_load %arg5[%swap3A_110] {strides = array<i32>} : memref<92160xf32, #tpu.memory_space<vmem>>, vector<16xf32>,
      tpu.vector_store %arg5[%swap3A_110], %broadcast_in_dim3A_37 {strides = array<i32>} : memref<92160xf32, #tpu.memory_space<vmem>>, vector<16xf32>,
      %mul3A_112 = arith.constant 8 : i32
      %mul3A_113 = arith.muli %scan3A_72, %mul3A_112 : i32
      %add3A_114 = arith.constant 5 : i32
      %add3A_115 = arith.addi %mul3A_113, %add3A_114 : i32
      %mul3A_116 = arith.constant 16 : i32
      %mul3A_117 = arith.muli %add3A_115, %mul3A_116 : i32
      %swap3A_118 = arith.index_cast %mul3A_117 : i32 to index
      %swap3A_119 = tpu.vector_load %arg5[%swap3A_118] {strides = array<i32>} : memref<92160xf32, #tpu.memory_space<vmem>>, vector<16xf32>,
      tpu.vector_store %arg5[%swap3A_118], %broadcast_in_dim3A_37 {strides = array<i32>} : memref<92160xf32, #tpu.memory_space<vmem>>, vector<16xf32>,
      %mul3A_120 = arith.constant 8 : i32
      %mul3A_121 = arith.muli %scan3A_72, %mul3A_120 : i32
      %add3A_122 = arith.constant 6 : i32
      %add3A_123 = arith.addi %mul3A_121, %add3A_122 : i32
      %mul3A_124 = arith.constant 16 : i32
      %mul3A_125 = arith.muli %add3A_123, %mul3A_124 : i32
      %swap3A_126 = arith.index_cast %mul3A_125 : i32 to index
      %swap3A_127 = tpu.vector_load %arg5[%swap3A_126] {strides = array<i32>} : memref<92160xf32, #tpu.memory_space<vmem>>, vector<16xf32>,
      tpu.vector_store %arg5[%swap3A_126], %broadcast_in_dim3A_37 {strides = array<i32>} : memref<92160xf32, #tpu.memory_space<vmem>>, vector<16xf32>,
      %mul3A_128 = arith.constant 8 : i32
      %mul3A_129 = arith.muli %scan3A_72, %mul3A_128 : i32
      %add3A_130 = arith.constant 7 : i32
      %add3A_131 = arith.addi %mul3A_129, %add3A_130 : i32
      %mul3A_132 = arith.constant 16 : i32
      %mul3A_133 = arith.muli %add3A_131, %mul3A_132 : i32
      %swap3A_134 = arith.index_cast %mul3A_133 : i32 to index
      %swap3A_135 = tpu.vector_load %arg5[%swap3A_134] {strides = array<i32>} : memref<92160xf32, #tpu.memory_space<vmem>>, vector<16xf32>,
      tpu.vector_store %arg5[%swap3A_134], %broadcast_in_dim3A_37 {strides = array<i32>} : memref<92160xf32, #tpu.memory_space<vmem>>, vector<16xf32>,
    }
    %scan3A_42 = arith.constant 720 : i32
    %scan3A_43 = arith.constant 0 : i32
    %scan3A_44 = arith.constant 0.997395813 : f32
    %scan3A_45 = arith.constant 1.915000e+02 : f32
    %scan3A_46 = arith.constant 3.830000e+02 : f32
    %scan3A_47 = arith.constant 0 : i32
    %scan3A_48 = arith.constant 72 : i32
    %scan3A_49 = arith.addi %scan3A_47, %scan3A_48 : i32
    %scan3A_50 = arith.constant 1 : i32
    scf.for %scan3A_72 = %scan3A_47 to %scan3A_49 step %scan3A_50  : i32 {
      %mul3A_73 = arith.constant 8 : i32
      %mul3A_74 = arith.muli %scan3A_72, %mul3A_73 : i32
      %add3A_75 = arith.constant 0 : i32
      %add3A_76 = arith.addi %mul3A_74, %add3A_75 : i32
      %mul3A_77 = arith.constant 16 : i32
      %mul3A_78 = arith.muli %add3A_76, %mul3A_77 : i32
      %get3A = arith.constant 1 : i32
      %get3A_79 = arith.index_cast %get3A : i32 to index
      %get3A_80 = arith.index_cast %mul3A_78 : i32 to index
      %get3A_81 = tpu.vector_load %arg4[%get3A_79, %get3A_80] {strides = array<i32>} : memref<2x9216xf32, #tpu.memory_space<vmem>>, vector<16xf32>,
      %mul3A_82 = vector.broadcast %scan3A_44 : f32 to vector<16xf32>
      %mul3A_83 = arith.mulf %get3A_81, %mul3A_82 : vector<16xf32>
      %add3A_84 = vector.broadcast %scan3A_45 : f32 to vector<16xf32>
      %add3A_85 = arith.addf %mul3A_83, %add3A_84 : vector<16xf32>
      %max3A = arith.constant 0.000000e+00 : f32
      %max3A_86 = vector.broadcast %max3A : f32 to vector<16xf32>
      %max3A_87 = arith.maximumf %add3A_85, %max3A_86 : vector<16xf32>
      %min3A = vector.broadcast %scan3A_46 : f32 to vector<16xf32>
      %min3A_88 = arith.minimumf %max3A_87, %min3A : vector<16xf32>
      %convert_element_type3A = arith.fptosi %min3A_88 : vector<16xf32> to vector<16xi32>
      %ge3A = vector.broadcast %mul3A_32 : i32 to vector<16xi32>
      %ge3A_89 = arith.cmpi sge, %convert_element_type3A, %ge3A : vector<16xi32>
      %lt3A_90 = vector.broadcast %add3A_34 : i32 to vector<16xi32>
      %lt3A_91 = arith.cmpi slt, %convert_element_type3A, %lt3A_90 : vector<16xi32>
      %and3A_92 = arith.andi %ge3A_89, %lt3A_91 : vector<16xi1>
      %add3A_93 = arith.constant 1 : i32
      %add3A_94 = vector.broadcast %add3A_93 : i32 to vector<16xi32>
      %add3A_95 = arith.addi %convert_element_type3A, %add3A_94 : vector<16xi32>
      %ge3A_96 = vector.broadcast %mul3A_32 : i32 to vector<16xi32>
      %ge3A_97 = arith.cmpi sge, %add3A_95, %ge3A_96 : vector<16xi32>
      %lt3A_98 = vector.broadcast %add3A_34 : i32 to vector<16xi32>
      %lt3A_99 = arith.cmpi slt, %add3A_95, %lt3A_98 : vector<16xi32>
      %and3A_100 = arith.andi %ge3A_97, %lt3A_99 : vector<16xi1>
      %get3A_101 = arith.constant 0 : i32
      %get3A_102 = arith.index_cast %get3A_101 : i32 to index
      %get3A_103 = arith.index_cast %mul3A_78 : i32 to index
      %get3A_104 = tpu.vector_load %arg4[%get3A_102, %get3A_103] {strides = array<i32>} : memref<2x9216xf32, #tpu.memory_space<vmem>>, vector<16xf32>,
      %mul3A_105 = vector.broadcast %scan3A_44 : f32 to vector<16xf32>
      %mul3A_106 = arith.mulf %get3A_104, %mul3A_105 : vector<16xf32>
      %add3A_107 = vector.broadcast %scan3A_45 : f32 to vector<16xf32>
      %add3A_108 = arith.addf %mul3A_106, %add3A_107 : vector<16xf32>
      %max3A_109 = arith.constant 0.000000e+00 : f32
      %max3A_110 = vector.broadcast %max3A_109 : f32 to vector<16xf32>
      %max3A_111 = arith.maximumf %add3A_108, %max3A_110 : vector<16xf32>
      %min3A_112 = vector.broadcast %scan3A_46 : f32 to vector<16xf32>
      %min3A_113 = arith.minimumf %max3A_111, %min3A_112 : vector<16xf32>
      %convert_element_type3A_114 = arith.fptosi %min3A_113 : vector<16xf32> to vector<16xi32>
      %convert_element_type3A_115 = arith.sitofp %convert_element_type3A_114 : vector<16xi32> to vector<16xf32>
      %sub3A_116 = arith.subf %min3A_113, %convert_element_type3A_115 : vector<16xf32>
      %convert_element_type3A_117 = arith.sitofp %convert_element_type3A : vector<16xi32> to vector<16xf32>
      %sub3A_118 = arith.subf %min3A_88, %convert_element_type3A_117 : vector<16xf32>
      %sub3A_119 = arith.constant 1.000000e+00 : f32
      %sub3A_120 = vector.broadcast %sub3A_119 : f32 to vector<16xf32>
      %sub3A_121 = arith.subf %sub3A_120, %sub3A_116 : vector<16xf32>
      %sub3A_122 = arith.constant 1.000000e+00 : f32
      %sub3A_123 = vector.broadcast %sub3A_122 : f32 to vector<16xf32>
      %sub3A_124 = arith.subf %sub3A_123, %sub3A_118 : vector<16xf32>
      %mul3A_125 = arith.mulf %sub3A_124, %sub3A_121 : vector<16xf32>
      %mul3A_126 = arith.mulf %sub3A_124, %sub3A_116 : vector<16xf32>
      %mul3A_127 = arith.mulf %sub3A_118, %sub3A_121 : vector<16xf32>
      %mul3A_128 = arith.mulf %sub3A_118, %sub3A_116 : vector<16xf32>
      %sub3A_129 = vector.broadcast %mul3A_32 : i32 to vector<16xi32>
      %sub3A_130 = arith.subi %convert_element_type3A, %sub3A_129 : vector<16xi32>
      %mul3A_131 = arith.constant 384 : i32
      %mul3A_132 = vector.broadcast %mul3A_131 : i32 to vector<16xi32>
      %mul3A_133 = arith.muli %sub3A_130, %mul3A_132 : vector<16xi32>
      %add3A_134 = arith.addi %mul3A_133, %convert_element_type3A_114 : vector<16xi32>
      %mul3A_135 = arith.mulf %mul3A_125, %mul3A_125 : vector<16xf32>
      tpu.vector_store_idx %arg5[%add3A_134], %mul3A_135 masked %and3A_92 {add = true} : memref<92160xf32, #tpu.memory_space<vmem>>[vector<16xi32>], vector<16xf32>, vector<16xi1>
      %add3A_136 = arith.constant 18432 : i32
      %add3A_137 = vector.broadcast %add3A_136 : i32 to vector<16xi32>
      %add3A_138 = arith.addi %add3A_134, %add3A_137 : vector<16xi32>
      %mul3A_139 = arith.mulf %mul3A_125, %mul3A_126 : vector<16xf32>
      tpu.vector_store_idx %arg5[%add3A_138], %mul3A_139 masked %and3A_92 {add = true} : memref<92160xf32, #tpu.memory_space<vmem>>[vector<16xi32>], vector<16xf32>, vector<16xi1>
      %add3A_140 = arith.constant 36864 : i32
      %add3A_141 = vector.broadcast %add3A_140 : i32 to vector<16xi32>
      %add3A_142 = arith.addi %add3A_134, %add3A_141 : vector<16xi32>
      %mul3A_143 = arith.mulf %mul3A_125, %mul3A_127 : vector<16xf32>
      tpu.vector_store_idx %arg5[%add3A_142], %mul3A_143 masked %and3A_92 {add = true} : memref<92160xf32, #tpu.memory_space<vmem>>[vector<16xi32>], vector<16xf32>, vector<16xi1>
      %add3A_144 = arith.constant 55296 : i32
      %add3A_145 = vector.broadcast %add3A_144 : i32 to vector<16xi32>
      %add3A_146 = arith.addi %add3A_134, %add3A_145 : vector<16xi32>
      %mul3A_147 = arith.mulf %mul3A_125, %mul3A_128 : vector<16xf32>
      tpu.vector_store_idx %arg5[%add3A_146], %mul3A_147 masked %and3A_92 {add = true} : memref<92160xf32, #tpu.memory_space<vmem>>[vector<16xi32>], vector<16xf32>, vector<16xi1>
      %add3A_148 = arith.constant 1 : i32
      %add3A_149 = vector.broadcast %add3A_148 : i32 to vector<16xi32>
      %add3A_150 = arith.addi %add3A_134, %add3A_149 : vector<16xi32>
      %mul3A_151 = arith.mulf %mul3A_126, %mul3A_126 : vector<16xf32>
      tpu.vector_store_idx %arg5[%add3A_150], %mul3A_151 masked %and3A_92 {add = true} : memref<92160xf32, #tpu.memory_space<vmem>>[vector<16xi32>], vector<16xf32>, vector<16xi1>
      %add3A_152 = arith.constant 1 : i32
      %add3A_153 = vector.broadcast %add3A_152 : i32 to vector<16xi32>
      %add3A_154 = arith.addi %add3A_134, %add3A_153 : vector<16xi32>
      %add3A_155 = arith.constant 73728 : i32
      %add3A_156 = vector.broadcast %add3A_155 : i32 to vector<16xi32>
      %add3A_157 = arith.addi %add3A_154, %add3A_156 : vector<16xi32>
      %mul3A_158 = arith.mulf %mul3A_126, %mul3A_127 : vector<16xf32>
      tpu.vector_store_idx %arg5[%add3A_157], %mul3A_158 masked %and3A_92 {add = true} : memref<92160xf32, #tpu.memory_space<vmem>>[vector<16xi32>], vector<16xf32>, vector<16xi1>
      %add3A_159 = arith.constant 1 : i32
      %add3A_160 = vector.broadcast %add3A_159 : i32 to vector<16xi32>
      %add3A_161 = arith.addi %add3A_134, %add3A_160 : vector<16xi32>
      %add3A_162 = arith.constant 36864 : i32
      %add3A_163 = vector.broadcast %add3A_162 : i32 to vector<16xi32>
      %add3A_164 = arith.addi %add3A_161, %add3A_163 : vector<16xi32>
      %mul3A_165 = arith.mulf %mul3A_126, %mul3A_128 : vector<16xf32>
      tpu.vector_store_idx %arg5[%add3A_164], %mul3A_165 masked %and3A_92 {add = true} : memref<92160xf32, #tpu.memory_space<vmem>>[vector<16xi32>], vector<16xf32>, vector<16xi1>
      %add3A_166 = arith.constant 384 : i32
      %add3A_167 = vector.broadcast %add3A_166 : i32 to vector<16xi32>
      %add3A_168 = arith.addi %add3A_134, %add3A_167 : vector<16xi32>
      %mul3A_169 = arith.mulf %mul3A_127, %mul3A_127 : vector<16xf32>
      tpu.vector_store_idx %arg5[%add3A_168], %mul3A_169 masked %and3A_100 {add = true} : memref<92160xf32, #tpu.memory_space<vmem>>[vector<16xi32>], vector<16xf32>, vector<16xi1>
      %add3A_170 = arith.constant 384 : i32
      %add3A_171 = vector.broadcast %add3A_170 : i32 to vector<16xi32>
      %add3A_172 = arith.addi %add3A_134, %add3A_171 : vector<16xi32>
      %add3A_173 = arith.constant 18432 : i32
      %add3A_174 = vector.broadcast %add3A_173 : i32 to vector<16xi32>
      %add3A_175 = arith.addi %add3A_172, %add3A_174 : vector<16xi32>
      %mul3A_176 = arith.mulf %mul3A_127, %mul3A_128 : vector<16xf32>
      tpu.vector_store_idx %arg5[%add3A_175], %mul3A_176 masked %and3A_100 {add = true} : memref<92160xf32, #tpu.memory_space<vmem>>[vector<16xi32>], vector<16xf32>, vector<16xi1>
      %add3A_177 = arith.constant 384 : i32
      %add3A_178 = vector.broadcast %add3A_177 : i32 to vector<16xi32>
      %add3A_179 = arith.addi %add3A_134, %add3A_178 : vector<16xi32>
      %add3A_180 = arith.constant 1 : i32
      %add3A_181 = vector.broadcast %add3A_180 : i32 to vector<16xi32>
      %add3A_182 = arith.addi %add3A_179, %add3A_181 : vector<16xi32>
      %mul3A_183 = arith.mulf %mul3A_128, %mul3A_128 : vector<16xf32>
      tpu.vector_store_idx %arg5[%add3A_182], %mul3A_183 masked %and3A_100 {add = true} : memref<92160xf32, #tpu.memory_space<vmem>>[vector<16xi32>], vector<16xf32>, vector<16xi1>
      %mul3A_184 = arith.constant 8 : i32
      %mul3A_185 = arith.muli %scan3A_72, %mul3A_184 : i32
      %add3A_186 = arith.constant 1 : i32
      %add3A_187 = arith.addi %mul3A_185, %add3A_186 : i32
      %mul3A_188 = arith.constant 16 : i32
      %mul3A_189 = arith.muli %add3A_187, %mul3A_188 : i32
      %get3A_190 = arith.constant 1 : i32
      %get3A_191 = arith.index_cast %get3A_190 : i32 to index
      %get3A_192 = arith.index_cast %mul3A_189 : i32 to index
      %get3A_193 = tpu.vector_load %arg4[%get3A_191, %get3A_192] {strides = array<i32>} : memref<2x9216xf32, #tpu.memory_space<vmem>>, vector<16xf32>,
      %mul3A_194 = vector.broadcast %scan3A_44 : f32 to vector<16xf32>
      %mul3A_195 = arith.mulf %get3A_193, %mul3A_194 : vector<16xf32>
      %add3A_196 = vector.broadcast %scan3A_45 : f32 to vector<16xf32>
      %add3A_197 = arith.addf %mul3A_195, %add3A_196 : vector<16xf32>
      %max3A_198 = arith.constant 0.000000e+00 : f32
      %max3A_199 = vector.broadcast %max3A_198 : f32 to vector<16xf32>
      %max3A_200 = arith.maximumf %add3A_197, %max3A_199 : vector<16xf32>
      %min3A_201 = vector.broadcast %scan3A_46 : f32 to vector<16xf32>
      %min3A_202 = arith.minimumf %max3A_200, %min3A_201 : vector<16xf32>
      %convert_element_type3A_203 = arith.fptosi %min3A_202 : vector<16xf32> to vector<16xi32>
      %ge3A_204 = vector.broadcast %mul3A_32 : i32 to vector<16xi32>
      %ge3A_205 = arith.cmpi sge, %convert_element_type3A_203, %ge3A_204 : vector<16xi32>
      %lt3A_206 = vector.broadcast %add3A_34 : i32 to vector<16xi32>
      %lt3A_207 = arith.cmpi slt, %convert_element_type3A_203, %lt3A_206 : vector<16xi32>
      %and3A_208 = arith.andi %ge3A_205, %lt3A_207 : vector<16xi1>
      %add3A_209 = arith.constant 1 : i32
      %add3A_210 = vector.broadcast %add3A_209 : i32 to vector<16xi32>
      %add3A_211 = arith.addi %convert_element_type3A_203, %add3A_210 : vector<16xi32>
      %ge3A_212 = vector.broadcast %mul3A_32 : i32 to vector<16xi32>
      %ge3A_213 = arith.cmpi sge, %add3A_211, %ge3A_212 : vector<16xi32>
      %lt3A_214 = vector.broadcast %add3A_34 : i32 to vector<16xi32>
      %lt3A_215 = arith.cmpi slt, %add3A_211, %lt3A_214 : vector<16xi32>
      %and3A_216 = arith.andi %ge3A_213, %lt3A_215 : vector<16xi1>
      %get3A_217 = arith.constant 0 : i32
      %get3A_218 = arith.index_cast %get3A_217 : i32 to index
      %get3A_219 = arith.index_cast %mul3A_189 : i32 to index
      %get3A_220 = tpu.vector_load %arg4[%get3A_218, %get3A_219] {strides = array<i32>} : memref<2x9216xf32, #tpu.memory_space<vmem>>, vector<16xf32>,
      %mul3A_221 = vector.broadcast %scan3A_44 : f32 to vector<16xf32>
      %mul3A_222 = arith.mulf %get3A_220, %mul3A_221 : vector<16xf32>
      %add3A_223 = vector.broadcast %scan3A_45 : f32 to vector<16xf32>
      %add3A_224 = arith.addf %mul3A_222, %add3A_223 : vector<16xf32>
      %max3A_225 = arith.constant 0.000000e+00 : f32
      %max3A_226 = vector.broadcast %max3A_225 : f32 to vector<16xf32>
      %max3A_227 = arith.maximumf %add3A_224, %max3A_226 : vector<16xf32>
      %min3A_228 = vector.broadcast %scan3A_46 : f32 to vector<16xf32>
      %min3A_229 = arith.minimumf %max3A_227, %min3A_228 : vector<16xf32>
      %convert_element_type3A_230 = arith.fptosi %min3A_229 : vector<16xf32> to vector<16xi32>
      %convert_element_type3A_231 = arith.sitofp %convert_element_type3A_230 : vector<16xi32> to vector<16xf32>
      %sub3A_232 = arith.subf %min3A_229, %convert_element_type3A_231 : vector<16xf32>
      %convert_element_type3A_233 = arith.sitofp %convert_element_type3A_203 : vector<16xi32> to vector<16xf32>
      %sub3A_234 = arith.subf %min3A_202, %convert_element_type3A_233 : vector<16xf32>
      %sub3A_235 = arith.constant 1.000000e+00 : f32
      %sub3A_236 = vector.broadcast %sub3A_235 : f32 to vector<16xf32>
      %sub3A_237 = arith.subf %sub3A_236, %sub3A_232 : vector<16xf32>
      %sub3A_238 = arith.constant 1.000000e+00 : f32
      %sub3A_239 = vector.broadcast %sub3A_238 : f32 to vector<16xf32>
      %sub3A_240 = arith.subf %sub3A_239, %sub3A_234 : vector<16xf32>
      %mul3A_241 = arith.mulf %sub3A_240, %sub3A_237 : vector<16xf32>
      %mul3A_242 = arith.mulf %sub3A_240, %sub3A_232 : vector<16xf32>
      %mul3A_243 = arith.mulf %sub3A_234, %sub3A_237 : vector<16xf32>
      %mul3A_244 = arith.mulf %sub3A_234, %sub3A_232 : vector<16xf32>
      %sub3A_245 = vector.broadcast %mul3A_32 : i32 to vector<16xi32>
      %sub3A_246 = arith.subi %convert_element_type3A_203, %sub3A_245 : vector<16xi32>
      %mul3A_247 = arith.constant 384 : i32
      %mul3A_248 = vector.broadcast %mul3A_247 : i32 to vector<16xi32>
      %mul3A_249 = arith.muli %sub3A_246, %mul3A_248 : vector<16xi32>
      %add3A_250 = arith.addi %mul3A_249, %convert_element_type3A_230 : vector<16xi32>
      %mul3A_251 = arith.mulf %mul3A_241, %mul3A_241 : vector<16xf32>
      tpu.vector_store_idx %arg5[%add3A_250], %mul3A_251 masked %and3A_208 {add = true} : memref<92160xf32, #tpu.memory_space<vmem>>[vector<16xi32>], vector<16xf32>, vector<16xi1>
      %add3A_252 = arith.constant 18432 : i32
      %add3A_253 = vector.broadcast %add3A_252 : i32 to vector<16xi32>
      %add3A_254 = arith.addi %add3A_250, %add3A_253 : vector<16xi32>
      %mul3A_255 = arith.mulf %mul3A_241, %mul3A_242 : vector<16xf32>
      tpu.vector_store_idx %arg5[%add3A_254], %mul3A_255 masked %and3A_208 {add = true} : memref<92160xf32, #tpu.memory_space<vmem>>[vector<16xi32>], vector<16xf32>, vector<16xi1>
      %add3A_256 = arith.constant 36864 : i32
      %add3A_257 = vector.broadcast %add3A_256 : i32 to vector<16xi32>
      %add3A_258 = arith.addi %add3A_250, %add3A_257 : vector<16xi32>
      %mul3A_259 = arith.mulf %mul3A_241, %mul3A_243 : vector<16xf32>
      tpu.vector_store_idx %arg5[%add3A_258], %mul3A_259 masked %and3A_208 {add = true} : memref<92160xf32, #tpu.memory_space<vmem>>[vector<16xi32>], vector<16xf32>, vector<16xi1>
      %add3A_260 = arith.constant 55296 : i32
      %add3A_261 = vector.broadcast %add3A_260 : i32 to vector<16xi32>
      %add3A_262 = arith.addi %add3A_250, %add3A_261 : vector<16xi32>
      %mul3A_263 = arith.mulf %mul3A_241, %mul3A_244 : vector<16xf32>
      tpu.vector_store_idx %arg5[%add3A_262], %mul3A_263 masked %and3A_208 {add = true} : memref<92160xf32, #tpu.memory_space<vmem>>[vector<16xi32>], vector<16xf32>, vector<16xi1>
      %add3A_264 = arith.constant 1 : i32
      %add3A_265 = vector.broadcast %add3A_264 : i32 to vector<16xi32>
      %add3A_266 = arith.addi %add3A_250, %add3A_265 : vector<16xi32>
      %mul3A_267 = arith.mulf %mul3A_242, %mul3A_242 : vector<16xf32>
      tpu.vector_store_idx %arg5[%add3A_266], %mul3A_267 masked %and3A_208 {add = true} : memref<92160xf32, #tpu.memory_space<vmem>>[vector<16xi32>], vector<16xf32>, vector<16xi1>
      %add3A_268 = arith.constant 1 : i32
      %add3A_269 = vector.broadcast %add3A_268 : i32 to vector<16xi32>
      %add3A_270 = arith.addi %add3A_250, %add3A_269 : vector<16xi32>
      %add3A_271 = arith.constant 73728 : i32
      %add3A_272 = vector.broadcast %add3A_271 : i32 to vector<16xi32>
      %add3A_273 = arith.addi %add3A_270, %add3A_272 : vector<16xi32>
      %mul3A_274 = arith.mulf %mul3A_242, %mul3A_243 : vector<16xf32>
      tpu.vector_store_idx %arg5[%add3A_273], %mul3A_274 masked %and3A_208 {add = true} : memref<92160xf32, #tpu.memory_space<vmem>>[vector<16xi32>], vector<16xf32>, vector<16xi1>
      %add3A_275 = arith.constant 1 : i32
      %add3A_276 = vector.broadcast %add3A_275 : i32 to vector<16xi32>
      %add3A_277 = arith.addi %add3A_250, %add3A_276 : vector<16xi32>
      %add3A_278 = arith.constant 36864 : i32
      %add3A_279 = vector.broadcast %add3A_278 : i32 to vector<16xi32>
      %add3A_280 = arith.addi %add3A_277, %add3A_279 : vector<16xi32>
      %mul3A_281 = arith.mulf %mul3A_242, %mul3A_244 : vector<16xf32>
      tpu.vector_store_idx %arg5[%add3A_280], %mul3A_281 masked %and3A_208 {add = true} : memref<92160xf32, #tpu.memory_space<vmem>>[vector<16xi32>], vector<16xf32>, vector<16xi1>
      %add3A_282 = arith.constant 384 : i32
      %add3A_283 = vector.broadcast %add3A_282 : i32 to vector<16xi32>
      %add3A_284 = arith.addi %add3A_250, %add3A_283 : vector<16xi32>
      %mul3A_285 = arith.mulf %mul3A_243, %mul3A_243 : vector<16xf32>
      tpu.vector_store_idx %arg5[%add3A_284], %mul3A_285 masked %and3A_216 {add = true} : memref<92160xf32, #tpu.memory_space<vmem>>[vector<16xi32>], vector<16xf32>, vector<16xi1>
      %add3A_286 = arith.constant 384 : i32
      %add3A_287 = vector.broadcast %add3A_286 : i32 to vector<16xi32>
      %add3A_288 = arith.addi %add3A_250, %add3A_287 : vector<16xi32>
      %add3A_289 = arith.constant 18432 : i32
      %add3A_290 = vector.broadcast %add3A_289 : i32 to vector<16xi32>
      %add3A_291 = arith.addi %add3A_288, %add3A_290 : vector<16xi32>
      %mul3A_292 = arith.mulf %mul3A_243, %mul3A_244 : vector<16xf32>
      tpu.vector_store_idx %arg5[%add3A_291], %mul3A_292 masked %and3A_216 {add = true} : memref<92160xf32, #tpu.memory_space<vmem>>[vector<16xi32>], vector<16xf32>, vector<16xi1>
      %add3A_293 = arith.constant 384 : i32
      %add3A_294 = vector.broadcast %add3A_293 : i32 to vector<16xi32>
      %add3A_295 = arith.addi %add3A_250, %add3A_294 : vector<16xi32>
      %add3A_296 = arith.constant 1 : i32
      %add3A_297 = vector.broadcast %add3A_296 : i32 to vector<16xi32>
      %add3A_298 = arith.addi %add3A_295, %add3A_297 : vector<16xi32>
      %mul3A_299 = arith.mulf %mul3A_244, %mul3A_244 : vector<16xf32>
      tpu.vector_store_idx %arg5[%add3A_298], %mul3A_299 masked %and3A_216 {add = true} : memref<92160xf32, #tpu.memory_space<vmem>>[vector<16xi32>], vector<16xf32>, vector<16xi1>
      %mul3A_300 = arith.constant 8 : i32
      %mul3A_301 = arith.muli %scan3A_72, %mul3A_300 : i32
      %add3A_302 = arith.constant 2 : i32
      %add3A_303 = arith.addi %mul3A_301, %add3A_302 : i32
      %mul3A_304 = arith.constant 16 : i32
      %mul3A_305 = arith.muli %add3A_303, %mul3A_304 : i32
      %get3A_306 = arith.constant 1 : i32
      %get3A_307 = arith.index_cast %get3A_306 : i32 to index
      %get3A_308 = arith.index_cast %mul3A_305 : i32 to index
      %get3A_309 = tpu.vector_load %arg4[%get3A_307, %get3A_308] {strides = array<i32>} : memref<2x9216xf32, #tpu.memory_space<vmem>>, vector<16xf32>,
      %mul3A_310 = vector.broadcast %scan3A_44 : f32 to vector<16xf32>
      %mul3A_311 = arith.mulf %get3A_309, %mul3A_310 : vector<16xf32>
      %add3A_312 = vector.broadcast %scan3A_45 : f32 to vector<16xf32>
      %add3A_313 = arith.addf %mul3A_311, %add3A_312 : vector<16xf32>
      %max3A_314 = arith.constant 0.000000e+00 : f32
      %max3A_315 = vector.broadcast %max3A_314 : f32 to vector<16xf32>
      %max3A_316 = arith.maximumf %add3A_313, %max3A_315 : vector<16xf32>
      %min3A_317 = vector.broadcast %scan3A_46 : f32 to vector<16xf32>
      %min3A_318 = arith.minimumf %max3A_316, %min3A_317 : vector<16xf32>
      %convert_element_type3A_319 = arith.fptosi %min3A_318 : vector<16xf32> to vector<16xi32>
      %ge3A_320 = vector.broadcast %mul3A_32 : i32 to vector<16xi32>
      %ge3A_321 = arith.cmpi sge, %convert_element_type3A_319, %ge3A_320 : vector<16xi32>
      %lt3A_322 = vector.broadcast %add3A_34 : i32 to vector<16xi32>
      %lt3A_323 = arith.cmpi slt, %convert_element_type3A_319, %lt3A_322 : vector<16xi32>
      %and3A_324 = arith.andi %ge3A_321, %lt3A_323 : vector<16xi1>
      %add3A_325 = arith.constant 1 : i32
      %add3A_326 = vector.broadcast %add3A_325 : i32 to vector<16xi32>
      %add3A_327 = arith.addi %convert_element_type3A_319, %add3A_326 : vector<16xi32>
      %ge3A_328 = vector.broadcast %mul3A_32 : i32 to vector<16xi32>
      %ge3A_329 = arith.cmpi sge, %add3A_327, %ge3A_328 : vector<16xi32>
      %lt3A_330 = vector.broadcast %add3A_34 : i32 to vector<16xi32>
      %lt3A_331 = arith.cmpi slt, %add3A_327, %lt3A_330 : vector<16xi32>
      %and3A_332 = arith.andi %ge3A_329, %lt3A_331 : vector<16xi1>
      %get3A_333 = arith.constant 0 : i32
      %get3A_334 = arith.index_cast %get3A_333 : i32 to index
      %get3A_335 = arith.index_cast %mul3A_305 : i32 to index
      %get3A_336 = tpu.vector_load %arg4[%get3A_334, %get3A_335] {strides = array<i32>} : memref<2x9216xf32, #tpu.memory_space<vmem>>, vector<16xf32>,
      %mul3A_337 = vector.broadcast %scan3A_44 : f32 to vector<16xf32>
      %mul3A_338 = arith.mulf %get3A_336, %mul3A_337 : vector<16xf32>
      %add3A_339 = vector.broadcast %scan3A_45 : f32 to vector<16xf32>
      %add3A_340 = arith.addf %mul3A_338, %add3A_339 : vector<16xf32>
      %max3A_341 = arith.constant 0.000000e+00 : f32
      %max3A_342 = vector.broadcast %max3A_341 : f32 to vector<16xf32>
      %max3A_343 = arith.maximumf %add3A_340, %max3A_342 : vector<16xf32>
      %min3A_344 = vector.broadcast %scan3A_46 : f32 to vector<16xf32>
      %min3A_345 = arith.minimumf %max3A_343, %min3A_344 : vector<16xf32>
      %convert_element_type3A_346 = arith.fptosi %min3A_345 : vector<16xf32> to vector<16xi32>
      %convert_element_type3A_347 = arith.sitofp %convert_element_type3A_346 : vector<16xi32> to vector<16xf32>
      %sub3A_348 = arith.subf %min3A_345, %convert_element_type3A_347 : vector<16xf32>
      %convert_element_type3A_349 = arith.sitofp %convert_element_type3A_319 : vector<16xi32> to vector<16xf32>
      %sub3A_350 = arith.subf %min3A_318, %convert_element_type3A_349 : vector<16xf32>
      %sub3A_351 = arith.constant 1.000000e+00 : f32
      %sub3A_352 = vector.broadcast %sub3A_351 : f32 to vector<16xf32>
      %sub3A_353 = arith.subf %sub3A_352, %sub3A_348 : vector<16xf32>
      %sub3A_354 = arith.constant 1.000000e+00 : f32
      %sub3A_355 = vector.broadcast %sub3A_354 : f32 to vector<16xf32>
      %sub3A_356 = arith.subf %sub3A_355, %sub3A_350 : vector<16xf32>
      %mul3A_357 = arith.mulf %sub3A_356, %sub3A_353 : vector<16xf32>
      %mul3A_358 = arith.mulf %sub3A_356, %sub3A_348 : vector<16xf32>
      %mul3A_359 = arith.mulf %sub3A_350, %sub3A_353 : vector<16xf32>
      %mul3A_360 = arith.mulf %sub3A_350, %sub3A_348 : vector<16xf32>
      %sub3A_361 = vector.broadcast %mul3A_32 : i32 to vector<16xi32>
      %sub3A_362 = arith.subi %convert_element_type3A_319, %sub3A_361 : vector<16xi32>
      %mul3A_363 = arith.constant 384 : i32
      %mul3A_364 = vector.broadcast %mul3A_363 : i32 to vector<16xi32>
      %mul3A_365 = arith.muli %sub3A_362, %mul3A_364 : vector<16xi32>
      %add3A_366 = arith.addi %mul3A_365, %convert_element_type3A_346 : vector<16xi32>
      %mul3A_367 = arith.mulf %mul3A_357, %mul3A_357 : vector<16xf32>
      tpu.vector_store_idx %arg5[%add3A_366], %mul3A_367 masked %and3A_324 {add = true} : memref<92160xf32, #tpu.memory_space<vmem>>[vector<16xi32>], vector<16xf32>, vector<16xi1>
      %add3A_368 = arith.constant 18432 : i32
      %add3A_369 = vector.broadcast %add3A_368 : i32 to vector<16xi32>
      %add3A_370 = arith.addi %add3A_366, %add3A_369 : vector<16xi32>
      %mul3A_371 = arith.mulf %mul3A_357, %mul3A_358 : vector<16xf32>
      tpu.vector_store_idx %arg5[%add3A_370], %mul3A_371 masked %and3A_324 {add = true} : memref<92160xf32, #tpu.memory_space<vmem>>[vector<16xi32>], vector<16xf32>, vector<16xi1>
      %add3A_372 = arith.constant 36864 : i32
      %add3A_373 = vector.broadcast %add3A_372 : i32 to vector<16xi32>
      %add3A_374 = arith.addi %add3A_366, %add3A_373 : vector<16xi32>
      %mul3A_375 = arith.mulf %mul3A_357, %mul3A_359 : vector<16xf32>
      tpu.vector_store_idx %arg5[%add3A_374], %mul3A_375 masked %and3A_324 {add = true} : memref<92160xf32, #tpu.memory_space<vmem>>[vector<16xi32>], vector<16xf32>, vector<16xi1>
      %add3A_376 = arith.constant 55296 : i32
      %add3A_377 = vector.broadcast %add3A_376 : i32 to vector<16xi32>
      %add3A_378 = arith.addi %add3A_366, %add3A_377 : vector<16xi32>
      %mul3A_379 = arith.mulf %mul3A_357, %mul3A_360 : vector<16xf32>
      tpu.vector_store_idx %arg5[%add3A_378], %mul3A_379 masked %and3A_324 {add = true} : memref<92160xf32, #tpu.memory_space<vmem>>[vector<16xi32>], vector<16xf32>, vector<16xi1>
      %add3A_380 = arith.constant 1 : i32
      %add3A_381 = vector.broadcast %add3A_380 : i32 to vector<16xi32>
      %add3A_382 = arith.addi %add3A_366, %add3A_381 : vector<16xi32>
      %mul3A_383 = arith.mulf %mul3A_358, %mul3A_358 : vector<16xf32>
      tpu.vector_store_idx %arg5[%add3A_382], %mul3A_383 masked %and3A_324 {add = true} : memref<92160xf32, #tpu.memory_space<vmem>>[vector<16xi32>], vector<16xf32>, vector<16xi1>
      %add3A_384 = arith.constant 1 : i32
      %add3A_385 = vector.broadcast %add3A_384 : i32 to vector<16xi32>
      %add3A_386 = arith.addi %add3A_366, %add3A_385 : vector<16xi32>
      %add3A_387 = arith.constant 73728 : i32
      %add3A_388 = vector.broadcast %add3A_387 : i32 to vector<16xi32>
      %add3A_389 = arith.addi %add3A_386, %add3A_388 : vector<16xi32>
      %mul3A_390 = arith.mulf %mul3A_358, %mul3A_359 : vector<16xf32>
      tpu.vector_store_idx %arg5[%add3A_389], %mul3A_390 masked %and3A_324 {add = true} : memref<92160xf32, #tpu.memory_space<vmem>>[vector<16xi32>], vector<16xf32>, vector<16xi1>
      %add3A_391 = arith.constant 1 : i32
      %add3A_392 = vector.broadcast %add3A_391 : i32 to vector<16xi32>
      %add3A_393 = arith.addi %add3A_366, %add3A_392 : vector<16xi32>
      %add3A_394 = arith.constant 36864 : i32
      %add3A_395 = vector.broadcast %add3A_394 : i32 to vector<16xi32>
      %add3A_396 = arith.addi %add3A_393, %add3A_395 : vector<16xi32>
      %mul3A_397 = arith.mulf %mul3A_358, %mul3A_360 : vector<16xf32>
      tpu.vector_store_idx %arg5[%add3A_396], %mul3A_397 masked %and3A_324 {add = true} : memref<92160xf32, #tpu.memory_space<vmem>>[vector<16xi32>], vector<16xf32>, vector<16xi1>
      %add3A_398 = arith.constant 384 : i32
      %add3A_399 = vector.broadcast %add3A_398 : i32 to vector<16xi32>
      %add3A_400 = arith.addi %add3A_366, %add3A_399 : vector<16xi32>
      %mul3A_401 = arith.mulf %mul3A_359, %mul3A_359 : vector<16xf32>
      tpu.vector_store_idx %arg5[%add3A_400], %mul3A_401 masked %and3A_332 {add = true} : memref<92160xf32, #tpu.memory_space<vmem>>[vector<16xi32>], vector<16xf32>, vector<16xi1>
      %add3A_402 = arith.constant 384 : i32
      %add3A_403 = vector.broadcast %add3A_402 : i32 to vector<16xi32>
      %add3A_404 = arith.addi %add3A_366, %add3A_403 : vector<16xi32>
      %add3A_405 = arith.constant 18432 : i32
      %add3A_406 = vector.broadcast %add3A_405 : i32 to vector<16xi32>
      %add3A_407 = arith.addi %add3A_404, %add3A_406 : vector<16xi32>
      %mul3A_408 = arith.mulf %mul3A_359, %mul3A_360 : vector<16xf32>
      tpu.vector_store_idx %arg5[%add3A_407], %mul3A_408 masked %and3A_332 {add = true} : memref<92160xf32, #tpu.memory_space<vmem>>[vector<16xi32>], vector<16xf32>, vector<16xi1>
      %add3A_409 = arith.constant 384 : i32
      %add3A_410 = vector.broadcast %add3A_409 : i32 to vector<16xi32>
      %add3A_411 = arith.addi %add3A_366, %add3A_410 : vector<16xi32>
      %add3A_412 = arith.constant 1 : i32
      %add3A_413 = vector.broadcast %add3A_412 : i32 to vector<16xi32>
      %add3A_414 = arith.addi %add3A_411, %add3A_413 : vector<16xi32>
      %mul3A_415 = arith.mulf %mul3A_360, %mul3A_360 : vector<16xf32>
      tpu.vector_store_idx %arg5[%add3A_414], %mul3A_415 masked %and3A_332 {add = true} : memref<92160xf32, #tpu.memory_space<vmem>>[vector<16xi32>], vector<16xf32>, vector<16xi1>
      %mul3A_416 = arith.constant 8 : i32
      %mul3A_417 = arith.muli %scan3A_72, %mul3A_416 : i32
      %add3A_418 = arith.constant 3 : i32
      %add3A_419 = arith.addi %mul3A_417, %add3A_418 : i32
      %mul3A_420 = arith.constant 16 : i32
      %mul3A_421 = arith.muli %add3A_419, %mul3A_420 : i32
      %get3A_422 = arith.constant 1 : i32
      %get3A_423 = arith.index_cast %get3A_422 : i32 to index
      %get3A_424 = arith.index_cast %mul3A_421 : i32 to index
      %get3A_425 = tpu.vector_load %arg4[%get3A_423, %get3A_424] {strides = array<i32>} : memref<2x9216xf32, #tpu.memory_space<vmem>>, vector<16xf32>,
      %mul3A_426 = vector.broadcast %scan3A_44 : f32 to vector<16xf32>
      %mul3A_427 = arith.mulf %get3A_425, %mul3A_426 : vector<16xf32>
      %add3A_428 = vector.broadcast %scan3A_45 : f32 to vector<16xf32>
      %add3A_429 = arith.addf %mul3A_427, %add3A_428 : vector<16xf32>
      %max3A_430 = arith.constant 0.000000e+00 : f32
      %max3A_431 = vector.broadcast %max3A_430 : f32 to vector<16xf32>
      %max3A_432 = arith.maximumf %add3A_429, %max3A_431 : vector<16xf32>
      %min3A_433 = vector.broadcast %scan3A_46 : f32 to vector<16xf32>
      %min3A_434 = arith.minimumf %max3A_432, %min3A_433 : vector<16xf32>
      %convert_element_type3A_435 = arith.fptosi %min3A_434 : vector<16xf32> to vector<16xi32>
      %ge3A_436 = vector.broadcast %mul3A_32 : i32 to vector<16xi32>
      %ge3A_437 = arith.cmpi sge, %convert_element_type3A_435, %ge3A_436 : vector<16xi32>
      %lt3A_438 = vector.broadcast %add3A_34 : i32 to vector<16xi32>
      %lt3A_439 = arith.cmpi slt, %convert_element_type3A_435, %lt3A_438 : vector<16xi32>
      %and3A_440 = arith.andi %ge3A_437, %lt3A_439 : vector<16xi1>
      %add3A_441 = arith.constant 1 : i32
      %add3A_442 = vector.broadcast %add3A_441 : i32 to vector<16xi32>
      %add3A_443 = arith.addi %convert_element_type3A_435, %add3A_442 : vector<16xi32>
      %ge3A_444 = vector.broadcast %mul3A_32 : i32 to vector<16xi32>
      %ge3A_445 = arith.cmpi sge, %add3A_443, %ge3A_444 : vector<16xi32>
      %lt3A_446 = vector.broadcast %add3A_34 : i32 to vector<16xi32>
      %lt3A_447 = arith.cmpi slt, %add3A_443, %lt3A_446 : vector<16xi32>
      %and3A_448 = arith.andi %ge3A_445, %lt3A_447 : vector<16xi1>
      %get3A_449 = arith.constant 0 : i32
      %get3A_450 = arith.index_cast %get3A_449 : i32 to index
      %get3A_451 = arith.index_cast %mul3A_421 : i32 to index
      %get3A_452 = tpu.vector_load %arg4[%get3A_450, %get3A_451] {strides = array<i32>} : memref<2x9216xf32, #tpu.memory_space<vmem>>, vector<16xf32>,
      %mul3A_453 = vector.broadcast %scan3A_44 : f32 to vector<16xf32>
      %mul3A_454 = arith.mulf %get3A_452, %mul3A_453 : vector<16xf32>
      %add3A_455 = vector.broadcast %scan3A_45 : f32 to vector<16xf32>
      %add3A_456 = arith.addf %mul3A_454, %add3A_455 : vector<16xf32>
      %max3A_457 = arith.constant 0.000000e+00 : f32
      %max3A_458 = vector.broadcast %max3A_457 : f32 to vector<16xf32>
      %max3A_459 = arith.maximumf %add3A_456, %max3A_458 : vector<16xf32>
      %min3A_460 = vector.broadcast %scan3A_46 : f32 to vector<16xf32>
      %min3A_461 = arith.minimumf %max3A_459, %min3A_460 : vector<16xf32>
      %convert_element_type3A_462 = arith.fptosi %min3A_461 : vector<16xf32> to vector<16xi32>
      %convert_element_type3A_463 = arith.sitofp %convert_element_type3A_462 : vector<16xi32> to vector<16xf32>
      %sub3A_464 = arith.subf %min3A_461, %convert_element_type3A_463 : vector<16xf32>
      %convert_element_type3A_465 = arith.sitofp %convert_element_type3A_435 : vector<16xi32> to vector<16xf32>
      %sub3A_466 = arith.subf %min3A_434, %convert_element_type3A_465 : vector<16xf32>
      %sub3A_467 = arith.constant 1.000000e+00 : f32
      %sub3A_468 = vector.broadcast %sub3A_467 : f32 to vector<16xf32>
      %sub3A_469 = arith.subf %sub3A_468, %sub3A_464 : vector<16xf32>
      %sub3A_470 = arith.constant 1.000000e+00 : f32
      %sub3A_471 = vector.broadcast %sub3A_470 : f32 to vector<16xf32>
      %sub3A_472 = arith.subf %sub3A_471, %sub3A_466 : vector<16xf32>
      %mul3A_473 = arith.mulf %sub3A_472, %sub3A_469 : vector<16xf32>
      %mul3A_474 = arith.mulf %sub3A_472, %sub3A_464 : vector<16xf32>
      %mul3A_475 = arith.mulf %sub3A_466, %sub3A_469 : vector<16xf32>
      %mul3A_476 = arith.mulf %sub3A_466, %sub3A_464 : vector<16xf32>
      %sub3A_477 = vector.broadcast %mul3A_32 : i32 to vector<16xi32>
      %sub3A_478 = arith.subi %convert_element_type3A_435, %sub3A_477 : vector<16xi32>
      %mul3A_479 = arith.constant 384 : i32
      %mul3A_480 = vector.broadcast %mul3A_479 : i32 to vector<16xi32>
      %mul3A_481 = arith.muli %sub3A_478, %mul3A_480 : vector<16xi32>
      %add3A_482 = arith.addi %mul3A_481, %convert_element_type3A_462 : vector<16xi32>
      %mul3A_483 = arith.mulf %mul3A_473, %mul3A_473 : vector<16xf32>
      tpu.vector_store_idx %arg5[%add3A_482], %mul3A_483 masked %and3A_440 {add = true} : memref<92160xf32, #tpu.memory_space<vmem>>[vector<16xi32>], vector<16xf32>, vector<16xi1>
      %add3A_484 = arith.constant 18432 : i32
      %add3A_485 = vector.broadcast %add3A_484 : i32 to vector<16xi32>
      %add3A_486 = arith.addi %add3A_482, %add3A_485 : vector<16xi32>
      %mul3A_487 = arith.mulf %mul3A_473, %mul3A_474 : vector<16xf32>
      tpu.vector_store_idx %arg5[%add3A_486], %mul3A_487 masked %and3A_440 {add = true} : memref<92160xf32, #tpu.memory_space<vmem>>[vector<16xi32>], vector<16xf32>, vector<16xi1>
      %add3A_488 = arith.constant 36864 : i32
      %add3A_489 = vector.broadcast %add3A_488 : i32 to vector<16xi32>
      %add3A_490 = arith.addi %add3A_482, %add3A_489 : vector<16xi32>
      %mul3A_491 = arith.mulf %mul3A_473, %mul3A_475 : vector<16xf32>
      tpu.vector_store_idx %arg5[%add3A_490], %mul3A_491 masked %and3A_440 {add = true} : memref<92160xf32, #tpu.memory_space<vmem>>[vector<16xi32>], vector<16xf32>, vector<16xi1>
      %add3A_492 = arith.constant 55296 : i32
      %add3A_493 = vector.broadcast %add3A_492 : i32 to vector<16xi32>
      %add3A_494 = arith.addi %add3A_482, %add3A_493 : vector<16xi32>
      %mul3A_495 = arith.mulf %mul3A_473, %mul3A_476 : vector<16xf32>
      tpu.vector_store_idx %arg5[%add3A_494], %mul3A_495 masked %and3A_440 {add = true} : memref<92160xf32, #tpu.memory_space<vmem>>[vector<16xi32>], vector<16xf32>, vector<16xi1>
      %add3A_496 = arith.constant 1 : i32
      %add3A_497 = vector.broadcast %add3A_496 : i32 to vector<16xi32>
      %add3A_498 = arith.addi %add3A_482, %add3A_497 : vector<16xi32>
      %mul3A_499 = arith.mulf %mul3A_474, %mul3A_474 : vector<16xf32>
      tpu.vector_store_idx %arg5[%add3A_498], %mul3A_499 masked %and3A_440 {add = true} : memref<92160xf32, #tpu.memory_space<vmem>>[vector<16xi32>], vector<16xf32>, vector<16xi1>
      %add3A_500 = arith.constant 1 : i32
      %add3A_501 = vector.broadcast %add3A_500 : i32 to vector<16xi32>
      %add3A_502 = arith.addi %add3A_482, %add3A_501 : vector<16xi32>
      %add3A_503 = arith.constant 73728 : i32
      %add3A_504 = vector.broadcast %add3A_503 : i32 to vector<16xi32>
      %add3A_505 = arith.addi %add3A_502, %add3A_504 : vector<16xi32>
      %mul3A_506 = arith.mulf %mul3A_474, %mul3A_475 : vector<16xf32>
      tpu.vector_store_idx %arg5[%add3A_505], %mul3A_506 masked %and3A_440 {add = true} : memref<92160xf32, #tpu.memory_space<vmem>>[vector<16xi32>], vector<16xf32>, vector<16xi1>
      %add3A_507 = arith.constant 1 : i32
      %add3A_508 = vector.broadcast %add3A_507 : i32 to vector<16xi32>
      %add3A_509 = arith.addi %add3A_482, %add3A_508 : vector<16xi32>
      %add3A_510 = arith.constant 36864 : i32
      %add3A_511 = vector.broadcast %add3A_510 : i32 to vector<16xi32>
      %add3A_512 = arith.addi %add3A_509, %add3A_511 : vector<16xi32>
      %mul3A_513 = arith.mulf %mul3A_474, %mul3A_476 : vector<16xf32>
      tpu.vector_store_idx %arg5[%add3A_512], %mul3A_513 masked %and3A_440 {add = true} : memref<92160xf32, #tpu.memory_space<vmem>>[vector<16xi32>], vector<16xf32>, vector<16xi1>
      %add3A_514 = arith.constant 384 : i32
      %add3A_515 = vector.broadcast %add3A_514 : i32 to vector<16xi32>
      %add3A_516 = arith.addi %add3A_482, %add3A_515 : vector<16xi32>
      %mul3A_517 = arith.mulf %mul3A_475, %mul3A_475 : vector<16xf32>
      tpu.vector_store_idx %arg5[%add3A_516], %mul3A_517 masked %and3A_448 {add = true} : memref<92160xf32, #tpu.memory_space<vmem>>[vector<16xi32>], vector<16xf32>, vector<16xi1>
      %add3A_518 = arith.constant 384 : i32
      %add3A_519 = vector.broadcast %add3A_518 : i32 to vector<16xi32>
      %add3A_520 = arith.addi %add3A_482, %add3A_519 : vector<16xi32>
      %add3A_521 = arith.constant 18432 : i32
      %add3A_522 = vector.broadcast %add3A_521 : i32 to vector<16xi32>
      %add3A_523 = arith.addi %add3A_520, %add3A_522 : vector<16xi32>
      %mul3A_524 = arith.mulf %mul3A_475, %mul3A_476 : vector<16xf32>
      tpu.vector_store_idx %arg5[%add3A_523], %mul3A_524 masked %and3A_448 {add = true} : memref<92160xf32, #tpu.memory_space<vmem>>[vector<16xi32>], vector<16xf32>, vector<16xi1>
      %add3A_525 = arith.constant 384 : i32
      %add3A_526 = vector.broadcast %add3A_525 : i32 to vector<16xi32>
      %add3A_527 = arith.addi %add3A_482, %add3A_526 : vector<16xi32>
      %add3A_528 = arith.constant 1 : i32
      %add3A_529 = vector.broadcast %add3A_528 : i32 to vector<16xi32>
      %add3A_530 = arith.addi %add3A_527, %add3A_529 : vector<16xi32>
      %mul3A_531 = arith.mulf %mul3A_476, %mul3A_476 : vector<16xf32>
      tpu.vector_store_idx %arg5[%add3A_530], %mul3A_531 masked %and3A_448 {add = true} : memref<92160xf32, #tpu.memory_space<vmem>>[vector<16xi32>], vector<16xf32>, vector<16xi1>
      %mul3A_532 = arith.constant 8 : i32
      %mul3A_533 = arith.muli %scan3A_72, %mul3A_532 : i32
      %add3A_534 = arith.constant 4 : i32
      %add3A_535 = arith.addi %mul3A_533, %add3A_534 : i32
      %mul3A_536 = arith.constant 16 : i32
      %mul3A_537 = arith.muli %add3A_535, %mul3A_536 : i32
      %get3A_538 = arith.constant 1 : i32
      %get3A_539 = arith.index_cast %get3A_538 : i32 to index
      %get3A_540 = arith.index_cast %mul3A_537 : i32 to index
      %get3A_541 = tpu.vector_load %arg4[%get3A_539, %get3A_540] {strides = array<i32>} : memref<2x9216xf32, #tpu.memory_space<vmem>>, vector<16xf32>,
      %mul3A_542 = vector.broadcast %scan3A_44 : f32 to vector<16xf32>
      %mul3A_543 = arith.mulf %get3A_541, %mul3A_542 : vector<16xf32>
      %add3A_544 = vector.broadcast %scan3A_45 : f32 to vector<16xf32>
      %add3A_545 = arith.addf %mul3A_543, %add3A_544 : vector<16xf32>
      %max3A_546 = arith.constant 0.000000e+00 : f32
      %max3A_547 = vector.broadcast %max3A_546 : f32 to vector<16xf32>
      %max3A_548 = arith.maximumf %add3A_545, %max3A_547 : vector<16xf32>
      %min3A_549 = vector.broadcast %scan3A_46 : f32 to vector<16xf32>
      %min3A_550 = arith.minimumf %max3A_548, %min3A_549 : vector<16xf32>
      %convert_element_type3A_551 = arith.fptosi %min3A_550 : vector<16xf32> to vector<16xi32>
      %ge3A_552 = vector.broadcast %mul3A_32 : i32 to vector<16xi32>
      %ge3A_553 = arith.cmpi sge, %convert_element_type3A_551, %ge3A_552 : vector<16xi32>
      %lt3A_554 = vector.broadcast %add3A_34 : i32 to vector<16xi32>
      %lt3A_555 = arith.cmpi slt, %convert_element_type3A_551, %lt3A_554 : vector<16xi32>
      %and3A_556 = arith.andi %ge3A_553, %lt3A_555 : vector<16xi1>
      %add3A_557 = arith.constant 1 : i32
      %add3A_558 = vector.broadcast %add3A_557 : i32 to vector<16xi32>
      %add3A_559 = arith.addi %convert_element_type3A_551, %add3A_558 : vector<16xi32>
      %ge3A_560 = vector.broadcast %mul3A_32 : i32 to vector<16xi32>
      %ge3A_561 = arith.cmpi sge, %add3A_559, %ge3A_560 : vector<16xi32>
      %lt3A_562 = vector.broadcast %add3A_34 : i32 to vector<16xi32>
      %lt3A_563 = arith.cmpi slt, %add3A_559, %lt3A_562 : vector<16xi32>
      %and3A_564 = arith.andi %ge3A_561, %lt3A_563 : vector<16xi1>
      %get3A_565 = arith.constant 0 : i32
      %get3A_566 = arith.index_cast %get3A_565 : i32 to index
      %get3A_567 = arith.index_cast %mul3A_537 : i32 to index
      %get3A_568 = tpu.vector_load %arg4[%get3A_566, %get3A_567] {strides = array<i32>} : memref<2x9216xf32, #tpu.memory_space<vmem>>, vector<16xf32>,
      %mul3A_569 = vector.broadcast %scan3A_44 : f32 to vector<16xf32>
      %mul3A_570 = arith.mulf %get3A_568, %mul3A_569 : vector<16xf32>
      %add3A_571 = vector.broadcast %scan3A_45 : f32 to vector<16xf32>
      %add3A_572 = arith.addf %mul3A_570, %add3A_571 : vector<16xf32>
      %max3A_573 = arith.constant 0.000000e+00 : f32
      %max3A_574 = vector.broadcast %max3A_573 : f32 to vector<16xf32>
      %max3A_575 = arith.maximumf %add3A_572, %max3A_574 : vector<16xf32>
      %min3A_576 = vector.broadcast %scan3A_46 : f32 to vector<16xf32>
      %min3A_577 = arith.minimumf %max3A_575, %min3A_576 : vector<16xf32>
      %convert_element_type3A_578 = arith.fptosi %min3A_577 : vector<16xf32> to vector<16xi32>
      %convert_element_type3A_579 = arith.sitofp %convert_element_type3A_578 : vector<16xi32> to vector<16xf32>
      %sub3A_580 = arith.subf %min3A_577, %convert_element_type3A_579 : vector<16xf32>
      %convert_element_type3A_581 = arith.sitofp %convert_element_type3A_551 : vector<16xi32> to vector<16xf32>
      %sub3A_582 = arith.subf %min3A_550, %convert_element_type3A_581 : vector<16xf32>
      %sub3A_583 = arith.constant 1.000000e+00 : f32
      %sub3A_584 = vector.broadcast %sub3A_583 : f32 to vector<16xf32>
      %sub3A_585 = arith.subf %sub3A_584, %sub3A_580 : vector<16xf32>
      %sub3A_586 = arith.constant 1.000000e+00 : f32
      %sub3A_587 = vector.broadcast %sub3A_586 : f32 to vector<16xf32>
      %sub3A_588 = arith.subf %sub3A_587, %sub3A_582 : vector<16xf32>
      %mul3A_589 = arith.mulf %sub3A_588, %sub3A_585 : vector<16xf32>
      %mul3A_590 = arith.mulf %sub3A_588, %sub3A_580 : vector<16xf32>
      %mul3A_591 = arith.mulf %sub3A_582, %sub3A_585 : vector<16xf32>
      %mul3A_592 = arith.mulf %sub3A_582, %sub3A_580 : vector<16xf32>
      %sub3A_593 = vector.broadcast %mul3A_32 : i32 to vector<16xi32>
      %sub3A_594 = arith.subi %convert_element_type3A_551, %sub3A_593 : vector<16xi32>
      %mul3A_595 = arith.constant 384 : i32
      %mul3A_596 = vector.broadcast %mul3A_595 : i32 to vector<16xi32>
      %mul3A_597 = arith.muli %sub3A_594, %mul3A_596 : vector<16xi32>
      %add3A_598 = arith.addi %mul3A_597, %convert_element_type3A_578 : vector<16xi32>
      %mul3A_599 = arith.mulf %mul3A_589, %mul3A_589 : vector<16xf32>
      tpu.vector_store_idx %arg5[%add3A_598], %mul3A_599 masked %and3A_556 {add = true} : memref<92160xf32, #tpu.memory_space<vmem>>[vector<16xi32>], vector<16xf32>, vector<16xi1>
      %add3A_600 = arith.constant 18432 : i32
      %add3A_601 = vector.broadcast %add3A_600 : i32 to vector<16xi32>
      %add3A_602 = arith.addi %add3A_598, %add3A_601 : vector<16xi32>
      %mul3A_603 = arith.mulf %mul3A_589, %mul3A_590 : vector<16xf32>
      tpu.vector_store_idx %arg5[%add3A_602], %mul3A_603 masked %and3A_556 {add = true} : memref<92160xf32, #tpu.memory_space<vmem>>[vector<16xi32>], vector<16xf32>, vector<16xi1>
      %add3A_604 = arith.constant 36864 : i32
      %add3A_605 = vector.broadcast %add3A_604 : i32 to vector<16xi32>
      %add3A_606 = arith.addi %add3A_598, %add3A_605 : vector<16xi32>
      %mul3A_607 = arith.mulf %mul3A_589, %mul3A_591 : vector<16xf32>
      tpu.vector_store_idx %arg5[%add3A_606], %mul3A_607 masked %and3A_556 {add = true} : memref<92160xf32, #tpu.memory_space<vmem>>[vector<16xi32>], vector<16xf32>, vector<16xi1>
      %add3A_608 = arith.constant 55296 : i32
      %add3A_609 = vector.broadcast %add3A_608 : i32 to vector<16xi32>
      %add3A_610 = arith.addi %add3A_598, %add3A_609 : vector<16xi32>
      %mul3A_611 = arith.mulf %mul3A_589, %mul3A_592 : vector<16xf32>
      tpu.vector_store_idx %arg5[%add3A_610], %mul3A_611 masked %and3A_556 {add = true} : memref<92160xf32, #tpu.memory_space<vmem>>[vector<16xi32>], vector<16xf32>, vector<16xi1>
      %add3A_612 = arith.constant 1 : i32
      %add3A_613 = vector.broadcast %add3A_612 : i32 to vector<16xi32>
      %add3A_614 = arith.addi %add3A_598, %add3A_613 : vector<16xi32>
      %mul3A_615 = arith.mulf %mul3A_590, %mul3A_590 : vector<16xf32>
      tpu.vector_store_idx %arg5[%add3A_614], %mul3A_615 masked %and3A_556 {add = true} : memref<92160xf32, #tpu.memory_space<vmem>>[vector<16xi32>], vector<16xf32>, vector<16xi1>
      %add3A_616 = arith.constant 1 : i32
      %add3A_617 = vector.broadcast %add3A_616 : i32 to vector<16xi32>
      %add3A_618 = arith.addi %add3A_598, %add3A_617 : vector<16xi32>
      %add3A_619 = arith.constant 73728 : i32
      %add3A_620 = vector.broadcast %add3A_619 : i32 to vector<16xi32>
      %add3A_621 = arith.addi %add3A_618, %add3A_620 : vector<16xi32>
      %mul3A_622 = arith.mulf %mul3A_590, %mul3A_591 : vector<16xf32>
      tpu.vector_store_idx %arg5[%add3A_621], %mul3A_622 masked %and3A_556 {add = true} : memref<92160xf32, #tpu.memory_space<vmem>>[vector<16xi32>], vector<16xf32>, vector<16xi1>
      %add3A_623 = arith.constant 1 : i32
      %add3A_624 = vector.broadcast %add3A_623 : i32 to vector<16xi32>
      %add3A_625 = arith.addi %add3A_598, %add3A_624 : vector<16xi32>
      %add3A_626 = arith.constant 36864 : i32
      %add3A_627 = vector.broadcast %add3A_626 : i32 to vector<16xi32>
      %add3A_628 = arith.addi %add3A_625, %add3A_627 : vector<16xi32>
      %mul3A_629 = arith.mulf %mul3A_590, %mul3A_592 : vector<16xf32>
      tpu.vector_store_idx %arg5[%add3A_628], %mul3A_629 masked %and3A_556 {add = true} : memref<92160xf32, #tpu.memory_space<vmem>>[vector<16xi32>], vector<16xf32>, vector<16xi1>
      %add3A_630 = arith.constant 384 : i32
      %add3A_631 = vector.broadcast %add3A_630 : i32 to vector<16xi32>
      %add3A_632 = arith.addi %add3A_598, %add3A_631 : vector<16xi32>
      %mul3A_633 = arith.mulf %mul3A_591, %mul3A_591 : vector<16xf32>
      tpu.vector_store_idx %arg5[%add3A_632], %mul3A_633 masked %and3A_564 {add = true} : memref<92160xf32, #tpu.memory_space<vmem>>[vector<16xi32>], vector<16xf32>, vector<16xi1>
      %add3A_634 = arith.constant 384 : i32
      %add3A_635 = vector.broadcast %add3A_634 : i32 to vector<16xi32>
      %add3A_636 = arith.addi %add3A_598, %add3A_635 : vector<16xi32>
      %add3A_637 = arith.constant 18432 : i32
      %add3A_638 = vector.broadcast %add3A_637 : i32 to vector<16xi32>
      %add3A_639 = arith.addi %add3A_636, %add3A_638 : vector<16xi32>
      %mul3A_640 = arith.mulf %mul3A_591, %mul3A_592 : vector<16xf32>
      tpu.vector_store_idx %arg5[%add3A_639], %mul3A_640 masked %and3A_564 {add = true} : memref<92160xf32, #tpu.memory_space<vmem>>[vector<16xi32>], vector<16xf32>, vector<16xi1>
      %add3A_641 = arith.constant 384 : i32
      %add3A_642 = vector.broadcast %add3A_641 : i32 to vector<16xi32>
      %add3A_643 = arith.addi %add3A_598, %add3A_642 : vector<16xi32>
      %add3A_644 = arith.constant 1 : i32
      %add3A_645 = vector.broadcast %add3A_644 : i32 to vector<16xi32>
      %add3A_646 = arith.addi %add3A_643, %add3A_645 : vector<16xi32>
      %mul3A_647 = arith.mulf %mul3A_592, %mul3A_592 : vector<16xf32>
      tpu.vector_store_idx %arg5[%add3A_646], %mul3A_647 masked %and3A_564 {add = true} : memref<92160xf32, #tpu.memory_space<vmem>>[vector<16xi32>], vector<16xf32>, vector<16xi1>
      %mul3A_648 = arith.constant 8 : i32
      %mul3A_649 = arith.muli %scan3A_72, %mul3A_648 : i32
      %add3A_650 = arith.constant 5 : i32
      %add3A_651 = arith.addi %mul3A_649, %add3A_650 : i32
      %mul3A_652 = arith.constant 16 : i32
      %mul3A_653 = arith.muli %add3A_651, %mul3A_652 : i32
      %get3A_654 = arith.constant 1 : i32
      %get3A_655 = arith.index_cast %get3A_654 : i32 to index
      %get3A_656 = arith.index_cast %mul3A_653 : i32 to index
      %get3A_657 = tpu.vector_load %arg4[%get3A_655, %get3A_656] {strides = array<i32>} : memref<2x9216xf32, #tpu.memory_space<vmem>>, vector<16xf32>,
      %mul3A_658 = vector.broadcast %scan3A_44 : f32 to vector<16xf32>
      %mul3A_659 = arith.mulf %get3A_657, %mul3A_658 : vector<16xf32>
      %add3A_660 = vector.broadcast %scan3A_45 : f32 to vector<16xf32>
      %add3A_661 = arith.addf %mul3A_659, %add3A_660 : vector<16xf32>
      %max3A_662 = arith.constant 0.000000e+00 : f32
      %max3A_663 = vector.broadcast %max3A_662 : f32 to vector<16xf32>
      %max3A_664 = arith.maximumf %add3A_661, %max3A_663 : vector<16xf32>
      %min3A_665 = vector.broadcast %scan3A_46 : f32 to vector<16xf32>
      %min3A_666 = arith.minimumf %max3A_664, %min3A_665 : vector<16xf32>
      %convert_element_type3A_667 = arith.fptosi %min3A_666 : vector<16xf32> to vector<16xi32>
      %ge3A_668 = vector.broadcast %mul3A_32 : i32 to vector<16xi32>
      %ge3A_669 = arith.cmpi sge, %convert_element_type3A_667, %ge3A_668 : vector<16xi32>
      %lt3A_670 = vector.broadcast %add3A_34 : i32 to vector<16xi32>
      %lt3A_671 = arith.cmpi slt, %convert_element_type3A_667, %lt3A_670 : vector<16xi32>
      %and3A_672 = arith.andi %ge3A_669, %lt3A_671 : vector<16xi1>
      %add3A_673 = arith.constant 1 : i32
      %add3A_674 = vector.broadcast %add3A_673 : i32 to vector<16xi32>
      %add3A_675 = arith.addi %convert_element_type3A_667, %add3A_674 : vector<16xi32>
      %ge3A_676 = vector.broadcast %mul3A_32 : i32 to vector<16xi32>
      %ge3A_677 = arith.cmpi sge, %add3A_675, %ge3A_676 : vector<16xi32>
      %lt3A_678 = vector.broadcast %add3A_34 : i32 to vector<16xi32>
      %lt3A_679 = arith.cmpi slt, %add3A_675, %lt3A_678 : vector<16xi32>
      %and3A_680 = arith.andi %ge3A_677, %lt3A_679 : vector<16xi1>
      %get3A_681 = arith.constant 0 : i32
      %get3A_682 = arith.index_cast %get3A_681 : i32 to index
      %get3A_683 = arith.index_cast %mul3A_653 : i32 to index
      %get3A_684 = tpu.vector_load %arg4[%get3A_682, %get3A_683] {strides = array<i32>} : memref<2x9216xf32, #tpu.memory_space<vmem>>, vector<16xf32>,
      %mul3A_685 = vector.broadcast %scan3A_44 : f32 to vector<16xf32>
      %mul3A_686 = arith.mulf %get3A_684, %mul3A_685 : vector<16xf32>
      %add3A_687 = vector.broadcast %scan3A_45 : f32 to vector<16xf32>
      %add3A_688 = arith.addf %mul3A_686, %add3A_687 : vector<16xf32>
      %max3A_689 = arith.constant 0.000000e+00 : f32
      %max3A_690 = vector.broadcast %max3A_689 : f32 to vector<16xf32>
      %max3A_691 = arith.maximumf %add3A_688, %max3A_690 : vector<16xf32>
      %min3A_692 = vector.broadcast %scan3A_46 : f32 to vector<16xf32>
      %min3A_693 = arith.minimumf %max3A_691, %min3A_692 : vector<16xf32>
      %convert_element_type3A_694 = arith.fptosi %min3A_693 : vector<16xf32> to vector<16xi32>
      %convert_element_type3A_695 = arith.sitofp %convert_element_type3A_694 : vector<16xi32> to vector<16xf32>
      %sub3A_696 = arith.subf %min3A_693, %convert_element_type3A_695 : vector<16xf32>
      %convert_element_type3A_697 = arith.sitofp %convert_element_type3A_667 : vector<16xi32> to vector<16xf32>
      %sub3A_698 = arith.subf %min3A_666, %convert_element_type3A_697 : vector<16xf32>
      %sub3A_699 = arith.constant 1.000000e+00 : f32
      %sub3A_700 = vector.broadcast %sub3A_699 : f32 to vector<16xf32>
      %sub3A_701 = arith.subf %sub3A_700, %sub3A_696 : vector<16xf32>
      %sub3A_702 = arith.constant 1.000000e+00 : f32
      %sub3A_703 = vector.broadcast %sub3A_702 : f32 to vector<16xf32>
      %sub3A_704 = arith.subf %sub3A_703, %sub3A_698 : vector<16xf32>
      %mul3A_705 = arith.mulf %sub3A_704, %sub3A_701 : vector<16xf32>
      %mul3A_706 = arith.mulf %sub3A_704, %sub3A_696 : vector<16xf32>
      %mul3A_707 = arith.mulf %sub3A_698, %sub3A_701 : vector<16xf32>
      %mul3A_708 = arith.mulf %sub3A_698, %sub3A_696 : vector<16xf32>
      %sub3A_709 = vector.broadcast %mul3A_32 : i32 to vector<16xi32>
      %sub3A_710 = arith.subi %convert_element_type3A_667, %sub3A_709 : vector<16xi32>
      %mul3A_711 = arith.constant 384 : i32
      %mul3A_712 = vector.broadcast %mul3A_711 : i32 to vector<16xi32>
      %mul3A_713 = arith.muli %sub3A_710, %mul3A_712 : vector<16xi32>
      %add3A_714 = arith.addi %mul3A_713, %convert_element_type3A_694 : vector<16xi32>
      %mul3A_715 = arith.mulf %mul3A_705, %mul3A_705 : vector<16xf32>
      tpu.vector_store_idx %arg5[%add3A_714], %mul3A_715 masked %and3A_672 {add = true} : memref<92160xf32, #tpu.memory_space<vmem>>[vector<16xi32>], vector<16xf32>, vector<16xi1>
      %add3A_716 = arith.constant 18432 : i32
      %add3A_717 = vector.broadcast %add3A_716 : i32 to vector<16xi32>
      %add3A_718 = arith.addi %add3A_714, %add3A_717 : vector<16xi32>
      %mul3A_719 = arith.mulf %mul3A_705, %mul3A_706 : vector<16xf32>
      tpu.vector_store_idx %arg5[%add3A_718], %mul3A_719 masked %and3A_672 {add = true} : memref<92160xf32, #tpu.memory_space<vmem>>[vector<16xi32>], vector<16xf32>, vector<16xi1>
      %add3A_720 = arith.constant 36864 : i32
      %add3A_721 = vector.broadcast %add3A_720 : i32 to vector<16xi32>
      %add3A_722 = arith.addi %add3A_714, %add3A_721 : vector<16xi32>
      %mul3A_723 = arith.mulf %mul3A_705, %mul3A_707 : vector<16xf32>
      tpu.vector_store_idx %arg5[%add3A_722], %mul3A_723 masked %and3A_672 {add = true} : memref<92160xf32, #tpu.memory_space<vmem>>[vector<16xi32>], vector<16xf32>, vector<16xi1>
      %add3A_724 = arith.constant 55296 : i32
      %add3A_725 = vector.broadcast %add3A_724 : i32 to vector<16xi32>
      %add3A_726 = arith.addi %add3A_714, %add3A_725 : vector<16xi32>
      %mul3A_727 = arith.mulf %mul3A_705, %mul3A_708 : vector<16xf32>
      tpu.vector_store_idx %arg5[%add3A_726], %mul3A_727 masked %and3A_672 {add = true} : memref<92160xf32, #tpu.memory_space<vmem>>[vector<16xi32>], vector<16xf32>, vector<16xi1>
      %add3A_728 = arith.constant 1 : i32
      %add3A_729 = vector.broadcast %add3A_728 : i32 to vector<16xi32>
      %add3A_730 = arith.addi %add3A_714, %add3A_729 : vector<16xi32>
      %mul3A_731 = arith.mulf %mul3A_706, %mul3A_706 : vector<16xf32>
      tpu.vector_store_idx %arg5[%add3A_730], %mul3A_731 masked %and3A_672 {add = true} : memref<92160xf32, #tpu.memory_space<vmem>>[vector<16xi32>], vector<16xf32>, vector<16xi1>
      %add3A_732 = arith.constant 1 : i32
      %add3A_733 = vector.broadcast %add3A_732 : i32 to vector<16xi32>
      %add3A_734 = arith.addi %add3A_714, %add3A_733 : vector<16xi32>
      %add3A_735 = arith.constant 73728 : i32
      %add3A_736 = vector.broadcast %add3A_735 : i32 to vector<16xi32>
      %add3A_737 = arith.addi %add3A_734, %add3A_736 : vector<16xi32>
      %mul3A_738 = arith.mulf %mul3A_706, %mul3A_707 : vector<16xf32>
      tpu.vector_store_idx %arg5[%add3A_737], %mul3A_738 masked %and3A_672 {add = true} : memref<92160xf32, #tpu.memory_space<vmem>>[vector<16xi32>], vector<16xf32>, vector<16xi1>
      %add3A_739 = arith.constant 1 : i32
      %add3A_740 = vector.broadcast %add3A_739 : i32 to vector<16xi32>
      %add3A_741 = arith.addi %add3A_714, %add3A_740 : vector<16xi32>
      %add3A_742 = arith.constant 36864 : i32
      %add3A_743 = vector.broadcast %add3A_742 : i32 to vector<16xi32>
      %add3A_744 = arith.addi %add3A_741, %add3A_743 : vector<16xi32>
      %mul3A_745 = arith.mulf %mul3A_706, %mul3A_708 : vector<16xf32>
      tpu.vector_store_idx %arg5[%add3A_744], %mul3A_745 masked %and3A_672 {add = true} : memref<92160xf32, #tpu.memory_space<vmem>>[vector<16xi32>], vector<16xf32>, vector<16xi1>
      %add3A_746 = arith.constant 384 : i32
      %add3A_747 = vector.broadcast %add3A_746 : i32 to vector<16xi32>
      %add3A_748 = arith.addi %add3A_714, %add3A_747 : vector<16xi32>
      %mul3A_749 = arith.mulf %mul3A_707, %mul3A_707 : vector<16xf32>
      tpu.vector_store_idx %arg5[%add3A_748], %mul3A_749 masked %and3A_680 {add = true} : memref<92160xf32, #tpu.memory_space<vmem>>[vector<16xi32>], vector<16xf32>, vector<16xi1>
      %add3A_750 = arith.constant 384 : i32
      %add3A_751 = vector.broadcast %add3A_750 : i32 to vector<16xi32>
      %add3A_752 = arith.addi %add3A_714, %add3A_751 : vector<16xi32>
      %add3A_753 = arith.constant 18432 : i32
      %add3A_754 = vector.broadcast %add3A_753 : i32 to vector<16xi32>
      %add3A_755 = arith.addi %add3A_752, %add3A_754 : vector<16xi32>
      %mul3A_756 = arith.mulf %mul3A_707, %mul3A_708 : vector<16xf32>
      tpu.vector_store_idx %arg5[%add3A_755], %mul3A_756 masked %and3A_680 {add = true} : memref<92160xf32, #tpu.memory_space<vmem>>[vector<16xi32>], vector<16xf32>, vector<16xi1>
      %add3A_757 = arith.constant 384 : i32
      %add3A_758 = vector.broadcast %add3A_757 : i32 to vector<16xi32>
      %add3A_759 = arith.addi %add3A_714, %add3A_758 : vector<16xi32>
      %add3A_760 = arith.constant 1 : i32
      %add3A_761 = vector.broadcast %add3A_760 : i32 to vector<16xi32>
      %add3A_762 = arith.addi %add3A_759, %add3A_761 : vector<16xi32>
      %mul3A_763 = arith.mulf %mul3A_708, %mul3A_708 : vector<16xf32>
      tpu.vector_store_idx %arg5[%add3A_762], %mul3A_763 masked %and3A_680 {add = true} : memref<92160xf32, #tpu.memory_space<vmem>>[vector<16xi32>], vector<16xf32>, vector<16xi1>
      %mul3A_764 = arith.constant 8 : i32
      %mul3A_765 = arith.muli %scan3A_72, %mul3A_764 : i32
      %add3A_766 = arith.constant 6 : i32
      %add3A_767 = arith.addi %mul3A_765, %add3A_766 : i32
      %mul3A_768 = arith.constant 16 : i32
      %mul3A_769 = arith.muli %add3A_767, %mul3A_768 : i32
      %get3A_770 = arith.constant 1 : i32
      %get3A_771 = arith.index_cast %get3A_770 : i32 to index
      %get3A_772 = arith.index_cast %mul3A_769 : i32 to index
      %get3A_773 = tpu.vector_load %arg4[%get3A_771, %get3A_772] {strides = array<i32>} : memref<2x9216xf32, #tpu.memory_space<vmem>>, vector<16xf32>,
      %mul3A_774 = vector.broadcast %scan3A_44 : f32 to vector<16xf32>
      %mul3A_775 = arith.mulf %get3A_773, %mul3A_774 : vector<16xf32>
      %add3A_776 = vector.broadcast %scan3A_45 : f32 to vector<16xf32>
      %add3A_777 = arith.addf %mul3A_775, %add3A_776 : vector<16xf32>
      %max3A_778 = arith.constant 0.000000e+00 : f32
      %max3A_779 = vector.broadcast %max3A_778 : f32 to vector<16xf32>
      %max3A_780 = arith.maximumf %add3A_777, %max3A_779 : vector<16xf32>
      %min3A_781 = vector.broadcast %scan3A_46 : f32 to vector<16xf32>
      %min3A_782 = arith.minimumf %max3A_780, %min3A_781 : vector<16xf32>
      %convert_element_type3A_783 = arith.fptosi %min3A_782 : vector<16xf32> to vector<16xi32>
      %ge3A_784 = vector.broadcast %mul3A_32 : i32 to vector<16xi32>
      %ge3A_785 = arith.cmpi sge, %convert_element_type3A_783, %ge3A_784 : vector<16xi32>
      %lt3A_786 = vector.broadcast %add3A_34 : i32 to vector<16xi32>
      %lt3A_787 = arith.cmpi slt, %convert_element_type3A_783, %lt3A_786 : vector<16xi32>
      %and3A_788 = arith.andi %ge3A_785, %lt3A_787 : vector<16xi1>
      %add3A_789 = arith.constant 1 : i32
      %add3A_790 = vector.broadcast %add3A_789 : i32 to vector<16xi32>
      %add3A_791 = arith.addi %convert_element_type3A_783, %add3A_790 : vector<16xi32>
      %ge3A_792 = vector.broadcast %mul3A_32 : i32 to vector<16xi32>
      %ge3A_793 = arith.cmpi sge, %add3A_791, %ge3A_792 : vector<16xi32>
      %lt3A_794 = vector.broadcast %add3A_34 : i32 to vector<16xi32>
      %lt3A_795 = arith.cmpi slt, %add3A_791, %lt3A_794 : vector<16xi32>
      %and3A_796 = arith.andi %ge3A_793, %lt3A_795 : vector<16xi1>
      %get3A_797 = arith.constant 0 : i32
      %get3A_798 = arith.index_cast %get3A_797 : i32 to index
      %get3A_799 = arith.index_cast %mul3A_769 : i32 to index
      %get3A_800 = tpu.vector_load %arg4[%get3A_798, %get3A_799] {strides = array<i32>} : memref<2x9216xf32, #tpu.memory_space<vmem>>, vector<16xf32>,
      %mul3A_801 = vector.broadcast %scan3A_44 : f32 to vector<16xf32>
      %mul3A_802 = arith.mulf %get3A_800, %mul3A_801 : vector<16xf32>
      %add3A_803 = vector.broadcast %scan3A_45 : f32 to vector<16xf32>
      %add3A_804 = arith.addf %mul3A_802, %add3A_803 : vector<16xf32>
      %max3A_805 = arith.constant 0.000000e+00 : f32
      %max3A_806 = vector.broadcast %max3A_805 : f32 to vector<16xf32>
      %max3A_807 = arith.maximumf %add3A_804, %max3A_806 : vector<16xf32>
      %min3A_808 = vector.broadcast %scan3A_46 : f32 to vector<16xf32>
      %min3A_809 = arith.minimumf %max3A_807, %min3A_808 : vector<16xf32>
      %convert_element_type3A_810 = arith.fptosi %min3A_809 : vector<16xf32> to vector<16xi32>
      %convert_element_type3A_811 = arith.sitofp %convert_element_type3A_810 : vector<16xi32> to vector<16xf32>
      %sub3A_812 = arith.subf %min3A_809, %convert_element_type3A_811 : vector<16xf32>
      %convert_element_type3A_813 = arith.sitofp %convert_element_type3A_783 : vector<16xi32> to vector<16xf32>
      %sub3A_814 = arith.subf %min3A_782, %convert_element_type3A_813 : vector<16xf32>
      %sub3A_815 = arith.constant 1.000000e+00 : f32
      %sub3A_816 = vector.broadcast %sub3A_815 : f32 to vector<16xf32>
      %sub3A_817 = arith.subf %sub3A_816, %sub3A_812 : vector<16xf32>
      %sub3A_818 = arith.constant 1.000000e+00 : f32
      %sub3A_819 = vector.broadcast %sub3A_818 : f32 to vector<16xf32>
      %sub3A_820 = arith.subf %sub3A_819, %sub3A_814 : vector<16xf32>
      %mul3A_821 = arith.mulf %sub3A_820, %sub3A_817 : vector<16xf32>
      %mul3A_822 = arith.mulf %sub3A_820, %sub3A_812 : vector<16xf32>
      %mul3A_823 = arith.mulf %sub3A_814, %sub3A_817 : vector<16xf32>
      %mul3A_824 = arith.mulf %sub3A_814, %sub3A_812 : vector<16xf32>
      %sub3A_825 = vector.broadcast %mul3A_32 : i32 to vector<16xi32>
      %sub3A_826 = arith.subi %convert_element_type3A_783, %sub3A_825 : vector<16xi32>
      %mul3A_827 = arith.constant 384 : i32
      %mul3A_828 = vector.broadcast %mul3A_827 : i32 to vector<16xi32>
      %mul3A_829 = arith.muli %sub3A_826, %mul3A_828 : vector<16xi32>
      %add3A_830 = arith.addi %mul3A_829, %convert_element_type3A_810 : vector<16xi32>
      %mul3A_831 = arith.mulf %mul3A_821, %mul3A_821 : vector<16xf32>
      tpu.vector_store_idx %arg5[%add3A_830], %mul3A_831 masked %and3A_788 {add = true} : memref<92160xf32, #tpu.memory_space<vmem>>[vector<16xi32>], vector<16xf32>, vector<16xi1>
      %add3A_832 = arith.constant 18432 : i32
      %add3A_833 = vector.broadcast %add3A_832 : i32 to vector<16xi32>
      %add3A_834 = arith.addi %add3A_830, %add3A_833 : vector<16xi32>
      %mul3A_835 = arith.mulf %mul3A_821, %mul3A_822 : vector<16xf32>
      tpu.vector_store_idx %arg5[%add3A_834], %mul3A_835 masked %and3A_788 {add = true} : memref<92160xf32, #tpu.memory_space<vmem>>[vector<16xi32>], vector<16xf32>, vector<16xi1>
      %add3A_836 = arith.constant 36864 : i32
      %add3A_837 = vector.broadcast %add3A_836 : i32 to vector<16xi32>
      %add3A_838 = arith.addi %add3A_830, %add3A_837 : vector<16xi32>
      %mul3A_839 = arith.mulf %mul3A_821, %mul3A_823 : vector<16xf32>
      tpu.vector_store_idx %arg5[%add3A_838], %mul3A_839 masked %and3A_788 {add = true} : memref<92160xf32, #tpu.memory_space<vmem>>[vector<16xi32>], vector<16xf32>, vector<16xi1>
      %add3A_840 = arith.constant 55296 : i32
      %add3A_841 = vector.broadcast %add3A_840 : i32 to vector<16xi32>
      %add3A_842 = arith.addi %add3A_830, %add3A_841 : vector<16xi32>
      %mul3A_843 = arith.mulf %mul3A_821, %mul3A_824 : vector<16xf32>
      tpu.vector_store_idx %arg5[%add3A_842], %mul3A_843 masked %and3A_788 {add = true} : memref<92160xf32, #tpu.memory_space<vmem>>[vector<16xi32>], vector<16xf32>, vector<16xi1>
      %add3A_844 = arith.constant 1 : i32
      %add3A_845 = vector.broadcast %add3A_844 : i32 to vector<16xi32>
      %add3A_846 = arith.addi %add3A_830, %add3A_845 : vector<16xi32>
      %mul3A_847 = arith.mulf %mul3A_822, %mul3A_822 : vector<16xf32>
      tpu.vector_store_idx %arg5[%add3A_846], %mul3A_847 masked %and3A_788 {add = true} : memref<92160xf32, #tpu.memory_space<vmem>>[vector<16xi32>], vector<16xf32>, vector<16xi1>
      %add3A_848 = arith.constant 1 : i32
      %add3A_849 = vector.broadcast %add3A_848 : i32 to vector<16xi32>
      %add3A_850 = arith.addi %add3A_830, %add3A_849 : vector<16xi32>
      %add3A_851 = arith.constant 73728 : i32
      %add3A_852 = vector.broadcast %add3A_851 : i32 to vector<16xi32>
      %add3A_853 = arith.addi %add3A_850, %add3A_852 : vector<16xi32>
      %mul3A_854 = arith.mulf %mul3A_822, %mul3A_823 : vector<16xf32>
      tpu.vector_store_idx %arg5[%add3A_853], %mul3A_854 masked %and3A_788 {add = true} : memref<92160xf32, #tpu.memory_space<vmem>>[vector<16xi32>], vector<16xf32>, vector<16xi1>
      %add3A_855 = arith.constant 1 : i32
      %add3A_856 = vector.broadcast %add3A_855 : i32 to vector<16xi32>
      %add3A_857 = arith.addi %add3A_830, %add3A_856 : vector<16xi32>
      %add3A_858 = arith.constant 36864 : i32
      %add3A_859 = vector.broadcast %add3A_858 : i32 to vector<16xi32>
      %add3A_860 = arith.addi %add3A_857, %add3A_859 : vector<16xi32>
      %mul3A_861 = arith.mulf %mul3A_822, %mul3A_824 : vector<16xf32>
      tpu.vector_store_idx %arg5[%add3A_860], %mul3A_861 masked %and3A_788 {add = true} : memref<92160xf32, #tpu.memory_space<vmem>>[vector<16xi32>], vector<16xf32>, vector<16xi1>
      %add3A_862 = arith.constant 384 : i32
      %add3A_863 = vector.broadcast %add3A_862 : i32 to vector<16xi32>
      %add3A_864 = arith.addi %add3A_830, %add3A_863 : vector<16xi32>
      %mul3A_865 = arith.mulf %mul3A_823, %mul3A_823 : vector<16xf32>
      tpu.vector_store_idx %arg5[%add3A_864], %mul3A_865 masked %and3A_796 {add = true} : memref<92160xf32, #tpu.memory_space<vmem>>[vector<16xi32>], vector<16xf32>, vector<16xi1>
      %add3A_866 = arith.constant 384 : i32
      %add3A_867 = vector.broadcast %add3A_866 : i32 to vector<16xi32>
      %add3A_868 = arith.addi %add3A_830, %add3A_867 : vector<16xi32>
      %add3A_869 = arith.constant 18432 : i32
      %add3A_870 = vector.broadcast %add3A_869 : i32 to vector<16xi32>
      %add3A_871 = arith.addi %add3A_868, %add3A_870 : vector<16xi32>
      %mul3A_872 = arith.mulf %mul3A_823, %mul3A_824 : vector<16xf32>
      tpu.vector_store_idx %arg5[%add3A_871], %mul3A_872 masked %and3A_796 {add = true} : memref<92160xf32, #tpu.memory_space<vmem>>[vector<16xi32>], vector<16xf32>, vector<16xi1>
      %add3A_873 = arith.constant 384 : i32
      %add3A_874 = vector.broadcast %add3A_873 : i32 to vector<16xi32>
      %add3A_875 = arith.addi %add3A_830, %add3A_874 : vector<16xi32>
      %add3A_876 = arith.constant 1 : i32
      %add3A_877 = vector.broadcast %add3A_876 : i32 to vector<16xi32>
      %add3A_878 = arith.addi %add3A_875, %add3A_877 : vector<16xi32>
      %mul3A_879 = arith.mulf %mul3A_824, %mul3A_824 : vector<16xf32>
      tpu.vector_store_idx %arg5[%add3A_878], %mul3A_879 masked %and3A_796 {add = true} : memref<92160xf32, #tpu.memory_space<vmem>>[vector<16xi32>], vector<16xf32>, vector<16xi1>
      %mul3A_880 = arith.constant 8 : i32
      %mul3A_881 = arith.muli %scan3A_72, %mul3A_880 : i32
      %add3A_882 = arith.constant 7 : i32
      %add3A_883 = arith.addi %mul3A_881, %add3A_882 : i32
      %mul3A_884 = arith.constant 16 : i32
      %mul3A_885 = arith.muli %add3A_883, %mul3A_884 : i32
      %get3A_886 = arith.constant 1 : i32
      %get3A_887 = arith.index_cast %get3A_886 : i32 to index
      %get3A_888 = arith.index_cast %mul3A_885 : i32 to index
      %get3A_889 = tpu.vector_load %arg4[%get3A_887, %get3A_888] {strides = array<i32>} : memref<2x9216xf32, #tpu.memory_space<vmem>>, vector<16xf32>,
      %mul3A_890 = vector.broadcast %scan3A_44 : f32 to vector<16xf32>
      %mul3A_891 = arith.mulf %get3A_889, %mul3A_890 : vector<16xf32>
      %add3A_892 = vector.broadcast %scan3A_45 : f32 to vector<16xf32>
      %add3A_893 = arith.addf %mul3A_891, %add3A_892 : vector<16xf32>
      %max3A_894 = arith.constant 0.000000e+00 : f32
      %max3A_895 = vector.broadcast %max3A_894 : f32 to vector<16xf32>
      %max3A_896 = arith.maximumf %add3A_893, %max3A_895 : vector<16xf32>
      %min3A_897 = vector.broadcast %scan3A_46 : f32 to vector<16xf32>
      %min3A_898 = arith.minimumf %max3A_896, %min3A_897 : vector<16xf32>
      %convert_element_type3A_899 = arith.fptosi %min3A_898 : vector<16xf32> to vector<16xi32>
      %ge3A_900 = vector.broadcast %mul3A_32 : i32 to vector<16xi32>
      %ge3A_901 = arith.cmpi sge, %convert_element_type3A_899, %ge3A_900 : vector<16xi32>
      %lt3A_902 = vector.broadcast %add3A_34 : i32 to vector<16xi32>
      %lt3A_903 = arith.cmpi slt, %convert_element_type3A_899, %lt3A_902 : vector<16xi32>
      %and3A_904 = arith.andi %ge3A_901, %lt3A_903 : vector<16xi1>
      %add3A_905 = arith.constant 1 : i32
      %add3A_906 = vector.broadcast %add3A_905 : i32 to vector<16xi32>
      %add3A_907 = arith.addi %convert_element_type3A_899, %add3A_906 : vector<16xi32>
      %ge3A_908 = vector.broadcast %mul3A_32 : i32 to vector<16xi32>
      %ge3A_909 = arith.cmpi sge, %add3A_907, %ge3A_908 : vector<16xi32>
      %lt3A_910 = vector.broadcast %add3A_34 : i32 to vector<16xi32>
      %lt3A_911 = arith.cmpi slt, %add3A_907, %lt3A_910 : vector<16xi32>
      %and3A_912 = arith.andi %ge3A_909, %lt3A_911 : vector<16xi1>
      %get3A_913 = arith.constant 0 : i32
      %get3A_914 = arith.index_cast %get3A_913 : i32 to index
      %get3A_915 = arith.index_cast %mul3A_885 : i32 to index
      %get3A_916 = tpu.vector_load %arg4[%get3A_914, %get3A_915] {strides = array<i32>} : memref<2x9216xf32, #tpu.memory_space<vmem>>, vector<16xf32>,
      %mul3A_917 = vector.broadcast %scan3A_44 : f32 to vector<16xf32>
      %mul3A_918 = arith.mulf %get3A_916, %mul3A_917 : vector<16xf32>
      %add3A_919 = vector.broadcast %scan3A_45 : f32 to vector<16xf32>
      %add3A_920 = arith.addf %mul3A_918, %add3A_919 : vector<16xf32>
      %max3A_921 = arith.constant 0.000000e+00 : f32
      %max3A_922 = vector.broadcast %max3A_921 : f32 to vector<16xf32>
      %max3A_923 = arith.maximumf %add3A_920, %max3A_922 : vector<16xf32>
      %min3A_924 = vector.broadcast %scan3A_46 : f32 to vector<16xf32>
      %min3A_925 = arith.minimumf %max3A_923, %min3A_924 : vector<16xf32>
      %convert_element_type3A_926 = arith.fptosi %min3A_925 : vector<16xf32> to vector<16xi32>
      %convert_element_type3A_927 = arith.sitofp %convert_element_type3A_926 : vector<16xi32> to vector<16xf32>
      %sub3A_928 = arith.subf %min3A_925, %convert_element_type3A_927 : vector<16xf32>
      %convert_element_type3A_929 = arith.sitofp %convert_element_type3A_899 : vector<16xi32> to vector<16xf32>
      %sub3A_930 = arith.subf %min3A_898, %convert_element_type3A_929 : vector<16xf32>
      %sub3A_931 = arith.constant 1.000000e+00 : f32
      %sub3A_932 = vector.broadcast %sub3A_931 : f32 to vector<16xf32>
      %sub3A_933 = arith.subf %sub3A_932, %sub3A_928 : vector<16xf32>
      %sub3A_934 = arith.constant 1.000000e+00 : f32
      %sub3A_935 = vector.broadcast %sub3A_934 : f32 to vector<16xf32>
      %sub3A_936 = arith.subf %sub3A_935, %sub3A_930 : vector<16xf32>
      %mul3A_937 = arith.mulf %sub3A_936, %sub3A_933 : vector<16xf32>
      %mul3A_938 = arith.mulf %sub3A_936, %sub3A_928 : vector<16xf32>
      %mul3A_939 = arith.mulf %sub3A_930, %sub3A_933 : vector<16xf32>
      %mul3A_940 = arith.mulf %sub3A_930, %sub3A_928 : vector<16xf32>
      %sub3A_941 = vector.broadcast %mul3A_32 : i32 to vector<16xi32>
      %sub3A_942 = arith.subi %convert_element_type3A_899, %sub3A_941 : vector<16xi32>
      %mul3A_943 = arith.constant 384 : i32
      %mul3A_944 = vector.broadcast %mul3A_943 : i32 to vector<16xi32>
      %mul3A_945 = arith.muli %sub3A_942, %mul3A_944 : vector<16xi32>
      %add3A_946 = arith.addi %mul3A_945, %convert_element_type3A_926 : vector<16xi32>
      %mul3A_947 = arith.mulf %mul3A_937, %mul3A_937 : vector<16xf32>
      tpu.vector_store_idx %arg5[%add3A_946], %mul3A_947 masked %and3A_904 {add = true} : memref<92160xf32, #tpu.memory_space<vmem>>[vector<16xi32>], vector<16xf32>, vector<16xi1>
      %add3A_948 = arith.constant 18432 : i32
      %add3A_949 = vector.broadcast %add3A_948 : i32 to vector<16xi32>
      %add3A_950 = arith.addi %add3A_946, %add3A_949 : vector<16xi32>
      %mul3A_951 = arith.mulf %mul3A_937, %mul3A_938 : vector<16xf32>
      tpu.vector_store_idx %arg5[%add3A_950], %mul3A_951 masked %and3A_904 {add = true} : memref<92160xf32, #tpu.memory_space<vmem>>[vector<16xi32>], vector<16xf32>, vector<16xi1>
      %add3A_952 = arith.constant 36864 : i32
      %add3A_953 = vector.broadcast %add3A_952 : i32 to vector<16xi32>
      %add3A_954 = arith.addi %add3A_946, %add3A_953 : vector<16xi32>
      %mul3A_955 = arith.mulf %mul3A_937, %mul3A_939 : vector<16xf32>
      tpu.vector_store_idx %arg5[%add3A_954], %mul3A_955 masked %and3A_904 {add = true} : memref<92160xf32, #tpu.memory_space<vmem>>[vector<16xi32>], vector<16xf32>, vector<16xi1>
      %add3A_956 = arith.constant 55296 : i32
      %add3A_957 = vector.broadcast %add3A_956 : i32 to vector<16xi32>
      %add3A_958 = arith.addi %add3A_946, %add3A_957 : vector<16xi32>
      %mul3A_959 = arith.mulf %mul3A_937, %mul3A_940 : vector<16xf32>
      tpu.vector_store_idx %arg5[%add3A_958], %mul3A_959 masked %and3A_904 {add = true} : memref<92160xf32, #tpu.memory_space<vmem>>[vector<16xi32>], vector<16xf32>, vector<16xi1>
      %add3A_960 = arith.constant 1 : i32
      %add3A_961 = vector.broadcast %add3A_960 : i32 to vector<16xi32>
      %add3A_962 = arith.addi %add3A_946, %add3A_961 : vector<16xi32>
      %mul3A_963 = arith.mulf %mul3A_938, %mul3A_938 : vector<16xf32>
      tpu.vector_store_idx %arg5[%add3A_962], %mul3A_963 masked %and3A_904 {add = true} : memref<92160xf32, #tpu.memory_space<vmem>>[vector<16xi32>], vector<16xf32>, vector<16xi1>
      %add3A_964 = arith.constant 1 : i32
      %add3A_965 = vector.broadcast %add3A_964 : i32 to vector<16xi32>
      %add3A_966 = arith.addi %add3A_946, %add3A_965 : vector<16xi32>
      %add3A_967 = arith.constant 73728 : i32
      %add3A_968 = vector.broadcast %add3A_967 : i32 to vector<16xi32>
      %add3A_969 = arith.addi %add3A_966, %add3A_968 : vector<16xi32>
      %mul3A_970 = arith.mulf %mul3A_938, %mul3A_939 : vector<16xf32>
      tpu.vector_store_idx %arg5[%add3A_969], %mul3A_970 masked %and3A_904 {add = true} : memref<92160xf32, #tpu.memory_space<vmem>>[vector<16xi32>], vector<16xf32>, vector<16xi1>
      %add3A_971 = arith.constant 1 : i32
      %add3A_972 = vector.broadcast %add3A_971 : i32 to vector<16xi32>
      %add3A_973 = arith.addi %add3A_946, %add3A_972 : vector<16xi32>
      %add3A_974 = arith.constant 36864 : i32
      %add3A_975 = vector.broadcast %add3A_974 : i32 to vector<16xi32>
      %add3A_976 = arith.addi %add3A_973, %add3A_975 : vector<16xi32>
      %mul3A_977 = arith.mulf %mul3A_938, %mul3A_940 : vector<16xf32>
      tpu.vector_store_idx %arg5[%add3A_976], %mul3A_977 masked %and3A_904 {add = true} : memref<92160xf32, #tpu.memory_space<vmem>>[vector<16xi32>], vector<16xf32>, vector<16xi1>
      %add3A_978 = arith.constant 384 : i32
      %add3A_979 = vector.broadcast %add3A_978 : i32 to vector<16xi32>
      %add3A_980 = arith.addi %add3A_946, %add3A_979 : vector<16xi32>
      %mul3A_981 = arith.mulf %mul3A_939, %mul3A_939 : vector<16xf32>
      tpu.vector_store_idx %arg5[%add3A_980], %mul3A_981 masked %and3A_912 {add = true} : memref<92160xf32, #tpu.memory_space<vmem>>[vector<16xi32>], vector<16xf32>, vector<16xi1>
      %add3A_982 = arith.constant 384 : i32
      %add3A_983 = vector.broadcast %add3A_982 : i32 to vector<16xi32>
      %add3A_984 = arith.addi %add3A_946, %add3A_983 : vector<16xi32>
      %add3A_985 = arith.constant 18432 : i32
      %add3A_986 = vector.broadcast %add3A_985 : i32 to vector<16xi32>
      %add3A_987 = arith.addi %add3A_984, %add3A_986 : vector<16xi32>
      %mul3A_988 = arith.mulf %mul3A_939, %mul3A_940 : vector<16xf32>
      tpu.vector_store_idx %arg5[%add3A_987], %mul3A_988 masked %and3A_912 {add = true} : memref<92160xf32, #tpu.memory_space<vmem>>[vector<16xi32>], vector<16xf32>, vector<16xi1>
      %add3A_989 = arith.constant 384 : i32
      %add3A_990 = vector.broadcast %add3A_989 : i32 to vector<16xi32>
      %add3A_991 = arith.addi %add3A_946, %add3A_990 : vector<16xi32>
      %add3A_992 = arith.constant 1 : i32
      %add3A_993 = vector.broadcast %add3A_992 : i32 to vector<16xi32>
      %add3A_994 = arith.addi %add3A_991, %add3A_993 : vector<16xi32>
      %mul3A_995 = arith.mulf %mul3A_940, %mul3A_940 : vector<16xf32>
      tpu.vector_store_idx %arg5[%add3A_994], %mul3A_995 masked %and3A_912 {add = true} : memref<92160xf32, #tpu.memory_space<vmem>>[vector<16xi32>], vector<16xf32>, vector<16xi1>
    }
    %scan3A_51 = arith.constant 72 : i32
    %mul3A_52 = arith.constant 384 : i32
    %mul3A_53 = arith.muli %mul3A_32, %mul3A_52 : i32
    %add3A_54 = arith.constant 0 : i32
    %add3A_55 = arith.addi %add3A_54, %mul3A_53 : i32
    "tpu.region"() ({
      %run_scoped3A = tpu.sem_alloc : memref<!tpu.dma_semaphore, #tpu.memory_space<semaphore_mem>>
      %dma_start3A = arith.constant 0 : i32
      %dma_start3A_72 = tpu.memref_slice %arg5[%dma_start3A] : memref<92160xf32, #tpu.memory_space<vmem>> -> memref<18432xf32, #tpu.memory_space<vmem>>
      %dma_start3A_73 = tpu.memref_slice %arg3[%select_n3A_9, %add3A_55] : memref<4x737280xf32, #tpu.memory_space<hbm>> -> memref<1x18432xf32, #tpu.memory_space<hbm>>
      %dma_start3A_74 = tpu.memref_squeeze %dma_start3A_73 : memref<1x18432xf32, #tpu.memory_space<hbm>> -> memref<18432xf32, #tpu.memory_space<hbm>>
      %dma_start3A_75 = tpu.memref_slice %arg3[%select_n3A_9, %add3A_55] : memref<4x737280xf32, #tpu.memory_space<hbm>> -> memref<1x18432xf32, #tpu.memory_space<hbm>>
      %dma_start3A_76 = tpu.memref_squeeze %dma_start3A_75 : memref<1x18432xf32, #tpu.memory_space<hbm>> -> memref<18432xf32, #tpu.memory_space<hbm>>
      %dma_start3A_77 = arith.constant 0 : i32
      %dma_start3A_78 = tpu.memref_slice %arg5[%dma_start3A_77] : memref<92160xf32, #tpu.memory_space<vmem>> -> memref<18432xf32, #tpu.memory_space<vmem>>
      tpu.enqueue_dma source(%dma_start3A_78 : memref<18432xf32, #tpu.memory_space<vmem>>) target(%dma_start3A_76 : memref<18432xf32, #tpu.memory_space<hbm>>) target_semaphore(%run_scoped3A : memref<!tpu.dma_semaphore, #tpu.memory_space<semaphore_mem>>)
      %dma_wait3A = arith.constant 0 : i32
      %dma_wait3A_79 = tpu.memref_slice %arg5[%dma_wait3A] : memref<92160xf32, #tpu.memory_space<vmem>> -> memref<18432xf32, #tpu.memory_space<vmem>>
      %dma_wait3A_80 = tpu.memref_slice %arg3[%select_n3A_9, %add3A_55] : memref<4x737280xf32, #tpu.memory_space<hbm>> -> memref<1x18432xf32, #tpu.memory_space<hbm>>
      %dma_wait3A_81 = tpu.memref_squeeze %dma_wait3A_80 : memref<1x18432xf32, #tpu.memory_space<hbm>> -> memref<18432xf32, #tpu.memory_space<hbm>>
      %dma_wait3A_82 = tpu.memref_slice %arg3[%select_n3A_9, %add3A_55] : memref<4x737280xf32, #tpu.memory_space<hbm>> -> memref<1x18432xf32, #tpu.memory_space<hbm>>
      %dma_wait3A_83 = tpu.memref_squeeze %dma_wait3A_82 : memref<1x18432xf32, #tpu.memory_space<hbm>> -> memref<18432xf32, #tpu.memory_space<hbm>>
      %dma_wait3A_84 = arith.constant 0 : i32
      %dma_wait3A_85 = tpu.memref_slice %arg5[%dma_wait3A_84] : memref<92160xf32, #tpu.memory_space<vmem>> -> memref<18432xf32, #tpu.memory_space<vmem>>
      tpu.wait_dma2 semaphore(%run_scoped3A : memref<!tpu.dma_semaphore, #tpu.memory_space<semaphore_mem>>) src(%dma_wait3A_85 : memref<18432xf32, #tpu.memory_space<vmem>>) dst(%dma_wait3A_83 : memref<18432xf32, #tpu.memory_space<hbm>>)
      tpu.yield
    }) : () -> ()
    %mul3A_56 = arith.constant 384 : i32
    %mul3A_57 = arith.muli %mul3A_32, %mul3A_56 : i32
    %add3A_58 = arith.constant 147456 : i32
    %add3A_59 = arith.addi %add3A_58, %mul3A_57 : i32
    "tpu.region"() ({
      %run_scoped3A = tpu.sem_alloc : memref<!tpu.dma_semaphore, #tpu.memory_space<semaphore_mem>>
      %dma_start3A = arith.constant 18432 : i32
      %dma_start3A_72 = tpu.memref_slice %arg5[%dma_start3A] : memref<92160xf32, #tpu.memory_space<vmem>> -> memref<18432xf32, #tpu.memory_space<vmem>>
      %dma_start3A_73 = tpu.memref_slice %arg3[%select_n3A_9, %add3A_59] : memref<4x737280xf32, #tpu.memory_space<hbm>> -> memref<1x18432xf32, #tpu.memory_space<hbm>>
      %dma_start3A_74 = tpu.memref_squeeze %dma_start3A_73 : memref<1x18432xf32, #tpu.memory_space<hbm>> -> memref<18432xf32, #tpu.memory_space<hbm>>
      %dma_start3A_75 = tpu.memref_slice %arg3[%select_n3A_9, %add3A_59] : memref<4x737280xf32, #tpu.memory_space<hbm>> -> memref<1x18432xf32, #tpu.memory_space<hbm>>
      %dma_start3A_76 = tpu.memref_squeeze %dma_start3A_75 : memref<1x18432xf32, #tpu.memory_space<hbm>> -> memref<18432xf32, #tpu.memory_space<hbm>>
      %dma_start3A_77 = arith.constant 18432 : i32
      %dma_start3A_78 = tpu.memref_slice %arg5[%dma_start3A_77] : memref<92160xf32, #tpu.memory_space<vmem>> -> memref<18432xf32, #tpu.memory_space<vmem>>
      tpu.enqueue_dma source(%dma_start3A_78 : memref<18432xf32, #tpu.memory_space<vmem>>) target(%dma_start3A_76 : memref<18432xf32, #tpu.memory_space<hbm>>) target_semaphore(%run_scoped3A : memref<!tpu.dma_semaphore, #tpu.memory_space<semaphore_mem>>)
      %dma_wait3A = arith.constant 18432 : i32
      %dma_wait3A_79 = tpu.memref_slice %arg5[%dma_wait3A] : memref<92160xf32, #tpu.memory_space<vmem>> -> memref<18432xf32, #tpu.memory_space<vmem>>
      %dma_wait3A_80 = tpu.memref_slice %arg3[%select_n3A_9, %add3A_59] : memref<4x737280xf32, #tpu.memory_space<hbm>> -> memref<1x18432xf32, #tpu.memory_space<hbm>>
      %dma_wait3A_81 = tpu.memref_squeeze %dma_wait3A_80 : memref<1x18432xf32, #tpu.memory_space<hbm>> -> memref<18432xf32, #tpu.memory_space<hbm>>
      %dma_wait3A_82 = tpu.memref_slice %arg3[%select_n3A_9, %add3A_59] : memref<4x737280xf32, #tpu.memory_space<hbm>> -> memref<1x18432xf32, #tpu.memory_space<hbm>>
      %dma_wait3A_83 = tpu.memref_squeeze %dma_wait3A_82 : memref<1x18432xf32, #tpu.memory_space<hbm>> -> memref<18432xf32, #tpu.memory_space<hbm>>
      %dma_wait3A_84 = arith.constant 18432 : i32
      %dma_wait3A_85 = tpu.memref_slice %arg5[%dma_wait3A_84] : memref<92160xf32, #tpu.memory_space<vmem>> -> memref<18432xf32, #tpu.memory_space<vmem>>
      tpu.wait_dma2 semaphore(%run_scoped3A : memref<!tpu.dma_semaphore, #tpu.memory_space<semaphore_mem>>) src(%dma_wait3A_85 : memref<18432xf32, #tpu.memory_space<vmem>>) dst(%dma_wait3A_83 : memref<18432xf32, #tpu.memory_space<hbm>>)
      tpu.yield
    }) : () -> ()
    %mul3A_60 = arith.constant 384 : i32
    %mul3A_61 = arith.muli %mul3A_32, %mul3A_60 : i32
    %add3A_62 = arith.constant 294912 : i32
    %add3A_63 = arith.addi %add3A_62, %mul3A_61 : i32
    "tpu.region"() ({
      %run_scoped3A = tpu.sem_alloc : memref<!tpu.dma_semaphore, #tpu.memory_space<semaphore_mem>>
      %dma_start3A = arith.constant 36864 : i32
      %dma_start3A_72 = tpu.memref_slice %arg5[%dma_start3A] : memref<92160xf32, #tpu.memory_space<vmem>> -> memref<18432xf32, #tpu.memory_space<vmem>>
      %dma_start3A_73 = tpu.memref_slice %arg3[%select_n3A_9, %add3A_63] : memref<4x737280xf32, #tpu.memory_space<hbm>> -> memref<1x18432xf32, #tpu.memory_space<hbm>>
      %dma_start3A_74 = tpu.memref_squeeze %dma_start3A_73 : memref<1x18432xf32, #tpu.memory_space<hbm>> -> memref<18432xf32, #tpu.memory_space<hbm>>
      %dma_start3A_75 = tpu.memref_slice %arg3[%select_n3A_9, %add3A_63] : memref<4x737280xf32, #tpu.memory_space<hbm>> -> memref<1x18432xf32, #tpu.memory_space<hbm>>
      %dma_start3A_76 = tpu.memref_squeeze %dma_start3A_75 : memref<1x18432xf32, #tpu.memory_space<hbm>> -> memref<18432xf32, #tpu.memory_space<hbm>>
      %dma_start3A_77 = arith.constant 36864 : i32
      %dma_start3A_78 = tpu.memref_slice %arg5[%dma_start3A_77] : memref<92160xf32, #tpu.memory_space<vmem>> -> memref<18432xf32, #tpu.memory_space<vmem>>
      tpu.enqueue_dma source(%dma_start3A_78 : memref<18432xf32, #tpu.memory_space<vmem>>) target(%dma_start3A_76 : memref<18432xf32, #tpu.memory_space<hbm>>) target_semaphore(%run_scoped3A : memref<!tpu.dma_semaphore, #tpu.memory_space<semaphore_mem>>)
      %dma_wait3A = arith.constant 36864 : i32
      %dma_wait3A_79 = tpu.memref_slice %arg5[%dma_wait3A] : memref<92160xf32, #tpu.memory_space<vmem>> -> memref<18432xf32, #tpu.memory_space<vmem>>
      %dma_wait3A_80 = tpu.memref_slice %arg3[%select_n3A_9, %add3A_63] : memref<4x737280xf32, #tpu.memory_space<hbm>> -> memref<1x18432xf32, #tpu.memory_space<hbm>>
      %dma_wait3A_81 = tpu.memref_squeeze %dma_wait3A_80 : memref<1x18432xf32, #tpu.memory_space<hbm>> -> memref<18432xf32, #tpu.memory_space<hbm>>
      %dma_wait3A_82 = tpu.memref_slice %arg3[%select_n3A_9, %add3A_63] : memref<4x737280xf32, #tpu.memory_space<hbm>> -> memref<1x18432xf32, #tpu.memory_space<hbm>>
      %dma_wait3A_83 = tpu.memref_squeeze %dma_wait3A_82 : memref<1x18432xf32, #tpu.memory_space<hbm>> -> memref<18432xf32, #tpu.memory_space<hbm>>
      %dma_wait3A_84 = arith.constant 36864 : i32
      %dma_wait3A_85 = tpu.memref_slice %arg5[%dma_wait3A_84] : memref<92160xf32, #tpu.memory_space<vmem>> -> memref<18432xf32, #tpu.memory_space<vmem>>
      tpu.wait_dma2 semaphore(%run_scoped3A : memref<!tpu.dma_semaphore, #tpu.memory_space<semaphore_mem>>) src(%dma_wait3A_85 : memref<18432xf32, #tpu.memory_space<vmem>>) dst(%dma_wait3A_83 : memref<18432xf32, #tpu.memory_space<hbm>>)
      tpu.yield
    }) : () -> ()
    %mul3A_64 = arith.constant 384 : i32
    %mul3A_65 = arith.muli %mul3A_32, %mul3A_64 : i32
    %add3A_66 = arith.constant 442368 : i32
    %add3A_67 = arith.addi %add3A_66, %mul3A_65 : i32
    "tpu.region"() ({
      %run_scoped3A = tpu.sem_alloc : memref<!tpu.dma_semaphore, #tpu.memory_space<semaphore_mem>>
      %dma_start3A = arith.constant 55296 : i32
      %dma_start3A_72 = tpu.memref_slice %arg5[%dma_start3A] : memref<92160xf32, #tpu.memory_space<vmem>> -> memref<18432xf32, #tpu.memory_space<vmem>>
      %dma_start3A_73 = tpu.memref_slice %arg3[%select_n3A_9, %add3A_67] : memref<4x737280xf32, #tpu.memory_space<hbm>> -> memref<1x18432xf32, #tpu.memory_space<hbm>>
      %dma_start3A_74 = tpu.memref_squeeze %dma_start3A_73 : memref<1x18432xf32, #tpu.memory_space<hbm>> -> memref<18432xf32, #tpu.memory_space<hbm>>
      %dma_start3A_75 = tpu.memref_slice %arg3[%select_n3A_9, %add3A_67] : memref<4x737280xf32, #tpu.memory_space<hbm>> -> memref<1x18432xf32, #tpu.memory_space<hbm>>
      %dma_start3A_76 = tpu.memref_squeeze %dma_start3A_75 : memref<1x18432xf32, #tpu.memory_space<hbm>> -> memref<18432xf32, #tpu.memory_space<hbm>>
      %dma_start3A_77 = arith.constant 55296 : i32
      %dma_start3A_78 = tpu.memref_slice %arg5[%dma_start3A_77] : memref<92160xf32, #tpu.memory_space<vmem>> -> memref<18432xf32, #tpu.memory_space<vmem>>
      tpu.enqueue_dma source(%dma_start3A_78 : memref<18432xf32, #tpu.memory_space<vmem>>) target(%dma_start3A_76 : memref<18432xf32, #tpu.memory_space<hbm>>) target_semaphore(%run_scoped3A : memref<!tpu.dma_semaphore, #tpu.memory_space<semaphore_mem>>)
      %dma_wait3A = arith.constant 55296 : i32
      %dma_wait3A_79 = tpu.memref_slice %arg5[%dma_wait3A] : memref<92160xf32, #tpu.memory_space<vmem>> -> memref<18432xf32, #tpu.memory_space<vmem>>
      %dma_wait3A_80 = tpu.memref_slice %arg3[%select_n3A_9, %add3A_67] : memref<4x737280xf32, #tpu.memory_space<hbm>> -> memref<1x18432xf32, #tpu.memory_space<hbm>>
      %dma_wait3A_81 = tpu.memref_squeeze %dma_wait3A_80 : memref<1x18432xf32, #tpu.memory_space<hbm>> -> memref<18432xf32, #tpu.memory_space<hbm>>
      %dma_wait3A_82 = tpu.memref_slice %arg3[%select_n3A_9, %add3A_67] : memref<4x737280xf32, #tpu.memory_space<hbm>> -> memref<1x18432xf32, #tpu.memory_space<hbm>>
      %dma_wait3A_83 = tpu.memref_squeeze %dma_wait3A_82 : memref<1x18432xf32, #tpu.memory_space<hbm>> -> memref<18432xf32, #tpu.memory_space<hbm>>
      %dma_wait3A_84 = arith.constant 55296 : i32
      %dma_wait3A_85 = tpu.memref_slice %arg5[%dma_wait3A_84] : memref<92160xf32, #tpu.memory_space<vmem>> -> memref<18432xf32, #tpu.memory_space<vmem>>
      tpu.wait_dma2 semaphore(%run_scoped3A : memref<!tpu.dma_semaphore, #tpu.memory_space<semaphore_mem>>) src(%dma_wait3A_85 : memref<18432xf32, #tpu.memory_space<vmem>>) dst(%dma_wait3A_83 : memref<18432xf32, #tpu.memory_space<hbm>>)
      tpu.yield
    }) : () -> ()
    %mul3A_68 = arith.constant 384 : i32
    %mul3A_69 = arith.muli %mul3A_32, %mul3A_68 : i32
    %add3A_70 = arith.constant 589824 : i32
    %add3A_71 = arith.addi %add3A_70, %mul3A_69 : i32
    "tpu.region"() ({
      %run_scoped3A = tpu.sem_alloc : memref<!tpu.dma_semaphore, #tpu.memory_space<semaphore_mem>>
      %dma_start3A = arith.constant 73728 : i32
      %dma_start3A_72 = tpu.memref_slice %arg5[%dma_start3A] : memref<92160xf32, #tpu.memory_space<vmem>> -> memref<18432xf32, #tpu.memory_space<vmem>>
      %dma_start3A_73 = tpu.memref_slice %arg3[%select_n3A_9, %add3A_71] : memref<4x737280xf32, #tpu.memory_space<hbm>> -> memref<1x18432xf32, #tpu.memory_space<hbm>>
      %dma_start3A_74 = tpu.memref_squeeze %dma_start3A_73 : memref<1x18432xf32, #tpu.memory_space<hbm>> -> memref<18432xf32, #tpu.memory_space<hbm>>
      %dma_start3A_75 = tpu.memref_slice %arg3[%select_n3A_9, %add3A_71] : memref<4x737280xf32, #tpu.memory_space<hbm>> -> memref<1x18432xf32, #tpu.memory_space<hbm>>
      %dma_start3A_76 = tpu.memref_squeeze %dma_start3A_75 : memref<1x18432xf32, #tpu.memory_space<hbm>> -> memref<18432xf32, #tpu.memory_space<hbm>>
      %dma_start3A_77 = arith.constant 73728 : i32
      %dma_start3A_78 = tpu.memref_slice %arg5[%dma_start3A_77] : memref<92160xf32, #tpu.memory_space<vmem>> -> memref<18432xf32, #tpu.memory_space<vmem>>
      tpu.enqueue_dma source(%dma_start3A_78 : memref<18432xf32, #tpu.memory_space<vmem>>) target(%dma_start3A_76 : memref<18432xf32, #tpu.memory_space<hbm>>) target_semaphore(%run_scoped3A : memref<!tpu.dma_semaphore, #tpu.memory_space<semaphore_mem>>)
      %dma_wait3A = arith.constant 73728 : i32
      %dma_wait3A_79 = tpu.memref_slice %arg5[%dma_wait3A] : memref<92160xf32, #tpu.memory_space<vmem>> -> memref<18432xf32, #tpu.memory_space<vmem>>
      %dma_wait3A_80 = tpu.memref_slice %arg3[%select_n3A_9, %add3A_71] : memref<4x737280xf32, #tpu.memory_space<hbm>> -> memref<1x18432xf32, #tpu.memory_space<hbm>>
      %dma_wait3A_81 = tpu.memref_squeeze %dma_wait3A_80 : memref<1x18432xf32, #tpu.memory_space<hbm>> -> memref<18432xf32, #tpu.memory_space<hbm>>
      %dma_wait3A_82 = tpu.memref_slice %arg3[%select_n3A_9, %add3A_71] : memref<4x737280xf32, #tpu.memory_space<hbm>> -> memref<1x18432xf32, #tpu.memory_space<hbm>>
      %dma_wait3A_83 = tpu.memref_squeeze %dma_wait3A_82 : memref<1x18432xf32, #tpu.memory_space<hbm>> -> memref<18432xf32, #tpu.memory_space<hbm>>
      %dma_wait3A_84 = arith.constant 73728 : i32
      %dma_wait3A_85 = tpu.memref_slice %arg5[%dma_wait3A_84] : memref<92160xf32, #tpu.memory_space<vmem>> -> memref<18432xf32, #tpu.memory_space<vmem>>
      tpu.wait_dma2 semaphore(%run_scoped3A : memref<!tpu.dma_semaphore, #tpu.memory_space<semaphore_mem>>) src(%dma_wait3A_85 : memref<18432xf32, #tpu.memory_space<vmem>>) dst(%dma_wait3A_83 : memref<18432xf32, #tpu.memory_space<hbm>>)
      tpu.yield
    }) : () -> ()
    return
  }
}

module attributes {stable_mosaic.version = 14 : i64} {
  func.func @_tc_body(%arg0: i32, %arg1: memref<1x2x384x384xf32, #tpu.memory_space<vmem>>, %arg2: memref<4x5x384x384xf32, #tpu.memory_space<vmem>>, %arg3: memref<384x384xf32, #tpu.memory_space<vmem>>, %arg4: memref<384x384xf32, #tpu.memory_space<vmem>>, %arg5: memref<384x384xf32, #tpu.memory_space<vmem>>, %arg6: memref<1x1x2x384x384xf32, #tpu.memory_space<vmem>>, %arg7: memref<5x384x384xf32, #tpu.memory_space<vmem>>) attributes {dimension_semantics = [#tpu.dimension_semantics<arbitrary>], iteration_bounds = array<i64: 8>, scalar_prefetch = 0 : i64, scratch_operands = 1 : i64, tpu.core_type = #tpu.core_type<tc>, window_params = [{transform_indices = @transform_0, window_bounds = array<i64: 1, 2, 384, 384>}, {pipeline_mode = #tpu.pipeline_mode<synchronous>, transform_indices = @transform_1, window_bounds = array<i64: 4, 5, 384, 384>}, {pipeline_mode = #tpu.pipeline_mode<synchronous>, transform_indices = @transform_2, window_bounds = array<i64: 384, 384>}, {pipeline_mode = #tpu.pipeline_mode<synchronous>, transform_indices = @transform_3, window_bounds = array<i64: 384, 384>}, {pipeline_mode = #tpu.pipeline_mode<synchronous>, transform_indices = @transform_4, window_bounds = array<i64: 384, 384>}, {transform_indices = @transform_5, window_bounds = array<i64: 1, 1, 2, 384, 384>}]} {
    %eq3A = arith.constant 0 : i32
    %eq3A_0 = arith.cmpi eq, %arg0, %eq3A : i32
    %convert_element_type3A = arith.extui %eq3A_0 : i1 to i32
    %cond3A = arith.constant 0 : i32
    %cond3A_1 = arith.cmpi ne, %convert_element_type3A, %cond3A : i32
    scf.if %cond3A_1 {
      %get3A_207 = arith.constant 0 : index
      %get3A_208 = arith.constant 0 : index
      %get3A_209 = arith.constant 0 : index
      %get3A_210 = arith.constant 0 : index
      %get3A_211 = vector.load %arg2[%get3A_207, %get3A_208, %get3A_209, %get3A_210] : memref<4x5x384x384xf32, #tpu.memory_space<vmem>>, vector<1x1x384x384xf32>
      %get3A_212 = vector.shape_cast %get3A_211 : vector<1x1x384x384xf32> to vector<384x384xf32>
      %get3A_213 = arith.constant 1 : index
      %get3A_214 = arith.constant 0 : index
      %get3A_215 = arith.constant 0 : index
      %get3A_216 = arith.constant 0 : index
      %get3A_217 = vector.load %arg2[%get3A_213, %get3A_214, %get3A_215, %get3A_216] : memref<4x5x384x384xf32, #tpu.memory_space<vmem>>, vector<1x1x384x384xf32>
      %get3A_218 = vector.shape_cast %get3A_217 : vector<1x1x384x384xf32> to vector<384x384xf32>
      %add3A_219 = arith.addf %get3A_212, %get3A_218 : vector<384x384xf32>
      %get3A_220 = arith.constant 2 : index
      %get3A_221 = arith.constant 0 : index
      %get3A_222 = arith.constant 0 : index
      %get3A_223 = arith.constant 0 : index
      %get3A_224 = vector.load %arg2[%get3A_220, %get3A_221, %get3A_222, %get3A_223] : memref<4x5x384x384xf32, #tpu.memory_space<vmem>>, vector<1x1x384x384xf32>
      %get3A_225 = vector.shape_cast %get3A_224 : vector<1x1x384x384xf32> to vector<384x384xf32>
      %get3A_226 = arith.constant 3 : index
      %get3A_227 = arith.constant 0 : index
      %get3A_228 = arith.constant 0 : index
      %get3A_229 = arith.constant 0 : index
      %get3A_230 = vector.load %arg2[%get3A_226, %get3A_227, %get3A_228, %get3A_229] : memref<4x5x384x384xf32, #tpu.memory_space<vmem>>, vector<1x1x384x384xf32>
      %get3A_231 = vector.shape_cast %get3A_230 : vector<1x1x384x384xf32> to vector<384x384xf32>
      %add3A_232 = arith.addf %get3A_225, %get3A_231 : vector<384x384xf32>
      %add3A_233 = arith.addf %add3A_219, %add3A_232 : vector<384x384xf32>
      %swap3A_234 = arith.constant 0 : index
      %swap3A_235 = arith.constant 0 : index
      %swap3A_236 = arith.constant 0 : index
      %swap3A_237 = vector.load %arg7[%swap3A_234, %swap3A_235, %swap3A_236] : memref<5x384x384xf32, #tpu.memory_space<vmem>>, vector<1x384x384xf32>
      %swap3A_238 = vector.shape_cast %swap3A_237 : vector<1x384x384xf32> to vector<384x384xf32>
      %swap3A_239 = vector.shape_cast %add3A_233 : vector<384x384xf32> to vector<1x384x384xf32>
      tpu.vector_store %arg7[%swap3A_234, %swap3A_235, %swap3A_236], %swap3A_239 {strides = array<i32>} : memref<5x384x384xf32, #tpu.memory_space<vmem>>, vector<1x384x384xf32>,
      %get3A_240 = arith.constant 0 : index
      %get3A_241 = arith.constant 1 : index
      %get3A_242 = arith.constant 0 : index
      %get3A_243 = arith.constant 0 : index
      %get3A_244 = vector.load %arg2[%get3A_240, %get3A_241, %get3A_242, %get3A_243] : memref<4x5x384x384xf32, #tpu.memory_space<vmem>>, vector<1x1x384x384xf32>
      %get3A_245 = vector.shape_cast %get3A_244 : vector<1x1x384x384xf32> to vector<384x384xf32>
      %get3A_246 = arith.constant 1 : index
      %get3A_247 = arith.constant 1 : index
      %get3A_248 = arith.constant 0 : index
      %get3A_249 = arith.constant 0 : index
      %get3A_250 = vector.load %arg2[%get3A_246, %get3A_247, %get3A_248, %get3A_249] : memref<4x5x384x384xf32, #tpu.memory_space<vmem>>, vector<1x1x384x384xf32>
      %get3A_251 = vector.shape_cast %get3A_250 : vector<1x1x384x384xf32> to vector<384x384xf32>
      %add3A_252 = arith.addf %get3A_245, %get3A_251 : vector<384x384xf32>
      %get3A_253 = arith.constant 2 : index
      %get3A_254 = arith.constant 1 : index
      %get3A_255 = arith.constant 0 : index
      %get3A_256 = arith.constant 0 : index
      %get3A_257 = vector.load %arg2[%get3A_253, %get3A_254, %get3A_255, %get3A_256] : memref<4x5x384x384xf32, #tpu.memory_space<vmem>>, vector<1x1x384x384xf32>
      %get3A_258 = vector.shape_cast %get3A_257 : vector<1x1x384x384xf32> to vector<384x384xf32>
      %get3A_259 = arith.constant 3 : index
      %get3A_260 = arith.constant 1 : index
      %get3A_261 = arith.constant 0 : index
      %get3A_262 = arith.constant 0 : index
      %get3A_263 = vector.load %arg2[%get3A_259, %get3A_260, %get3A_261, %get3A_262] : memref<4x5x384x384xf32, #tpu.memory_space<vmem>>, vector<1x1x384x384xf32>
      %get3A_264 = vector.shape_cast %get3A_263 : vector<1x1x384x384xf32> to vector<384x384xf32>
      %add3A_265 = arith.addf %get3A_258, %get3A_264 : vector<384x384xf32>
      %add3A_266 = arith.addf %add3A_252, %add3A_265 : vector<384x384xf32>
      %swap3A_267 = arith.constant 1 : index
      %swap3A_268 = arith.constant 0 : index
      %swap3A_269 = arith.constant 0 : index
      %swap3A_270 = vector.load %arg7[%swap3A_267, %swap3A_268, %swap3A_269] : memref<5x384x384xf32, #tpu.memory_space<vmem>>, vector<1x384x384xf32>
      %swap3A_271 = vector.shape_cast %swap3A_270 : vector<1x384x384xf32> to vector<384x384xf32>
      %swap3A_272 = vector.shape_cast %add3A_266 : vector<384x384xf32> to vector<1x384x384xf32>
      tpu.vector_store %arg7[%swap3A_267, %swap3A_268, %swap3A_269], %swap3A_272 {strides = array<i32>} : memref<5x384x384xf32, #tpu.memory_space<vmem>>, vector<1x384x384xf32>,
      %get3A_273 = arith.constant 0 : index
      %get3A_274 = arith.constant 2 : index
      %get3A_275 = arith.constant 0 : index
      %get3A_276 = arith.constant 0 : index
      %get3A_277 = vector.load %arg2[%get3A_273, %get3A_274, %get3A_275, %get3A_276] : memref<4x5x384x384xf32, #tpu.memory_space<vmem>>, vector<1x1x384x384xf32>
      %get3A_278 = vector.shape_cast %get3A_277 : vector<1x1x384x384xf32> to vector<384x384xf32>
      %get3A_279 = arith.constant 1 : index
      %get3A_280 = arith.constant 2 : index
      %get3A_281 = arith.constant 0 : index
      %get3A_282 = arith.constant 0 : index
      %get3A_283 = vector.load %arg2[%get3A_279, %get3A_280, %get3A_281, %get3A_282] : memref<4x5x384x384xf32, #tpu.memory_space<vmem>>, vector<1x1x384x384xf32>
      %get3A_284 = vector.shape_cast %get3A_283 : vector<1x1x384x384xf32> to vector<384x384xf32>
      %add3A_285 = arith.addf %get3A_278, %get3A_284 : vector<384x384xf32>
      %get3A_286 = arith.constant 2 : index
      %get3A_287 = arith.constant 2 : index
      %get3A_288 = arith.constant 0 : index
      %get3A_289 = arith.constant 0 : index
      %get3A_290 = vector.load %arg2[%get3A_286, %get3A_287, %get3A_288, %get3A_289] : memref<4x5x384x384xf32, #tpu.memory_space<vmem>>, vector<1x1x384x384xf32>
      %get3A_291 = vector.shape_cast %get3A_290 : vector<1x1x384x384xf32> to vector<384x384xf32>
      %get3A_292 = arith.constant 3 : index
      %get3A_293 = arith.constant 2 : index
      %get3A_294 = arith.constant 0 : index
      %get3A_295 = arith.constant 0 : index
      %get3A_296 = vector.load %arg2[%get3A_292, %get3A_293, %get3A_294, %get3A_295] : memref<4x5x384x384xf32, #tpu.memory_space<vmem>>, vector<1x1x384x384xf32>
      %get3A_297 = vector.shape_cast %get3A_296 : vector<1x1x384x384xf32> to vector<384x384xf32>
      %add3A_298 = arith.addf %get3A_291, %get3A_297 : vector<384x384xf32>
      %add3A_299 = arith.addf %add3A_285, %add3A_298 : vector<384x384xf32>
      %swap3A_300 = arith.constant 2 : index
      %swap3A_301 = arith.constant 0 : index
      %swap3A_302 = arith.constant 0 : index
      %swap3A_303 = vector.load %arg7[%swap3A_300, %swap3A_301, %swap3A_302] : memref<5x384x384xf32, #tpu.memory_space<vmem>>, vector<1x384x384xf32>
      %swap3A_304 = vector.shape_cast %swap3A_303 : vector<1x384x384xf32> to vector<384x384xf32>
      %swap3A_305 = vector.shape_cast %add3A_299 : vector<384x384xf32> to vector<1x384x384xf32>
      tpu.vector_store %arg7[%swap3A_300, %swap3A_301, %swap3A_302], %swap3A_305 {strides = array<i32>} : memref<5x384x384xf32, #tpu.memory_space<vmem>>, vector<1x384x384xf32>,
      %get3A_306 = arith.constant 0 : index
      %get3A_307 = arith.constant 3 : index
      %get3A_308 = arith.constant 0 : index
      %get3A_309 = arith.constant 0 : index
      %get3A_310 = vector.load %arg2[%get3A_306, %get3A_307, %get3A_308, %get3A_309] : memref<4x5x384x384xf32, #tpu.memory_space<vmem>>, vector<1x1x384x384xf32>
      %get3A_311 = vector.shape_cast %get3A_310 : vector<1x1x384x384xf32> to vector<384x384xf32>
      %get3A_312 = arith.constant 1 : index
      %get3A_313 = arith.constant 3 : index
      %get3A_314 = arith.constant 0 : index
      %get3A_315 = arith.constant 0 : index
      %get3A_316 = vector.load %arg2[%get3A_312, %get3A_313, %get3A_314, %get3A_315] : memref<4x5x384x384xf32, #tpu.memory_space<vmem>>, vector<1x1x384x384xf32>
      %get3A_317 = vector.shape_cast %get3A_316 : vector<1x1x384x384xf32> to vector<384x384xf32>
      %add3A_318 = arith.addf %get3A_311, %get3A_317 : vector<384x384xf32>
      %get3A_319 = arith.constant 2 : index
      %get3A_320 = arith.constant 3 : index
      %get3A_321 = arith.constant 0 : index
      %get3A_322 = arith.constant 0 : index
      %get3A_323 = vector.load %arg2[%get3A_319, %get3A_320, %get3A_321, %get3A_322] : memref<4x5x384x384xf32, #tpu.memory_space<vmem>>, vector<1x1x384x384xf32>
      %get3A_324 = vector.shape_cast %get3A_323 : vector<1x1x384x384xf32> to vector<384x384xf32>
      %get3A_325 = arith.constant 3 : index
      %get3A_326 = arith.constant 3 : index
      %get3A_327 = arith.constant 0 : index
      %get3A_328 = arith.constant 0 : index
      %get3A_329 = vector.load %arg2[%get3A_325, %get3A_326, %get3A_327, %get3A_328] : memref<4x5x384x384xf32, #tpu.memory_space<vmem>>, vector<1x1x384x384xf32>
      %get3A_330 = vector.shape_cast %get3A_329 : vector<1x1x384x384xf32> to vector<384x384xf32>
      %add3A_331 = arith.addf %get3A_324, %get3A_330 : vector<384x384xf32>
      %add3A_332 = arith.addf %add3A_318, %add3A_331 : vector<384x384xf32>
      %swap3A_333 = arith.constant 3 : index
      %swap3A_334 = arith.constant 0 : index
      %swap3A_335 = arith.constant 0 : index
      %swap3A_336 = vector.load %arg7[%swap3A_333, %swap3A_334, %swap3A_335] : memref<5x384x384xf32, #tpu.memory_space<vmem>>, vector<1x384x384xf32>
      %swap3A_337 = vector.shape_cast %swap3A_336 : vector<1x384x384xf32> to vector<384x384xf32>
      %swap3A_338 = vector.shape_cast %add3A_332 : vector<384x384xf32> to vector<1x384x384xf32>
      tpu.vector_store %arg7[%swap3A_333, %swap3A_334, %swap3A_335], %swap3A_338 {strides = array<i32>} : memref<5x384x384xf32, #tpu.memory_space<vmem>>, vector<1x384x384xf32>,
      %get3A_339 = arith.constant 0 : index
      %get3A_340 = arith.constant 4 : index
      %get3A_341 = arith.constant 0 : index
      %get3A_342 = arith.constant 0 : index
      %get3A_343 = vector.load %arg2[%get3A_339, %get3A_340, %get3A_341, %get3A_342] : memref<4x5x384x384xf32, #tpu.memory_space<vmem>>, vector<1x1x384x384xf32>
      %get3A_344 = vector.shape_cast %get3A_343 : vector<1x1x384x384xf32> to vector<384x384xf32>
      %get3A_345 = arith.constant 1 : index
      %get3A_346 = arith.constant 4 : index
      %get3A_347 = arith.constant 0 : index
      %get3A_348 = arith.constant 0 : index
      %get3A_349 = vector.load %arg2[%get3A_345, %get3A_346, %get3A_347, %get3A_348] : memref<4x5x384x384xf32, #tpu.memory_space<vmem>>, vector<1x1x384x384xf32>
      %get3A_350 = vector.shape_cast %get3A_349 : vector<1x1x384x384xf32> to vector<384x384xf32>
      %add3A_351 = arith.addf %get3A_344, %get3A_350 : vector<384x384xf32>
      %get3A_352 = arith.constant 2 : index
      %get3A_353 = arith.constant 4 : index
      %get3A_354 = arith.constant 0 : index
      %get3A_355 = arith.constant 0 : index
      %get3A_356 = vector.load %arg2[%get3A_352, %get3A_353, %get3A_354, %get3A_355] : memref<4x5x384x384xf32, #tpu.memory_space<vmem>>, vector<1x1x384x384xf32>
      %get3A_357 = vector.shape_cast %get3A_356 : vector<1x1x384x384xf32> to vector<384x384xf32>
      %get3A_358 = arith.constant 3 : index
      %get3A_359 = arith.constant 4 : index
      %get3A_360 = arith.constant 0 : index
      %get3A_361 = arith.constant 0 : index
      %get3A_362 = vector.load %arg2[%get3A_358, %get3A_359, %get3A_360, %get3A_361] : memref<4x5x384x384xf32, #tpu.memory_space<vmem>>, vector<1x1x384x384xf32>
      %get3A_363 = vector.shape_cast %get3A_362 : vector<1x1x384x384xf32> to vector<384x384xf32>
      %add3A_364 = arith.addf %get3A_357, %get3A_363 : vector<384x384xf32>
      %add3A_365 = arith.addf %add3A_351, %add3A_364 : vector<384x384xf32>
      %swap3A_366 = arith.constant 4 : index
      %swap3A_367 = arith.constant 0 : index
      %swap3A_368 = arith.constant 0 : index
      %swap3A_369 = vector.load %arg7[%swap3A_366, %swap3A_367, %swap3A_368] : memref<5x384x384xf32, #tpu.memory_space<vmem>>, vector<1x384x384xf32>
      %swap3A_370 = vector.shape_cast %swap3A_369 : vector<1x384x384xf32> to vector<384x384xf32>
      %swap3A_371 = vector.shape_cast %add3A_365 : vector<384x384xf32> to vector<1x384x384xf32>
      tpu.vector_store %arg7[%swap3A_366, %swap3A_367, %swap3A_368], %swap3A_371 {strides = array<i32>} : memref<5x384x384xf32, #tpu.memory_space<vmem>>, vector<1x384x384xf32>,
    } else {
    }
    %get3A = arith.constant 0 : index
    %get3A_2 = arith.constant 0 : index
    %get3A_3 = arith.constant 0 : index
    %get3A_4 = arith.constant 0 : index
    %get3A_5 = vector.load %arg1[%get3A, %get3A_2, %get3A_3, %get3A_4] : memref<1x2x384x384xf32, #tpu.memory_space<vmem>>, vector<1x1x384x384xf32>
    %get3A_6 = vector.shape_cast %get3A_5 : vector<1x1x384x384xf32> to vector<384x384xf32>
    %get3A_7 = arith.constant 0 : index
    %get3A_8 = arith.constant 1 : index
    %get3A_9 = arith.constant 0 : index
    %get3A_10 = arith.constant 0 : index
    %get3A_11 = vector.load %arg1[%get3A_7, %get3A_8, %get3A_9, %get3A_10] : memref<1x2x384x384xf32, #tpu.memory_space<vmem>>, vector<1x1x384x384xf32>
    %get3A_12 = vector.shape_cast %get3A_11 : vector<1x1x384x384xf32> to vector<384x384xf32>
    %get3A_13 = arith.constant 0 : index
    %get3A_14 = arith.constant 0 : index
    %get3A_15 = arith.constant 0 : index
    %get3A_16 = vector.load %arg7[%get3A_13, %get3A_14, %get3A_15] : memref<5x384x384xf32, #tpu.memory_space<vmem>>, vector<1x384x384xf32>
    %get3A_17 = vector.shape_cast %get3A_16 : vector<1x384x384xf32> to vector<384x384xf32>
    %mul3A = arith.mulf %get3A_17, %get3A_6 : vector<384x384xf32>
    %get3A_18 = arith.constant 1 : index
    %get3A_19 = arith.constant 0 : index
    %get3A_20 = arith.constant 0 : index
    %get3A_21 = vector.load %arg7[%get3A_18, %get3A_19, %get3A_20] : memref<5x384x384xf32, #tpu.memory_space<vmem>>, vector<1x384x384xf32>
    %get3A_22 = vector.shape_cast %get3A_21 : vector<1x384x384xf32> to vector<384x384xf32>
    %slice3A = vector.extract_strided_slice %get3A_6 {offsets = [0, 1], sizes = [384, 383], strides = [1, 1]} : vector<384x384xf32> to vector<384x383xf32>
    %slice3A_23 = vector.extract_strided_slice %get3A_6 {offsets = [0, 0], sizes = [384, 1], strides = [1, 1]} : vector<384x384xf32> to vector<384x1xf32>
    %concatenate3A = tpu.concatenate %slice3A, %slice3A_23 in 1 : vector<384x383xf32>, vector<384x1xf32> -> vector<384x384xf32>
    %mul3A_24 = arith.mulf %get3A_22, %concatenate3A : vector<384x384xf32>
    %add3A = arith.addf %mul3A, %mul3A_24 : vector<384x384xf32>
    %mul3A_25 = arith.mulf %get3A_22, %get3A_6 : vector<384x384xf32>
    %slice3A_26 = vector.extract_strided_slice %mul3A_25 {offsets = [0, 383], sizes = [384, 1], strides = [1, 1]} : vector<384x384xf32> to vector<384x1xf32>
    %slice3A_27 = vector.extract_strided_slice %mul3A_25 {offsets = [0, 0], sizes = [384, 383], strides = [1, 1]} : vector<384x384xf32> to vector<384x383xf32>
    %concatenate3A_28 = tpu.concatenate %slice3A_26, %slice3A_27 in 1 : vector<384x1xf32>, vector<384x383xf32> -> vector<384x384xf32>
    %add3A_29 = arith.addf %add3A, %concatenate3A_28 : vector<384x384xf32>
    %get3A_30 = arith.constant 2 : index
    %get3A_31 = arith.constant 0 : index
    %get3A_32 = arith.constant 0 : index
    %get3A_33 = vector.load %arg7[%get3A_30, %get3A_31, %get3A_32] : memref<5x384x384xf32, #tpu.memory_space<vmem>>, vector<1x384x384xf32>
    %get3A_34 = vector.shape_cast %get3A_33 : vector<1x384x384xf32> to vector<384x384xf32>
    %slice3A_35 = vector.extract_strided_slice %get3A_6 {offsets = [1, 0], sizes = [383, 384], strides = [1, 1]} : vector<384x384xf32> to vector<383x384xf32>
    %slice3A_36 = vector.extract_strided_slice %get3A_6 {offsets = [0, 0], sizes = [1, 384], strides = [1, 1]} : vector<384x384xf32> to vector<1x384xf32>
    %concatenate3A_37 = tpu.concatenate %slice3A_35, %slice3A_36 in 0 : vector<383x384xf32>, vector<1x384xf32> -> vector<384x384xf32>
    %mul3A_38 = arith.mulf %get3A_34, %concatenate3A_37 : vector<384x384xf32>
    %add3A_39 = arith.addf %add3A_29, %mul3A_38 : vector<384x384xf32>
    %mul3A_40 = arith.mulf %get3A_34, %get3A_6 : vector<384x384xf32>
    %slice3A_41 = vector.extract_strided_slice %mul3A_40 {offsets = [383, 0], sizes = [1, 384], strides = [1, 1]} : vector<384x384xf32> to vector<1x384xf32>
    %slice3A_42 = vector.extract_strided_slice %mul3A_40 {offsets = [0, 0], sizes = [383, 384], strides = [1, 1]} : vector<384x384xf32> to vector<383x384xf32>
    %concatenate3A_43 = tpu.concatenate %slice3A_41, %slice3A_42 in 0 : vector<1x384xf32>, vector<383x384xf32> -> vector<384x384xf32>
    %add3A_44 = arith.addf %add3A_39, %concatenate3A_43 : vector<384x384xf32>
    %get3A_45 = arith.constant 3 : index
    %get3A_46 = arith.constant 0 : index
    %get3A_47 = arith.constant 0 : index
    %get3A_48 = vector.load %arg7[%get3A_45, %get3A_46, %get3A_47] : memref<5x384x384xf32, #tpu.memory_space<vmem>>, vector<1x384x384xf32>
    %get3A_49 = vector.shape_cast %get3A_48 : vector<1x384x384xf32> to vector<384x384xf32>
    %slice3A_50 = vector.extract_strided_slice %get3A_6 {offsets = [1, 0], sizes = [383, 384], strides = [1, 1]} : vector<384x384xf32> to vector<383x384xf32>
    %slice3A_51 = vector.extract_strided_slice %get3A_6 {offsets = [0, 0], sizes = [1, 384], strides = [1, 1]} : vector<384x384xf32> to vector<1x384xf32>
    %concatenate3A_52 = tpu.concatenate %slice3A_50, %slice3A_51 in 0 : vector<383x384xf32>, vector<1x384xf32> -> vector<384x384xf32>
    %slice3A_53 = vector.extract_strided_slice %concatenate3A_52 {offsets = [0, 1], sizes = [384, 383], strides = [1, 1]} : vector<384x384xf32> to vector<384x383xf32>
    %slice3A_54 = vector.extract_strided_slice %concatenate3A_52 {offsets = [0, 0], sizes = [384, 1], strides = [1, 1]} : vector<384x384xf32> to vector<384x1xf32>
    %concatenate3A_55 = tpu.concatenate %slice3A_53, %slice3A_54 in 1 : vector<384x383xf32>, vector<384x1xf32> -> vector<384x384xf32>
    %mul3A_56 = arith.mulf %get3A_49, %concatenate3A_55 : vector<384x384xf32>
    %add3A_57 = arith.addf %add3A_44, %mul3A_56 : vector<384x384xf32>
    %mul3A_58 = arith.mulf %get3A_49, %get3A_6 : vector<384x384xf32>
    %slice3A_59 = vector.extract_strided_slice %mul3A_58 {offsets = [383, 0], sizes = [1, 384], strides = [1, 1]} : vector<384x384xf32> to vector<1x384xf32>
    %slice3A_60 = vector.extract_strided_slice %mul3A_58 {offsets = [0, 0], sizes = [383, 384], strides = [1, 1]} : vector<384x384xf32> to vector<383x384xf32>
    %concatenate3A_61 = tpu.concatenate %slice3A_59, %slice3A_60 in 0 : vector<1x384xf32>, vector<383x384xf32> -> vector<384x384xf32>
    %slice3A_62 = vector.extract_strided_slice %concatenate3A_61 {offsets = [0, 383], sizes = [384, 1], strides = [1, 1]} : vector<384x384xf32> to vector<384x1xf32>
    %slice3A_63 = vector.extract_strided_slice %concatenate3A_61 {offsets = [0, 0], sizes = [384, 383], strides = [1, 1]} : vector<384x384xf32> to vector<384x383xf32>
    %concatenate3A_64 = tpu.concatenate %slice3A_62, %slice3A_63 in 1 : vector<384x1xf32>, vector<384x383xf32> -> vector<384x384xf32>
    %add3A_65 = arith.addf %add3A_57, %concatenate3A_64 : vector<384x384xf32>
    %get3A_66 = arith.constant 4 : index
    %get3A_67 = arith.constant 0 : index
    %get3A_68 = arith.constant 0 : index
    %get3A_69 = vector.load %arg7[%get3A_66, %get3A_67, %get3A_68] : memref<5x384x384xf32, #tpu.memory_space<vmem>>, vector<1x384x384xf32>
    %get3A_70 = vector.shape_cast %get3A_69 : vector<1x384x384xf32> to vector<384x384xf32>
    %slice3A_71 = vector.extract_strided_slice %get3A_6 {offsets = [1, 0], sizes = [383, 384], strides = [1, 1]} : vector<384x384xf32> to vector<383x384xf32>
    %slice3A_72 = vector.extract_strided_slice %get3A_6 {offsets = [0, 0], sizes = [1, 384], strides = [1, 1]} : vector<384x384xf32> to vector<1x384xf32>
    %concatenate3A_73 = tpu.concatenate %slice3A_71, %slice3A_72 in 0 : vector<383x384xf32>, vector<1x384xf32> -> vector<384x384xf32>
    %slice3A_74 = vector.extract_strided_slice %concatenate3A_73 {offsets = [0, 383], sizes = [384, 1], strides = [1, 1]} : vector<384x384xf32> to vector<384x1xf32>
    %slice3A_75 = vector.extract_strided_slice %concatenate3A_73 {offsets = [0, 0], sizes = [384, 383], strides = [1, 1]} : vector<384x384xf32> to vector<384x383xf32>
    %concatenate3A_76 = tpu.concatenate %slice3A_74, %slice3A_75 in 1 : vector<384x1xf32>, vector<384x383xf32> -> vector<384x384xf32>
    %mul3A_77 = arith.mulf %get3A_70, %concatenate3A_76 : vector<384x384xf32>
    %add3A_78 = arith.addf %add3A_65, %mul3A_77 : vector<384x384xf32>
    %mul3A_79 = arith.mulf %get3A_70, %get3A_6 : vector<384x384xf32>
    %slice3A_80 = vector.extract_strided_slice %mul3A_79 {offsets = [383, 0], sizes = [1, 384], strides = [1, 1]} : vector<384x384xf32> to vector<1x384xf32>
    %slice3A_81 = vector.extract_strided_slice %mul3A_79 {offsets = [0, 0], sizes = [383, 384], strides = [1, 1]} : vector<384x384xf32> to vector<383x384xf32>
    %concatenate3A_82 = tpu.concatenate %slice3A_80, %slice3A_81 in 0 : vector<1x384xf32>, vector<383x384xf32> -> vector<384x384xf32>
    %slice3A_83 = vector.extract_strided_slice %concatenate3A_82 {offsets = [0, 1], sizes = [384, 383], strides = [1, 1]} : vector<384x384xf32> to vector<384x383xf32>
    %slice3A_84 = vector.extract_strided_slice %concatenate3A_82 {offsets = [0, 0], sizes = [384, 1], strides = [1, 1]} : vector<384x384xf32> to vector<384x1xf32>
    %concatenate3A_85 = tpu.concatenate %slice3A_83, %slice3A_84 in 1 : vector<384x383xf32>, vector<384x1xf32> -> vector<384x384xf32>
    %add3A_86 = arith.addf %add3A_78, %concatenate3A_85 : vector<384x384xf32>
    %get3A_87 = arith.constant 0 : index
    %get3A_88 = arith.constant 0 : index
    %get3A_89 = arith.constant 0 : index
    %get3A_90 = vector.load %arg7[%get3A_87, %get3A_88, %get3A_89] : memref<5x384x384xf32, #tpu.memory_space<vmem>>, vector<1x384x384xf32>
    %get3A_91 = vector.shape_cast %get3A_90 : vector<1x384x384xf32> to vector<384x384xf32>
    %mul3A_92 = arith.mulf %get3A_91, %get3A_12 : vector<384x384xf32>
    %get3A_93 = arith.constant 1 : index
    %get3A_94 = arith.constant 0 : index
    %get3A_95 = arith.constant 0 : index
    %get3A_96 = vector.load %arg7[%get3A_93, %get3A_94, %get3A_95] : memref<5x384x384xf32, #tpu.memory_space<vmem>>, vector<1x384x384xf32>
    %get3A_97 = vector.shape_cast %get3A_96 : vector<1x384x384xf32> to vector<384x384xf32>
    %slice3A_98 = vector.extract_strided_slice %get3A_12 {offsets = [0, 1], sizes = [384, 383], strides = [1, 1]} : vector<384x384xf32> to vector<384x383xf32>
    %slice3A_99 = vector.extract_strided_slice %get3A_12 {offsets = [0, 0], sizes = [384, 1], strides = [1, 1]} : vector<384x384xf32> to vector<384x1xf32>
    %concatenate3A_100 = tpu.concatenate %slice3A_98, %slice3A_99 in 1 : vector<384x383xf32>, vector<384x1xf32> -> vector<384x384xf32>
    %mul3A_101 = arith.mulf %get3A_97, %concatenate3A_100 : vector<384x384xf32>
    %add3A_102 = arith.addf %mul3A_92, %mul3A_101 : vector<384x384xf32>
    %mul3A_103 = arith.mulf %get3A_97, %get3A_12 : vector<384x384xf32>
    %slice3A_104 = vector.extract_strided_slice %mul3A_103 {offsets = [0, 383], sizes = [384, 1], strides = [1, 1]} : vector<384x384xf32> to vector<384x1xf32>
    %slice3A_105 = vector.extract_strided_slice %mul3A_103 {offsets = [0, 0], sizes = [384, 383], strides = [1, 1]} : vector<384x384xf32> to vector<384x383xf32>
    %concatenate3A_106 = tpu.concatenate %slice3A_104, %slice3A_105 in 1 : vector<384x1xf32>, vector<384x383xf32> -> vector<384x384xf32>
    %add3A_107 = arith.addf %add3A_102, %concatenate3A_106 : vector<384x384xf32>
    %get3A_108 = arith.constant 2 : index
    %get3A_109 = arith.constant 0 : index
    %get3A_110 = arith.constant 0 : index
    %get3A_111 = vector.load %arg7[%get3A_108, %get3A_109, %get3A_110] : memref<5x384x384xf32, #tpu.memory_space<vmem>>, vector<1x384x384xf32>
    %get3A_112 = vector.shape_cast %get3A_111 : vector<1x384x384xf32> to vector<384x384xf32>
    %slice3A_113 = vector.extract_strided_slice %get3A_12 {offsets = [1, 0], sizes = [383, 384], strides = [1, 1]} : vector<384x384xf32> to vector<383x384xf32>
    %slice3A_114 = vector.extract_strided_slice %get3A_12 {offsets = [0, 0], sizes = [1, 384], strides = [1, 1]} : vector<384x384xf32> to vector<1x384xf32>
    %concatenate3A_115 = tpu.concatenate %slice3A_113, %slice3A_114 in 0 : vector<383x384xf32>, vector<1x384xf32> -> vector<384x384xf32>
    %mul3A_116 = arith.mulf %get3A_112, %concatenate3A_115 : vector<384x384xf32>
    %add3A_117 = arith.addf %add3A_107, %mul3A_116 : vector<384x384xf32>
    %mul3A_118 = arith.mulf %get3A_112, %get3A_12 : vector<384x384xf32>
    %slice3A_119 = vector.extract_strided_slice %mul3A_118 {offsets = [383, 0], sizes = [1, 384], strides = [1, 1]} : vector<384x384xf32> to vector<1x384xf32>
    %slice3A_120 = vector.extract_strided_slice %mul3A_118 {offsets = [0, 0], sizes = [383, 384], strides = [1, 1]} : vector<384x384xf32> to vector<383x384xf32>
    %concatenate3A_121 = tpu.concatenate %slice3A_119, %slice3A_120 in 0 : vector<1x384xf32>, vector<383x384xf32> -> vector<384x384xf32>
    %add3A_122 = arith.addf %add3A_117, %concatenate3A_121 : vector<384x384xf32>
    %get3A_123 = arith.constant 3 : index
    %get3A_124 = arith.constant 0 : index
    %get3A_125 = arith.constant 0 : index
    %get3A_126 = vector.load %arg7[%get3A_123, %get3A_124, %get3A_125] : memref<5x384x384xf32, #tpu.memory_space<vmem>>, vector<1x384x384xf32>
    %get3A_127 = vector.shape_cast %get3A_126 : vector<1x384x384xf32> to vector<384x384xf32>
    %slice3A_128 = vector.extract_strided_slice %get3A_12 {offsets = [1, 0], sizes = [383, 384], strides = [1, 1]} : vector<384x384xf32> to vector<383x384xf32>
    %slice3A_129 = vector.extract_strided_slice %get3A_12 {offsets = [0, 0], sizes = [1, 384], strides = [1, 1]} : vector<384x384xf32> to vector<1x384xf32>
    %concatenate3A_130 = tpu.concatenate %slice3A_128, %slice3A_129 in 0 : vector<383x384xf32>, vector<1x384xf32> -> vector<384x384xf32>
    %slice3A_131 = vector.extract_strided_slice %concatenate3A_130 {offsets = [0, 1], sizes = [384, 383], strides = [1, 1]} : vector<384x384xf32> to vector<384x383xf32>
    %slice3A_132 = vector.extract_strided_slice %concatenate3A_130 {offsets = [0, 0], sizes = [384, 1], strides = [1, 1]} : vector<384x384xf32> to vector<384x1xf32>
    %concatenate3A_133 = tpu.concatenate %slice3A_131, %slice3A_132 in 1 : vector<384x383xf32>, vector<384x1xf32> -> vector<384x384xf32>
    %mul3A_134 = arith.mulf %get3A_127, %concatenate3A_133 : vector<384x384xf32>
    %add3A_135 = arith.addf %add3A_122, %mul3A_134 : vector<384x384xf32>
    %mul3A_136 = arith.mulf %get3A_127, %get3A_12 : vector<384x384xf32>
    %slice3A_137 = vector.extract_strided_slice %mul3A_136 {offsets = [383, 0], sizes = [1, 384], strides = [1, 1]} : vector<384x384xf32> to vector<1x384xf32>
    %slice3A_138 = vector.extract_strided_slice %mul3A_136 {offsets = [0, 0], sizes = [383, 384], strides = [1, 1]} : vector<384x384xf32> to vector<383x384xf32>
    %concatenate3A_139 = tpu.concatenate %slice3A_137, %slice3A_138 in 0 : vector<1x384xf32>, vector<383x384xf32> -> vector<384x384xf32>
    %slice3A_140 = vector.extract_strided_slice %concatenate3A_139 {offsets = [0, 383], sizes = [384, 1], strides = [1, 1]} : vector<384x384xf32> to vector<384x1xf32>
    %slice3A_141 = vector.extract_strided_slice %concatenate3A_139 {offsets = [0, 0], sizes = [384, 383], strides = [1, 1]} : vector<384x384xf32> to vector<384x383xf32>
    %concatenate3A_142 = tpu.concatenate %slice3A_140, %slice3A_141 in 1 : vector<384x1xf32>, vector<384x383xf32> -> vector<384x384xf32>
    %add3A_143 = arith.addf %add3A_135, %concatenate3A_142 : vector<384x384xf32>
    %get3A_144 = arith.constant 4 : index
    %get3A_145 = arith.constant 0 : index
    %get3A_146 = arith.constant 0 : index
    %get3A_147 = vector.load %arg7[%get3A_144, %get3A_145, %get3A_146] : memref<5x384x384xf32, #tpu.memory_space<vmem>>, vector<1x384x384xf32>
    %get3A_148 = vector.shape_cast %get3A_147 : vector<1x384x384xf32> to vector<384x384xf32>
    %slice3A_149 = vector.extract_strided_slice %get3A_12 {offsets = [1, 0], sizes = [383, 384], strides = [1, 1]} : vector<384x384xf32> to vector<383x384xf32>
    %slice3A_150 = vector.extract_strided_slice %get3A_12 {offsets = [0, 0], sizes = [1, 384], strides = [1, 1]} : vector<384x384xf32> to vector<1x384xf32>
    %concatenate3A_151 = tpu.concatenate %slice3A_149, %slice3A_150 in 0 : vector<383x384xf32>, vector<1x384xf32> -> vector<384x384xf32>
    %slice3A_152 = vector.extract_strided_slice %concatenate3A_151 {offsets = [0, 383], sizes = [384, 1], strides = [1, 1]} : vector<384x384xf32> to vector<384x1xf32>
    %slice3A_153 = vector.extract_strided_slice %concatenate3A_151 {offsets = [0, 0], sizes = [384, 383], strides = [1, 1]} : vector<384x384xf32> to vector<384x383xf32>
    %concatenate3A_154 = tpu.concatenate %slice3A_152, %slice3A_153 in 1 : vector<384x1xf32>, vector<384x383xf32> -> vector<384x384xf32>
    %mul3A_155 = arith.mulf %get3A_148, %concatenate3A_154 : vector<384x384xf32>
    %add3A_156 = arith.addf %add3A_143, %mul3A_155 : vector<384x384xf32>
    %mul3A_157 = arith.mulf %get3A_148, %get3A_12 : vector<384x384xf32>
    %slice3A_158 = vector.extract_strided_slice %mul3A_157 {offsets = [383, 0], sizes = [1, 384], strides = [1, 1]} : vector<384x384xf32> to vector<1x384xf32>
    %slice3A_159 = vector.extract_strided_slice %mul3A_157 {offsets = [0, 0], sizes = [383, 384], strides = [1, 1]} : vector<384x384xf32> to vector<383x384xf32>
    %concatenate3A_160 = tpu.concatenate %slice3A_158, %slice3A_159 in 0 : vector<1x384xf32>, vector<383x384xf32> -> vector<384x384xf32>
    %slice3A_161 = vector.extract_strided_slice %concatenate3A_160 {offsets = [0, 1], sizes = [384, 383], strides = [1, 1]} : vector<384x384xf32> to vector<384x383xf32>
    %slice3A_162 = vector.extract_strided_slice %concatenate3A_160 {offsets = [0, 0], sizes = [384, 1], strides = [1, 1]} : vector<384x384xf32> to vector<384x1xf32>
    %concatenate3A_163 = tpu.concatenate %slice3A_161, %slice3A_162 in 1 : vector<384x383xf32>, vector<384x1xf32> -> vector<384x384xf32>
    %add3A_164 = arith.addf %add3A_156, %concatenate3A_163 : vector<384x384xf32>
    %get3A_165 = arith.constant 0 : index
    %get3A_166 = arith.constant 0 : index
    %get3A_167 = vector.load %arg3[%get3A_165, %get3A_166] : memref<384x384xf32, #tpu.memory_space<vmem>>, vector<384x384xf32>
    %get3A_168 = arith.constant 0 : index
    %get3A_169 = arith.constant 0 : index
    %get3A_170 = vector.load %arg4[%get3A_168, %get3A_169] : memref<384x384xf32, #tpu.memory_space<vmem>>, vector<384x384xf32>
    %get3A_171 = arith.constant 0 : index
    %get3A_172 = arith.constant 0 : index
    %get3A_173 = vector.load %arg5[%get3A_171, %get3A_172] : memref<384x384xf32, #tpu.memory_space<vmem>>, vector<384x384xf32>
    %dot_general3A = arith.constant dense<0.000000e+00> : vector<384x384xf32>
    %dot_general3A_174 = tpu.matmul %get3A_167, %add3A_86, %dot_general3A {dimension_numbers = #tpu.dot_dimension_numbers<[1], [0], [0], [1], [0, 0, 1, 1], [], []>, transpose_lhs_hint = false} : vector<384x384xf32>, vector<384x384xf32>, vector<384x384xf32> -> vector<384x384xf32>
    %dot_general3A_175 = arith.constant dense<0.000000e+00> : vector<384x384xf32>
    %dot_general3A_176 = tpu.matmul %get3A_170, %add3A_164, %dot_general3A_175 {dimension_numbers = #tpu.dot_dimension_numbers<[1], [0], [0], [1], [0, 0, 1, 1], [], []>, transpose_lhs_hint = false} : vector<384x384xf32>, vector<384x384xf32>, vector<384x384xf32> -> vector<384x384xf32>
    %add3A_177 = arith.addf %add3A_86, %add3A_164 : vector<384x384xf32>
    %dot_general3A_178 = arith.constant dense<0.000000e+00> : vector<384x384xf32>
    %dot_general3A_179 = tpu.matmul %get3A_173, %add3A_177, %dot_general3A_178 {dimension_numbers = #tpu.dot_dimension_numbers<[1], [0], [0], [1], [0, 0, 1, 1], [], []>, transpose_lhs_hint = false} : vector<384x384xf32>, vector<384x384xf32>, vector<384x384xf32> -> vector<384x384xf32>
    %sub3A = arith.subf %dot_general3A_174, %dot_general3A_176 : vector<384x384xf32>
    %sub3A_180 = arith.subf %dot_general3A_179, %dot_general3A_174 : vector<384x384xf32>
    %sub3A_181 = arith.subf %sub3A_180, %dot_general3A_176 : vector<384x384xf32>
    %dot_general3A_182 = arith.constant dense<0.000000e+00> : vector<384x384xf32>
    %dot_general3A_183 = tpu.matmul %sub3A, %get3A_167, %dot_general3A_182 {dimension_numbers = #tpu.dot_dimension_numbers<[1], [0], [0], [1], [0, 0, 1, 1], [], []>, transpose_lhs_hint = false} : vector<384x384xf32>, vector<384x384xf32>, vector<384x384xf32> -> vector<384x384xf32>
    %dot_general3A_184 = arith.constant dense<0.000000e+00> : vector<384x384xf32>
    %dot_general3A_185 = tpu.matmul %sub3A_181, %get3A_170, %dot_general3A_184 {dimension_numbers = #tpu.dot_dimension_numbers<[1], [0], [0], [1], [0, 0, 1, 1], [], []>, transpose_lhs_hint = false} : vector<384x384xf32>, vector<384x384xf32>, vector<384x384xf32> -> vector<384x384xf32>
    %add3A_186 = arith.addf %sub3A, %sub3A_181 : vector<384x384xf32>
    %dot_general3A_187 = arith.constant dense<0.000000e+00> : vector<384x384xf32>
    %dot_general3A_188 = tpu.matmul %add3A_186, %get3A_173, %dot_general3A_187 {dimension_numbers = #tpu.dot_dimension_numbers<[1], [0], [0], [1], [0, 0, 1, 1], [], []>, transpose_lhs_hint = false} : vector<384x384xf32>, vector<384x384xf32>, vector<384x384xf32> -> vector<384x384xf32>
    %sub3A_189 = arith.subf %dot_general3A_183, %dot_general3A_185 : vector<384x384xf32>
    %swap3A = arith.constant 0 : index
    %swap3A_190 = arith.constant 0 : index
    %swap3A_191 = arith.constant 0 : index
    %swap3A_192 = arith.constant 0 : index
    %swap3A_193 = arith.constant 0 : index
    %swap3A_194 = vector.load %arg6[%swap3A, %swap3A_190, %swap3A_191, %swap3A_192, %swap3A_193] : memref<1x1x2x384x384xf32, #tpu.memory_space<vmem>>, vector<1x1x1x384x384xf32>
    %swap3A_195 = vector.shape_cast %swap3A_194 : vector<1x1x1x384x384xf32> to vector<384x384xf32>
    %swap3A_196 = vector.shape_cast %sub3A_189 : vector<384x384xf32> to vector<1x1x1x384x384xf32>
    tpu.vector_store %arg6[%swap3A, %swap3A_190, %swap3A_191, %swap3A_192, %swap3A_193], %swap3A_196 {strides = array<i32>} : memref<1x1x2x384x384xf32, #tpu.memory_space<vmem>>, vector<1x1x1x384x384xf32>,
    %sub3A_197 = arith.subf %dot_general3A_188, %dot_general3A_183 : vector<384x384xf32>
    %sub3A_198 = arith.subf %sub3A_197, %dot_general3A_185 : vector<384x384xf32>
    %swap3A_199 = arith.constant 0 : index
    %swap3A_200 = arith.constant 0 : index
    %swap3A_201 = arith.constant 1 : index
    %swap3A_202 = arith.constant 0 : index
    %swap3A_203 = arith.constant 0 : index
    %swap3A_204 = vector.load %arg6[%swap3A_199, %swap3A_200, %swap3A_201, %swap3A_202, %swap3A_203] : memref<1x1x2x384x384xf32, #tpu.memory_space<vmem>>, vector<1x1x1x384x384xf32>
    %swap3A_205 = vector.shape_cast %swap3A_204 : vector<1x1x1x384x384xf32> to vector<384x384xf32>
    %swap3A_206 = vector.shape_cast %sub3A_198 : vector<384x384xf32> to vector<1x1x1x384x384xf32>
    tpu.vector_store %arg6[%swap3A_199, %swap3A_200, %swap3A_201, %swap3A_202, %swap3A_203], %swap3A_206 {strides = array<i32>} : memref<1x1x2x384x384xf32, #tpu.memory_space<vmem>>, vector<1x1x1x384x384xf32>,
    return
  }
  func.func @transform_0(%arg0: i32) -> (i32, i32, i32, i32) {
    %c0_i32 = arith.constant 0 : i32
    %c0_i32_0 = arith.constant 0 : i32
    %c0_i32_1 = arith.constant 0 : i32
    %c0_i32_2 = arith.constant 0 : i32
    return %arg0, %c0_i32, %c0_i32_0, %c0_i32_1 : i32, i32, i32, i32
  }
  func.func @transform_1(%arg0: i32) -> (i32, i32, i32, i32) {
    %c0_i32 = arith.constant 0 : i32
    %c0_i32_0 = arith.constant 0 : i32
    %c0_i32_1 = arith.constant 0 : i32
    %c0_i32_2 = arith.constant 0 : i32
    %c0_i32_3 = arith.constant 0 : i32
    return %c0_i32, %c0_i32_0, %c0_i32_1, %c0_i32_2 : i32, i32, i32, i32
  }
  func.func @transform_2(%arg0: i32) -> (i32, i32) {
    %c0_i32 = arith.constant 0 : i32
    %c0_i32_0 = arith.constant 0 : i32
    %c0_i32_1 = arith.constant 0 : i32
    return %c0_i32, %c0_i32_0 : i32, i32
  }
  func.func @transform_3(%arg0: i32) -> (i32, i32) {
    %c0_i32 = arith.constant 0 : i32
    %c0_i32_0 = arith.constant 0 : i32
    %c0_i32_1 = arith.constant 0 : i32
    return %c0_i32, %c0_i32_0 : i32, i32
  }
  func.func @transform_4(%arg0: i32) -> (i32, i32) {
    %c0_i32 = arith.constant 0 : i32
    %c0_i32_0 = arith.constant 0 : i32
    %c0_i32_1 = arith.constant 0 : i32
    return %c0_i32, %c0_i32_0 : i32, i32
  }
  func.func @transform_5(%arg0: i32) -> (i32, i32, i32, i32, i32) {
    %c0_i32 = arith.constant 0 : i32
    %c0_i32_0 = arith.constant 0 : i32
    %c0_i32_1 = arith.constant 0 : i32
    %c0_i32_2 = arith.constant 0 : i32
    %c0_i32_3 = arith.constant 0 : i32
    return %arg0, %c0_i32, %c0_i32_0, %c0_i32_1, %c0_i32_2 : i32, i32, i32, i32, i32
  }
}

</mosaic_0001>

<sc_bundles>
// kernel: kernel.4.cloned.1.call-start
scs
__scs_entry_jumppad:
0x0: {  	(pc) =	sbr.rel $0x88, $3  }
0x1: {  	(tag) =	ssettag $0x0;
	lr =	simm.s32 $0x1  }
0x2: {  	[smem:$0x3F9F] =	sst lr;
	_ =	strace $0xD0000000  }
0x3: {  	_ = 	snop  }
0x4: {  	_ = 	snop  }
0x5: {  	_ = 	snop  }
0x6: {  	_ = 	snop  }
0x7: {  	_ = 	snop  }
__scs_overlays_trampoline_lowered:
0x8: {  	[smem:$0x3FAE] =	sst s0  }
0x9: {  	[smem:$0x3FAF] =	sst s1  }
0xa: {  	[smem:$0x3FB0] =	sst s2  }
0xb: {  	[smem:$0x3FB1] =	sst s3  }
0xc: {  	[smem:$0x3FB2] =	sst s4  }
0xd: {  	[smem:$0x3FB3] =	sst s5  }
0xe: {  	[smem:$0x3FB4] =	sst s6  }
0xf: {  	[smem:$0x3FB5] =	sst s7  }
0x10: {  	[smem:$0x3FB6] =	sst s8  }
0x11: {  	[smem:$0x3FB7] =	sst s9;
	s0 =	simm.s32 @!p0 $0x0  }
0x12: {  	s1 =	sld [smem:$0x3F9D];
	s0 =	simm.s32 @p0 $0x1  }
0x13: {  	[smem:$0x3FB8] =	sst s0;
	s0 =	simm.s32 @!p1 $0x0  }
0x14: {  	s2 =	sld [smem:$0x3F9C];
	s0 =	simm.s32 @p1 $0x1  }
0x15: {  	[smem:$0x3FB9] =	sst s0;
	s0 =	simm.s32 @!p2 $0x0  }
0x16: {  	s3 =	sld [smem:$0x3FDB];
	s0 =	simm.s32 @p2 $0x1  }
0x17: {  	s4 =	simm.s32 $0x1BF5;
	[smem:$0x3FBB] =	sst s0  }
0x18: {  	s0 =	sld [smem:$0x3F9E];
	_ =	swait.ge [sflag:s4], $0x0  }
0x19: {  	s7 =	sld [smem:$0x3F9F]  }
0x1a: {  	s8 =	sadd.s32 $0xFFFFE003, lr  }
0x1b: {  	s9 =	sadd.s32 $0xFFFFFEF7, lr;
	s5 =	simm.s32 $0xFFFFFFFF;
	p2 =	slt.u32 s8, $0xFFFFF086  }
0x1c: {  	p1 =	slt.u32 s9, $0xF7A;
	s5 =	simm.s32 @!p2 $0x0  }
0x1d: {  	s5 =	simm.s32 @p1 $0x1;
	p0 =	seq.s32 s7, s2  }
0x1e: {  	s7 =	smul.u32 @!p0 $0xF7A, s2;
	p2 =	seq.s32 @!p0 s5, $0x0  }
0x1f: {  	s9 =	smul.u32 $0xF7A, s1;
	s8 =	simm.s32 @!p0 $0x1BF5;
	p2 =	por !p2, p0  }
0x20: {  	[sflag:s8] =	ssyncset.s32 @!p0 $0xFFFFF086;
	s6 =	sadd.s32 @!p0 s3, s7;
	s7 =	simm.s32 @!p0 $0x108  }
0x21: {  	s3 =	sadd.s32 s3, s9;
	s6 =	sadd.s32 @!p0 $0x88, s6;
	s7 =	simm.s32 @p2 $0x1082  }
0x22: {  	[simem:s7], [sflag:s8] =	dma.local @!p0 [hbm:s6], $0xF7A  }
0x23: {  	s9 =	sor.u32 $0xD0000000, s2;
	s6 =	simm.s32 $0x108;
	_ =	swait.ge @!p0 [sflag:s8], $0x0  }
0x24: {  	s3 =	sadd.s32 $0x88, s3;
	s6 =	simm.s32 @!p1 $0x1082;
	[sflag:s4] =	ssyncset.s32 $0xFFFFF086  }
0x25: {  	[simem:s6], [sflag:s4] =	dma.local [hbm:s3], $0xF7A  }
0x26: {  	[smem:$0x3F9F] =	sst s1;
	(tag) =	ssettag s2;
	_ =	strace s9  }
0x27: {  	s1 =	sld [smem:$0x3FAF]  }
0x28: {  	s2 =	sld [smem:$0x3FB0]  }
0x29: {  	s4 =	sld [smem:$0x3FB2]  }
0x2a: {  	p0 =	seq.s32 s5, $0x0;
	s5 =	sld [smem:$0x3FB3]  }
0x2b: {  	s6 =	sld [smem:$0x3FB4]  }
0x2c: {  	s7 =	sld [smem:$0x3FB5]  }
0x2d: {  	s3 =	simm.s32 $0x108;
	s8 =	sld [smem:$0x3FB6]  }
0x2e: {  	s3 =	simm.s32 @!p0 $0x1082;
	s9 =	sld [smem:$0x3FB7]  }
0x2f: {  	lr =	sadd.s32 s0, s3;
	s0 =	sld [smem:$0x3FAE]  }
0x30: {  	s3 =	sld [smem:$0x3FB1]  }
0x31: {  	[smem:$0x3FBA] =	sst s10  }
0x32: {  	s10 =	sld [smem:$0x3FB8];
	_ =	sdelay $0x3  }
0x33: {  	p0 =	seq.s32 s10, $0x1;
	s10 =	sld [smem:$0x3FBA];
	_ =	sdelay $0x3  }
0x34: {  	[smem:$0x3FBA] =	sst s10  }
0x35: {  	s10 =	sld [smem:$0x3FB9];
	_ =	sdelay $0x3  }
0x36: {  	p1 =	seq.s32 s10, $0x1;
	s10 =	sld [smem:$0x3FBA];
	_ =	sdelay $0x3  }
0x37: {  	[smem:$0x3FBA] =	sst s10  }
0x38: {  	s10 =	sld [smem:$0x3FBB]  }
0x39: {  	_ = 	snop;
	(pc) =	sbr.ind lr, $3  }
0x3a: {  	_ = 	snop  }
0x3b: {  	_ = 	snop  }
0x3c: {  	p2 =	seq.s32 s10, $0x1;
	s10 =	sld [smem:$0x3FBA]  }
0x3d: {  	_ =	shalt  }
0x3e: {  	_ =	shalt  }
0x3f: {  	_ =	shalt  }
0x40: {  	_ =	shalt  }
0x41: {  	_ =	shalt  }
0x42: {  	_ =	shalt  }
0x43: {  	_ =	shalt  }
0x44: {  	_ =	shalt  }
0x45: {  	_ =	shalt  }
0x46: {  	_ =	shalt  }
0x47: {  	_ =	shalt  }
0x48: {  	_ =	shalt  }
0x49: {  	_ =	shalt  }
0x4a: {  	_ =	shalt  }
0x4b: {  	_ =	shalt  }
0x4c: {  	_ =	shalt  }
0x4d: {  	_ =	shalt  }
0x4e: {  	_ =	shalt  }
0x4f: {  	_ =	shalt  }
0x50: {  	_ =	shalt  }
0x51: {  	_ =	shalt  }
0x52: {  	_ =	shalt  }
0x53: {  	_ =	shalt  }
0x54: {  	_ =	shalt  }
0x55: {  	_ =	shalt  }
0x56: {  	_ =	shalt  }
0x57: {  	_ =	shalt  }
0x58: {  	_ =	shalt  }
0x59: {  	_ =	shalt  }
0x5a: {  	_ =	shalt  }
0x5b: {  	_ =	shalt  }
0x5c: {  	_ =	shalt  }
0x5d: {  	_ =	shalt  }
0x5e: {  	_ =	shalt  }
0x5f: {  	_ =	shalt  }
0x60: {  	_ =	shalt  }
0x61: {  	_ =	shalt  }
0x62: {  	_ =	shalt  }
0x63: {  	_ =	shalt  }
0x64: {  	_ =	shalt  }
0x65: {  	_ =	shalt  }
0x66: {  	_ =	shalt  }
0x67: {  	_ =	shalt  }
0x68: {  	_ =	shalt  }
0x69: {  	_ =	shalt  }
0x6a: {  	_ =	shalt  }
0x6b: {  	_ =	shalt  }
0x6c: {  	_ =	shalt  }
0x6d: {  	_ =	shalt  }
0x6e: {  	_ =	shalt  }
0x6f: {  	_ =	shalt  }
0x70: {  	_ =	shalt  }
0x71: {  	_ =	shalt  }
0x72: {  	_ =	shalt  }
0x73: {  	_ =	shalt  }
0x74: {  	_ =	shalt  }
0x75: {  	_ =	shalt  }
0x76: {  	_ =	shalt  }
0x77: {  	_ =	shalt  }
0x78: {  	_ =	shalt  }
0x79: {  	_ =	shalt  }
0x7a: {  	_ =	shalt  }
0x7b: {  	_ =	shalt  }
0x7c: {  	_ =	shalt  }
0x7d: {  	_ =	shalt  }
0x7e: {  	_ =	shalt  }
0x7f: {  	_ =	shalt  }
0x80: {  	_ =	shalt  }
0x81: {  	_ =	shalt  }
0x82: {  	_ =	shalt  }
0x83: {  	_ =	shalt  }
0x84: {  	_ =	shalt  }
0x85: {  	_ =	shalt  }
0x86: {  	_ =	shalt  }
0x87: {  	_ =	shalt  }
.Lfunc_end0:
.L_simem_size_0:
called_computation_lowered:
.L_overlay_start_0:
0x88: {  	s2 =	sld [smem:$0x3FD9]  }
0x89: {  	s3 =	sld [smem:$0x3FFE];
	_ =	sdelay $0x1  }
0x8a: {  	s1 =	srdreg.scid  }
0x8b: {  	s0 =	sand.u32 $0x1, s1  }
0x8c: {  	s17 =	sshll.u32 s0, $0xA;
	s2 =	sadd.s32 s3, s2  }
0x8d: {  	s2 =	sadd.s32 s2, s17  }
0x8e: {  	[smem:$0x3FC6] =	sst s2  }
0x8f: {  	_ = 	snop  }
0x90: {  	s2 =	sld [smem:$0x3FD0];
	(tm) =	ssettm $0x1  }
0x91: {  	s18 =	sld [smem:$0x3FFB];
	_ =	sdelay $0x3  }
0x92: {  	_ =	strace s18  }
0x93: {  	s3 =	sld [smem:$0x3FFC];
	_ =	sdelay $0x3  }
0x94: {  	_ =	strace s3  }
0x95: {  	s3 =	sld [smem:$0x3FFD];
	_ =	sdelay $0x3  }
0x96: {  	_ =	strace s3  }
0x97: {  	_ =	strace $0x8FFFFFFF  }
0x98: {  	s19 =	sld [smem:$0x3FDB];
	_ =	sdelay $0x1  }
0x99: {  	s4 =	simm.s32 $_scs_section_size  }
0x9a: {  	s5 =	simm.s32 $_size__tile_overlayer_lowered;
	s6 =	simm.s32 $_tile_overlayer_lowered  }
0x9b: {  	s22 =	simm.s32 $0x1BFF;
	s21 =	sshll.u32 s6, $0x1;
	s3 =	sadd.s32 s4, s19  }
0x9c: {  	s7 =	simm.s32 $0x0;
	s20 =	sshll.u32 s5, $0x1;
	s5 =	sadd.s32 s21, s3  }
0x9d: {  	[timem:s7], [sflag:s22] =	dma.local [hbm:s5], s20  }
0x9e: {  	_ =	swait.ge [sflag:s22], s20  }
0x9f: {  	s4 =	ssub.s32 $0x0, s20;
	[sflag:s22] =	ssyncset.done $0x0  }
0xa0: {  	[sflag:s22] =	ssyncadd.s32 s4;
	_ =	sdelay $0x1  }
0xa1: {  	s23 =	simm.s32 $0x1B8B  }
0xa2: {  	_ =	swait.ge [sflag:s23], $0x1  }
0xa3: {  	[sflag:s23] =	ssyncset.done $0x0  }
0xa4: {  	s25 =	simm.s32 $0x1B8E;
	s24 =	sld [smem:$0x3FFE];
	[sflag:s23] =	ssyncadd.s32 $0xFFFFFFFF  }
0xa5: {  	s26 =	simm.s32 $execute0_lowered;
	[smem:$0x3FD2] =	sst s25  }
0xa6: {  	s5 =	sshll.u32 s26, $0x1;
	_ =	strace $0x80000046;
	[dreg:$0x1] =	wrdreg $0xFFFFFFFF  }
0xa7: {  	s28 =	simm.s32 $_size_execute0_lowered;
	s3 =	sadd.s32 s3, s5;
	[dreg:$0x0] =	wrdreg $0x0  }
0xa8: {  	s5 =	sshll.u32 s28, $0x1;
	[dreg:$0x2] =	wrdreg s3  }
0xa9: {  	[dreg:$0x3] =	wrdreg s5  }
0xaa: {  	[dreg:$0x4] =	wrdreg $0xC0  }
0xab: {  	_ =	task [dreg:s7], $0x5FFFF  }
0xac: {  	[dreg:$0x1] =	wrdreg $0xFFFFFFFF  }
0xad: {  	[dreg:$0x0] =	wrdreg $0x60  }
0xae: {  	[dreg:$0x2] =	wrdreg s2  }
0xaf: {  	[dreg:$0x3] =	wrdreg s24  }
0xb0: {  	[dreg:$0x4] =	wrdreg $0x9  }
0xb1: {  	_ =	task.clear_ibuf [dreg:s7], $0x5FFFF;
	_ =	strace $0x90000046  }
0xb2: {  	s29 =	simm.s32 $0x9;
	_ =	strace $0x80000048  }
0xb3: {  	_ =	swait.ge [sflag:s29], $0x1  }
0xb4: {  	[sflag:s29] =	ssyncadd.s32 $0xFFFFFFFF  }
0xb5: {  	_ =	strace $0x90000048  }
0xb6: {  	_ =	sfence  }
0xb7: {  	s30 =	sld [smem:$0x0];
	_ =	sdelay $0x2  }
0xb8: {  	s31 =	sshll.u32 s1, $0xD;
	s1 =	sshrl.u32 s1, $0x2  }
0xb9: {  	s3 =	sand.u32 $0x4000, s31;
	s1 =	sadd.s32 s1, s30  }
0xba: {  	s0 =	sor.u32 s3, s0;
	s1 =	sshll.u32 s1, $0x11  }
0xbb: {  	s0 =	sor.u32 s1, s0  }
0xbc: {  	s0 =	sadd.s32 $0x8F2B, s0  }
0xbd: {  	[sflag:s0] =	ssyncadd.remote.s32 $0x1  }
0xbe: {  	_ =	sfence.sel $0xFFFF  }
0xbf: {  	[dreg:$0x0] =	wrdreg $0xFFFFFFFF;
	(pc) =	sbr.abs _section_cstart, $3  }
0xc0: {  	[dreg:$0x1] =	wrdreg $0xFFFFFFFF  }
0xc1: {  	_ =	task.clear_ibuf [dreg:s7], $0x2FFFF;
	_ =	strace $0x9FFFFFFF  }
0xc2: {  	(tm) =	ssettm $0x7FFFFFFF  }
0xc3: {  	_ =	shalt  }
tec
execute0_lowered:
.L_overlay_start_1:
0x0: {  	(tag) =	ssettag $0x1  }
0x1: {  	s3 =	rddreg [dreg:$0x0]  }
0x2: {  	s4 =	rddreg [dreg:$0x1]  }
0x3: {  	s0 =	rddreg [dreg:$0x2]  }
0x4: {  	s2 =	simm.s32 $0x0;
	s1 =	stileid.u32;
	s5 =	srdreg.scid  }
0x5: {  	s12 =	simm.s32 $0x80;
	s13 =	simm.s32 $0x200;
	s14 =	simm.s32 $0x9000  }
0x6: {  	s15 =	simm.s32 $0xD800;
	s18 =	simm.s32 $0x0;
	[smem:$0x7FF] =	sst s2  }
0x7: {  	s6 =	sshll.u32 s1, $0x1;
	s5 =	sand.u32 $0x1, s5;
	s7 =	sshrl.u32 s1, $0x1  }
0x8: {  	s8 =	sadd.s32 $0x1600, s4;
	_ =	strace $0x80000047;
	s6 =	sand.u32 $0x2, s6  }
0x9: {  	s16 =	smul.u32 $0x30, s7;
	s24 =	sor.u32 s5, s6;
	s5 =	ssub.s32 $0x2, s5  }
0xa: {  	s25 =	smul.u32 $0x12000, s7;
	s26 =	sshll.u32 s24, $0x7;
	s9 =	sshrl.u32 s5, $0x1  }
0xb: {  	s4 =	smul.u32 $0x900, s24;
	s17 =	sadd.s32 $0x30, s16;
	v0 =	vmov s16;
	s16 =	simm.s32 $0x12000  }
0xc: {  	s6 =	sor.u32 s25, s26;
	s9 =	ssub.s32 s5, s9;
	v1 =	vmov s17;
	s17 =	simm.s32 $0x16800  }
0xd: {  	s28 =	sadd.s32 $0x90000, s6;
	s3 =	sadd.s32 s3, s4;
	s29 =	sshrl.u32 s6, $0x3  }
0xe: {  	s7 =	sadd.s32 $0x120000, s6;
	s10 =	sadd.s32 $0x1B0000, s6;
	s11 =	sadd.s32 $0x240000, s6  }
0xf: {  	s9 =	smax.u32 s9, $0x1;
	s5 =	sshrl.u32 s28, $0x3;
	s4 =	sadd.s32 s8, s29  }
0x10: {  	s7 =	sshrl.u32 s7, $0x3;
	s30 =	sshrl.u32 s10, $0x3;
	s31 =	sshrl.u32 s11, $0x3  }
0x11: {  	s10 =	simm.s32 $0x1;
	s11 =	simm.s32 $0x4800;
	s5 =	sadd.s32 s8, s5  }
0x12: {  	v2 =	vimm.f32 $0.0e+00;
	s6 =	sadd.s32 s8, s7;
	s7 =	sadd.s32 s8, s30;
	s8 =	sadd.s32 s8, s31  }
.LBB2_1:
0x13: {  	[tilespmem:s2], [sflag:$0x1] =	stream.linear.gather [hbm4b:s3+s2], $0x4800, $0x38;
	[tilespmem:$0x1B000] =	vst v63  }
0x14: {  	_ =	swait.ge [sflag:s10], $0x4800  }
0x15: {  	[sflag:s10] =	ssyncset.done $0x0  }
0x16: {  	s19 =	simm.s32 $0x0;
	s20 =	simm.s32 $0x200;
	[sflag:s10] =	ssyncadd.s32 $0xFFFFB800  }
.LBB2_2:
0x17: {  	p0 =	sne.s32 s20, $0x59E00;
	[tilespmem:s19+$0x4870] =	vst v2  }
0x18: {  	[tilespmem:s19+$0x4800] =	vst v2  }
0x19: {  	[tilespmem:s19+$0x4810] =	vst v2  }
.Ltmp0:
0x1a: {  	[tilespmem:s19+$0x4820] =	vst v2;
	(pc) =	sbr.rel @p0 .LBB2_2-.Ltmp0, $4  }
0x1b: {  	[tilespmem:s19+$0x4830] =	vst v2  }
0x1c: {  	[tilespmem:s19+$0x4840] =	vst v2  }
0x1d: {  	[tilespmem:s19+$0x4850] =	vst v2  }
0x1e: {  	[tilespmem:s19+$0x4860] =	vst v2;
	s19 =	sshra.s32 s20, $0x2;
	s20 =	sadd.s32 $0x200, s20  }
0x1f: {  	[tilespmem:s19+$0x4870] =	vst v2  }
0x20: {  	[tilespmem:s19+$0x4800] =	vst v2  }
0x21: {  	[tilespmem:s19+$0x4810] =	vst v2  }
0x22: {  	[tilespmem:s19+$0x4820] =	vst v2  }
0x23: {  	[tilespmem:s19+$0x4830] =	vst v2  }
0x24: {  	[tilespmem:s19+$0x4840] =	vst v2  }
0x25: {  	[tilespmem:s19+$0x4850] =	vst v2  }
0x26: {  	[tilespmem:s19+$0x4860] =	vst v2;
	s31 =	simm.s32 $0x0  }
0x27: {  	v3 =	vld [tilespmem:s31+$0x80]  }
0x28: {  	v4 =	vld [tilespmem:s31+$0x0];
	_ =	sdelay $0x4  }
0x29: {  	v3 =	vmul.f32 $9.973958130e-01, v3;
	v4 =	vmul.f32 $9.973958130e-01, v4;
	_ =	sdelay $0x1  }
0x2a: {  	v3 =	vadd.f32 $1.915000000e+02, v3;
	v4 =	vadd.f32 $1.915000000e+02, v4;
	_ =	sdelay $0x1  }
0x2b: {  	v3 =	vmax.f32 v3, $0.0e+00;
	v4 =	vmax.f32 v4, $0.0e+00  }
0x2c: {  	v3 =	vmin.f32 v3, $3.830000000e+02;
	v4 =	vmin.f32 v4, $3.830000000e+02  }
0x2d: {  	v5 =	vtrunc.f32 v3;
	v6 =	vtrunc.f32 v4  }
0x2e: {  	v5 =	vcvt.f32.s32 v5;
	v6 =	vcvt.f32.s32 v6;
	_ =	sdelay $0x1  }
0x2f: {  	v7 =	vsub.s32 v5, v0;
	v8 =	vcvt.s32.f32 v5;
	v9 =	vcvt.s32.f32 v6  }
0x30: {  	vm0 =	vge.s32 v5, v0;
	v7 =	vmul.u32 $0x180, v7  }
0x31: {  	vm1 =	vgt.s32 v1, v5;
	v3 =	vsub.f32 v3, v8;
	v4 =	vsub.f32 v4, v9  }
0x32: {  	vm0 =	vmand vm0, vm1;
	v7 =	vadd.s32 v6, v7;
	v6 =	vand.u32 $0x7F, v6  }
0x33: {  	v8 =	vand.u32 $0xFFFFFF80, v7;
	v9 =	vsub.f32 $1.000000000e+00, v4;
	v10 =	vsub.f32 $1.000000000e+00, v3  }
0x34: {  	v6 =	vor.u32 v6, v8  }
0x35: {  	v5 =	vadd.s32 $0x1, v5;
	v8 =	vmul.f32 v9, v10;
	v11 =	vadd.s32 $0x4800, v6  }
0x36: {  	vm1 =	vge.s32 v5, v0;
	v10 =	vmul.f32 v4, v10;
	v12 =	vadd.s32 $0x9000, v6  }
0x37: {  	v9 =	vmul.f32 v9, v3;
	v14 =	vadd.s32 $0xD800, v6;
	v13 =	vmul.f32 v8, v8  }
0x38: {  	v15 =	vadd.s32 $0x1, v7;
	v3 =	vmul.f32 v4, v3;
	v4 =	vmul.f32 v8, v10  }
0x39: {  	vm2 =	vlt.s32 v5, v1;
	v5 =	vmul.f32 v9, v8;
	[tilespmem:v7+s11+$0x0] =	vst.idx.add.f32.msk vm0, v13;
	v13 =	vadd.s32 $0x12001, v7  }
0x3a: {  	vm1 =	vmand vm1, vm2;
	[tilespmem:v11+s11+$0x0] =	vst.idx.add.f32.msk vm0, v4;
	v4 =	vmul.f32 v8, v3;
	v8 =	vadd.s32 $0x9001, v7  }
0x3b: {  	v11 =	vadd.s32 $0x180, v6;
	[tilespmem:v12+s11+$0x0] =	vst.idx.add.f32.msk vm0, v5;
	v5 =	vmul.f32 v10, v10  }
0x3c: {  	v12 =	vmul.f32 v9, v10;
	[tilespmem:v14+s11+$0x0] =	vst.idx.add.f32.msk vm0, v4;
	v4 =	vadd.s32 $0x4980, v6  }
0x3d: {  	v6 =	vmul.f32 v3, v10;
	[tilespmem:v15+s11+$0x0] =	vst.idx.add.f32.msk vm0, v5;
	v5 =	vadd.s32 $0x181, v7  }
0x3e: {  	v7 =	vmul.f32 v9, v9;
	[tilespmem:v13+s11+$0x0] =	vst.idx.add.f32.msk vm0, v12  }
0x3f: {  	v9 =	vmul.f32 v9, v3;
	[tilespmem:v8+s11+$0x0] =	vst.idx.add.f32.msk vm0, v6  }
0x40: {  	v3 =	vmul.f32 v3, v3;
	[tilespmem:v11+s11+$0x0] =	vst.idx.add.f32.msk vm1, v7  }
0x41: {  	[tilespmem:v4+s11+$0x0] =	vst.idx.add.f32.msk vm1, v9  }
0x42: {  	[tilespmem:v5+s11+$0x0] =	vst.idx.add.f32.msk vm1, v3  }
0x43: {  	v3 =	vld [tilespmem:s31+$0x90]  }
0x44: {  	v4 =	vld [tilespmem:s31+$0x10];
	_ =	sdelay $0x4  }
0x45: {  	v3 =	vmul.f32 $9.973958130e-01, v3;
	v4 =	vmul.f32 $9.973958130e-01, v4;
	_ =	sdelay $0x1  }
0x46: {  	v3 =	vadd.f32 $1.915000000e+02, v3;
	v4 =	vadd.f32 $1.915000000e+02, v4;
	_ =	sdelay $0x1  }
0x47: {  	v3 =	vmax.f32 v3, $0.0e+00;
	v4 =	vmax.f32 v4, $0.0e+00  }
0x48: {  	v3 =	vmin.f32 v3, $3.830000000e+02;
	v4 =	vmin.f32 v4, $3.830000000e+02  }
0x49: {  	v5 =	vtrunc.f32 v3;
	v6 =	vtrunc.f32 v4  }
0x4a: {  	v5 =	vcvt.f32.s32 v5;
	v6 =	vcvt.f32.s32 v6;
	_ =	sdelay $0x1  }
0x4b: {  	v7 =	vsub.s32 v5, v0;
	v8 =	vcvt.s32.f32 v5;
	v9 =	vcvt.s32.f32 v6  }
0x4c: {  	vm0 =	vge.s32 v5, v0;
	v7 =	vmul.u32 $0x180, v7  }
0x4d: {  	vm1 =	vgt.s32 v1, v5;
	v3 =	vsub.f32 v3, v8;
	v4 =	vsub.f32 v4, v9  }
0x4e: {  	vm0 =	vmand vm0, vm1;
	v7 =	vadd.s32 v6, v7;
	v6 =	vand.u32 $0x7F, v6  }
0x4f: {  	v8 =	vand.u32 $0xFFFFFF80, v7;
	v9 =	vsub.f32 $1.000000000e+00, v4;
	v10 =	vsub.f32 $1.000000000e+00, v3  }
0x50: {  	v6 =	vor.u32 v6, v8  }
0x51: {  	v5 =	vadd.s32 $0x1, v5;
	v8 =	vmul.f32 v9, v10;
	v11 =	vadd.s32 $0x4800, v6  }
0x52: {  	vm1 =	vge.s32 v5, v0;
	v10 =	vmul.f32 v4, v10;
	v12 =	vadd.s32 $0x9000, v6  }
0x53: {  	v9 =	vmul.f32 v9, v3;
	v14 =	vadd.s32 $0xD800, v6;
	v13 =	vmul.f32 v8, v8  }
0x54: {  	v15 =	vadd.s32 $0x1, v7;
	v3 =	vmul.f32 v4, v3;
	v4 =	vmul.f32 v8, v10  }
0x55: {  	vm2 =	vlt.s32 v5, v1;
	v5 =	vmul.f32 v9, v8;
	[tilespmem:v7+s11+$0x0] =	vst.idx.add.f32.msk vm0, v13;
	v13 =	vadd.s32 $0x12001, v7  }
0x56: {  	vm1 =	vmand vm1, vm2;
	[tilespmem:v11+s11+$0x0] =	vst.idx.add.f32.msk vm0, v4;
	v4 =	vmul.f32 v8, v3;
	v8 =	vadd.s32 $0x9001, v7  }
0x57: {  	v11 =	vadd.s32 $0x180, v6;
	[tilespmem:v12+s11+$0x0] =	vst.idx.add.f32.msk vm0, v5;
	v5 =	vmul.f32 v10, v10  }
0x58: {  	v12 =	vmul.f32 v9, v10;
	[tilespmem:v14+s11+$0x0] =	vst.idx.add.f32.msk vm0, v4;
	v4 =	vadd.s32 $0x4980, v6  }
0x59: {  	v6 =	vmul.f32 v3, v10;
	[tilespmem:v15+s11+$0x0] =	vst.idx.add.f32.msk vm0, v5;
	v5 =	vadd.s32 $0x181, v7  }
0x5a: {  	v7 =	vmul.f32 v9, v9;
	[tilespmem:v13+s11+$0x0] =	vst.idx.add.f32.msk vm0, v12  }
0x5b: {  	v9 =	vmul.f32 v9, v3;
	[tilespmem:v8+s11+$0x0] =	vst.idx.add.f32.msk vm0, v6  }
0x5c: {  	v3 =	vmul.f32 v3, v3;
	[tilespmem:v11+s11+$0x0] =	vst.idx.add.f32.msk vm1, v7  }
0x5d: {  	[tilespmem:v4+s11+$0x0] =	vst.idx.add.f32.msk vm1, v9  }
0x5e: {  	[tilespmem:v5+s11+$0x0] =	vst.idx.add.f32.msk vm1, v3  }
0x5f: {  	v3 =	vld [tilespmem:s31+$0xA0]  }
0x60: {  	v4 =	vld [tilespmem:s31+$0x20];
	_ =	sdelay $0x4  }
0x61: {  	v3 =	vmul.f32 $9.973958130e-01, v3;
	v4 =	vmul.f32 $9.973958130e-01, v4;
	_ =	sdelay $0x1  }
0x62: {  	v3 =	vadd.f32 $1.915000000e+02, v3;
	v4 =	vadd.f32 $1.915000000e+02, v4;
	_ =	sdelay $0x1  }
0x63: {  	v3 =	vmax.f32 v3, $0.0e+00;
	v4 =	vmax.f32 v4, $0.0e+00  }
0x64: {  	v3 =	vmin.f32 v3, $3.830000000e+02;
	v4 =	vmin.f32 v4, $3.830000000e+02  }
0x65: {  	v5 =	vtrunc.f32 v3;
	v6 =	vtrunc.f32 v4  }
0x66: {  	v5 =	vcvt.f32.s32 v5;
	v6 =	vcvt.f32.s32 v6;
	_ =	sdelay $0x1  }
0x67: {  	v7 =	vsub.s32 v5, v0;
	v8 =	vcvt.s32.f32 v6;
	v9 =	vcvt.s32.f32 v5  }
0x68: {  	vm0 =	vge.s32 v5, v0;
	v7 =	vmul.u32 $0x180, v7  }
0x69: {  	vm1 =	vgt.s32 v1, v5;
	v4 =	vsub.f32 v4, v8;
	v3 =	vsub.f32 v3, v9  }
0x6a: {  	vm0 =	vmand vm0, vm1;
	v8 =	vand.u32 $0x7F, v6;
	v6 =	vadd.s32 v6, v7  }
0x6b: {  	v7 =	vsub.f32 $1.000000000e+00, v4;
	v9 =	vsub.f32 $1.000000000e+00, v3;
	v10 =	vand.u32 $0xFFFFFF80, v6  }
0x6c: {  	v8 =	vor.u32 v8, v10  }
0x6d: {  	v5 =	vadd.s32 $0x1, v5;
	v10 =	vmul.f32 v7, v9;
	v11 =	vadd.s32 $0x4800, v8  }
0x6e: {  	vm1 =	vge.s32 v5, v0;
	v9 =	vmul.f32 v4, v9;
	v12 =	vadd.s32 $0x9000, v8  }
0x6f: {  	v7 =	vmul.f32 v7, v3;
	v14 =	vadd.s32 $0xD800, v8;
	v13 =	vmul.f32 v10, v10  }
0x70: {  	v15 =	vadd.s32 $0x1, v6;
	v3 =	vmul.f32 v4, v3;
	v4 =	vmul.f32 v10, v9  }
0x71: {  	vm2 =	vlt.s32 v5, v1;
	v5 =	vmul.f32 v7, v10;
	[tilespmem:v6+s11+$0x0] =	vst.idx.add.f32.msk vm0, v13;
	v13 =	vadd.s32 $0x12001, v6  }
0x72: {  	vm1 =	vmand vm1, vm2;
	[tilespmem:v11+s11+$0x0] =	vst.idx.add.f32.msk vm0, v4;
	v4 =	vmul.f32 v10, v3;
	v10 =	vadd.s32 $0x9001, v6  }
0x73: {  	v11 =	vadd.s32 $0x180, v8;
	[tilespmem:v12+s11+$0x0] =	vst.idx.add.f32.msk vm0, v5;
	v5 =	vmul.f32 v9, v9  }
0x74: {  	v12 =	vmul.f32 v7, v9;
	[tilespmem:v14+s11+$0x0] =	vst.idx.add.f32.msk vm0, v4;
	v4 =	vadd.s32 $0x4980, v8  }
0x75: {  	v8 =	vmul.f32 v3, v9;
	[tilespmem:v15+s11+$0x0] =	vst.idx.add.f32.msk vm0, v5;
	v5 =	vadd.s32 $0x181, v6  }
0x76: {  	v6 =	vmul.f32 v7, v7;
	[tilespmem:v13+s11+$0x0] =	vst.idx.add.f32.msk vm0, v12  }
0x77: {  	v7 =	vmul.f32 v7, v3;
	[tilespmem:v10+s11+$0x0] =	vst.idx.add.f32.msk vm0, v8  }
0x78: {  	v3 =	vmul.f32 v3, v3;
	[tilespmem:v11+s11+$0x0] =	vst.idx.add.f32.msk vm1, v6  }
0x79: {  	[tilespmem:v4+s11+$0x0] =	vst.idx.add.f32.msk vm1, v7  }
0x7a: {  	[tilespmem:v5+s11+$0x0] =	vst.idx.add.f32.msk vm1, v3  }
0x7b: {  	v3 =	vld [tilespmem:s31+$0xB0]  }
0x7c: {  	v4 =	vld [tilespmem:s31+$0x30];
	_ =	sdelay $0x4  }
0x7d: {  	v3 =	vmul.f32 $9.973958130e-01, v3;
	v4 =	vmul.f32 $9.973958130e-01, v4;
	_ =	sdelay $0x1  }
0x7e: {  	v3 =	vadd.f32 $1.915000000e+02, v3;
	v4 =	vadd.f32 $1.915000000e+02, v4;
	_ =	sdelay $0x1  }
0x7f: {  	v3 =	vmax.f32 v3, $0.0e+00;
	v4 =	vmax.f32 v4, $0.0e+00  }
0x80: {  	v3 =	vmin.f32 v3, $3.830000000e+02;
	v4 =	vmin.f32 v4, $3.830000000e+02  }
0x81: {  	v5 =	vtrunc.f32 v3;
	v6 =	vtrunc.f32 v4  }
0x82: {  	v5 =	vcvt.f32.s32 v5;
	v6 =	vcvt.f32.s32 v6;
	_ =	sdelay $0x1  }
0x83: {  	v7 =	vsub.s32 v5, v0;
	v8 =	vcvt.s32.f32 v5;
	v9 =	vcvt.s32.f32 v6  }
0x84: {  	vm0 =	vge.s32 v5, v0;
	v7 =	vmul.u32 $0x180, v7  }
0x85: {  	vm1 =	vgt.s32 v1, v5;
	v3 =	vsub.f32 v3, v8;
	v4 =	vsub.f32 v4, v9  }
0x86: {  	vm0 =	vmand vm0, vm1;
	v7 =	vadd.s32 v6, v7;
	v6 =	vand.u32 $0x7F, v6  }
0x87: {  	v8 =	vand.u32 $0xFFFFFF80, v7;
	v9 =	vsub.f32 $1.000000000e+00, v4;
	v10 =	vsub.f32 $1.000000000e+00, v3  }
0x88: {  	v6 =	vor.u32 v6, v8  }
0x89: {  	v5 =	vadd.s32 $0x1, v5;
	v8 =	vadd.s32 $0x4800, v6;
	v11 =	vmul.f32 v9, v10  }
0x8a: {  	vm1 =	vge.s32 v5, v0;
	v10 =	vmul.f32 v4, v10;
	v12 =	vadd.s32 $0x9000, v6  }
0x8b: {  	v13 =	vadd.s32 $0xD800, v6;
	v9 =	vmul.f32 v9, v3;
	v14 =	vmul.f32 v11, v11  }
0x8c: {  	v15 =	vadd.s32 $0x1, v7;
	v3 =	vmul.f32 v4, v3;
	v4 =	vmul.f32 v11, v10  }
0x8d: {  	vm2 =	vlt.s32 v5, v1;
	v5 =	vmul.f32 v9, v11;
	[tilespmem:v7+s11+$0x0] =	vst.idx.add.f32.msk vm0, v14;
	v14 =	vadd.s32 $0x12001, v7  }
0x8e: {  	vm1 =	vmand vm1, vm2;
	[tilespmem:v8+s11+$0x0] =	vst.idx.add.f32.msk vm0, v4;
	v4 =	vmul.f32 v11, v3;
	v8 =	vadd.s32 $0x9001, v7  }
0x8f: {  	v11 =	vadd.s32 $0x180, v6;
	[tilespmem:v12+s11+$0x0] =	vst.idx.add.f32.msk vm0, v5;
	v5 =	vmul.f32 v10, v10  }
0x90: {  	v12 =	vmul.f32 v9, v10;
	[tilespmem:v13+s11+$0x0] =	vst.idx.add.f32.msk vm0, v4;
	v4 =	vadd.s32 $0x4980, v6  }
0x91: {  	v6 =	vmul.f32 v3, v10;
	[tilespmem:v15+s11+$0x0] =	vst.idx.add.f32.msk vm0, v5;
	v5 =	vadd.s32 $0x181, v7  }
0x92: {  	v7 =	vmul.f32 v9, v9;
	[tilespmem:v14+s11+$0x0] =	vst.idx.add.f32.msk vm0, v12  }
0x93: {  	v9 =	vmul.f32 v9, v3;
	[tilespmem:v8+s11+$0x0] =	vst.idx.add.f32.msk vm0, v6  }
0x94: {  	v3 =	vmul.f32 v3, v3;
	[tilespmem:v11+s11+$0x0] =	vst.idx.add.f32.msk vm1, v7  }
0x95: {  	[tilespmem:v4+s11+$0x0] =	vst.idx.add.f32.msk vm1, v9  }
0x96: {  	[tilespmem:v5+s11+$0x0] =	vst.idx.add.f32.msk vm1, v3  }
0x97: {  	v3 =	vld [tilespmem:s31+$0x40]  }
0x98: {  	v4 =	vld [tilespmem:s31+$0xC0];
	_ =	sdelay $0x4  }
0x99: {  	v3 =	vmul.f32 $9.973958130e-01, v3;
	v4 =	vmul.f32 $9.973958130e-01, v4;
	_ =	sdelay $0x1  }
0x9a: {  	v3 =	vadd.f32 $1.915000000e+02, v3;
	v4 =	vadd.f32 $1.915000000e+02, v4;
	_ =	sdelay $0x1  }
0x9b: {  	v3 =	vmax.f32 v3, $0.0e+00;
	v4 =	vmax.f32 v4, $0.0e+00  }
0x9c: {  	v3 =	vmin.f32 v3, $3.830000000e+02;
	v4 =	vmin.f32 v4, $3.830000000e+02  }
0x9d: {  	v5 =	vtrunc.f32 v3;
	v6 =	vtrunc.f32 v4  }
0x9e: {  	v6 =	vcvt.f32.s32 v6;
	v5 =	vcvt.f32.s32 v5;
	_ =	sdelay $0x1  }
0x9f: {  	v7 =	vcvt.s32.f32 v5;
	v8 =	vcvt.s32.f32 v6;
	v9 =	vsub.s32 v6, v0  }
0xa0: {  	vm0 =	vge.s32 v6, v0;
	v9 =	vmul.u32 $0x180, v9  }
0xa1: {  	vm1 =	vgt.s32 v1, v6;
	v3 =	vsub.f32 v3, v7;
	v4 =	vsub.f32 v4, v8  }
0xa2: {  	vm0 =	vmand vm0, vm1;
	v7 =	vadd.s32 v5, v9;
	v5 =	vand.u32 $0x7F, v5  }
0xa3: {  	v8 =	vsub.f32 $1.000000000e+00, v3;
	v9 =	vsub.f32 $1.000000000e+00, v4;
	v10 =	vand.u32 $0xFFFFFF80, v7  }
0xa4: {  	v5 =	vor.u32 v5, v10  }
0xa5: {  	v6 =	vadd.s32 $0x1, v6;
	v10 =	vmul.f32 v8, v9;
	v11 =	vadd.s32 $0x4800, v5  }
0xa6: {  	vm1 =	vge.s32 v6, v0;
	v9 =	vmul.f32 v3, v9;
	v12 =	vadd.s32 $0x9000, v5  }
0xa7: {  	v8 =	vmul.f32 v8, v4;
	v14 =	vadd.s32 $0xD800, v5;
	v13 =	vmul.f32 v10, v10  }
0xa8: {  	v15 =	vadd.s32 $0x1, v7;
	v3 =	vmul.f32 v3, v4;
	v4 =	vmul.f32 v10, v9  }
0xa9: {  	vm2 =	vlt.s32 v6, v1;
	v6 =	vmul.f32 v8, v10;
	[tilespmem:v7+s11+$0x0] =	vst.idx.add.f32.msk vm0, v13;
	v13 =	vadd.s32 $0x12001, v7  }
0xaa: {  	vm1 =	vmand vm1, vm2;
	[tilespmem:v11+s11+$0x0] =	vst.idx.add.f32.msk vm0, v4;
	v4 =	vmul.f32 v10, v3;
	v10 =	vadd.s32 $0x9001, v7  }
0xab: {  	v11 =	vadd.s32 $0x180, v5;
	[tilespmem:v12+s11+$0x0] =	vst.idx.add.f32.msk vm0, v6;
	v6 =	vmul.f32 v9, v9  }
0xac: {  	v12 =	vmul.f32 v8, v9;
	[tilespmem:v14+s11+$0x0] =	vst.idx.add.f32.msk vm0, v4;
	v4 =	vadd.s32 $0x4980, v5  }
0xad: {  	v5 =	vmul.f32 v3, v9;
	[tilespmem:v15+s11+$0x0] =	vst.idx.add.f32.msk vm0, v6;
	v6 =	vadd.s32 $0x181, v7  }
0xae: {  	v7 =	vmul.f32 v8, v8;
	[tilespmem:v13+s11+$0x0] =	vst.idx.add.f32.msk vm0, v12  }
0xaf: {  	v8 =	vmul.f32 v8, v3;
	[tilespmem:v10+s11+$0x0] =	vst.idx.add.f32.msk vm0, v5  }
0xb0: {  	v3 =	vmul.f32 v3, v3;
	[tilespmem:v11+s11+$0x0] =	vst.idx.add.f32.msk vm1, v7  }
0xb1: {  	[tilespmem:v4+s11+$0x0] =	vst.idx.add.f32.msk vm1, v8  }
0xb2: {  	[tilespmem:v6+s11+$0x0] =	vst.idx.add.f32.msk vm1, v3  }
0xb3: {  	v3 =	vld [tilespmem:s31+$0xD0]  }
0xb4: {  	v4 =	vld [tilespmem:s31+$0x50];
	_ =	sdelay $0x4  }
0xb5: {  	v3 =	vmul.f32 $9.973958130e-01, v3;
	v4 =	vmul.f32 $9.973958130e-01, v4;
	_ =	sdelay $0x1  }
0xb6: {  	v3 =	vadd.f32 $1.915000000e+02, v3;
	v4 =	vadd.f32 $1.915000000e+02, v4;
	_ =	sdelay $0x1  }
0xb7: {  	v3 =	vmax.f32 v3, $0.0e+00;
	v4 =	vmax.f32 v4, $0.0e+00  }
0xb8: {  	v3 =	vmin.f32 v3, $3.830000000e+02;
	v4 =	vmin.f32 v4, $3.830000000e+02  }
0xb9: {  	v5 =	vtrunc.f32 v3;
	v6 =	vtrunc.f32 v4  }
0xba: {  	v5 =	vcvt.f32.s32 v5;
	v6 =	vcvt.f32.s32 v6;
	_ =	sdelay $0x1  }
0xbb: {  	v7 =	vcvt.s32.f32 v5;
	v8 =	vsub.s32 v5, v0;
	v9 =	vcvt.s32.f32 v6  }
0xbc: {  	vm0 =	vge.s32 v5, v0;
	v8 =	vmul.u32 $0x180, v8  }
0xbd: {  	vm1 =	vgt.s32 v1, v5;
	v3 =	vsub.f32 v3, v7;
	v4 =	vsub.f32 v4, v9  }
0xbe: {  	vm0 =	vmand vm0, vm1;
	v7 =	vadd.s32 v6, v8;
	v6 =	vand.u32 $0x7F, v6  }
0xbf: {  	v8 =	vsub.f32 $1.000000000e+00, v3;
	v9 =	vand.u32 $0xFFFFFF80, v7;
	v10 =	vsub.f32 $1.000000000e+00, v4  }
0xc0: {  	v6 =	vor.u32 v6, v9  }
0xc1: {  	v5 =	vadd.s32 $0x1, v5;
	v9 =	vadd.s32 $0x4800, v6;
	v11 =	vmul.f32 v10, v8  }
0xc2: {  	vm1 =	vge.s32 v5, v0;
	v8 =	vmul.f32 v4, v8;
	v12 =	vadd.s32 $0x9000, v6  }
0xc3: {  	v10 =	vmul.f32 v10, v3;
	v14 =	vadd.s32 $0xD800, v6;
	v13 =	vmul.f32 v11, v11  }
0xc4: {  	v15 =	vadd.s32 $0x1, v7;
	v3 =	vmul.f32 v4, v3;
	v4 =	vmul.f32 v11, v8  }
0xc5: {  	vm2 =	vlt.s32 v5, v1;
	v5 =	vmul.f32 v10, v11;
	[tilespmem:v7+s11+$0x0] =	vst.idx.add.f32.msk vm0, v13;
	v13 =	vadd.s32 $0x12001, v7  }
0xc6: {  	vm1 =	vmand vm1, vm2;
	[tilespmem:v9+s11+$0x0] =	vst.idx.add.f32.msk vm0, v4;
	v4 =	vmul.f32 v11, v3;
	v9 =	vadd.s32 $0x9001, v7  }
0xc7: {  	v11 =	vadd.s32 $0x180, v6;
	[tilespmem:v12+s11+$0x0] =	vst.idx.add.f32.msk vm0, v5;
	v5 =	vmul.f32 v8, v8  }
0xc8: {  	v12 =	vmul.f32 v10, v8;
	[tilespmem:v14+s11+$0x0] =	vst.idx.add.f32.msk vm0, v4;
	v4 =	vadd.s32 $0x4980, v6  }
0xc9: {  	v6 =	vmul.f32 v3, v8;
	[tilespmem:v15+s11+$0x0] =	vst.idx.add.f32.msk vm0, v5;
	v5 =	vadd.s32 $0x181, v7  }
0xca: {  	v7 =	vmul.f32 v10, v10;
	[tilespmem:v13+s11+$0x0] =	vst.idx.add.f32.msk vm0, v12  }
0xcb: {  	v8 =	vmul.f32 v10, v3;
	[tilespmem:v9+s11+$0x0] =	vst.idx.add.f32.msk vm0, v6  }
0xcc: {  	v3 =	vmul.f32 v3, v3;
	[tilespmem:v11+s11+$0x0] =	vst.idx.add.f32.msk vm1, v7  }
0xcd: {  	[tilespmem:v4+s11+$0x0] =	vst.idx.add.f32.msk vm1, v8  }
0xce: {  	[tilespmem:v5+s11+$0x0] =	vst.idx.add.f32.msk vm1, v3  }
0xcf: {  	v3 =	vld [tilespmem:s31+$0xE0]  }
0xd0: {  	v4 =	vld [tilespmem:s31+$0x60];
	_ =	sdelay $0x4  }
0xd1: {  	v3 =	vmul.f32 $9.973958130e-01, v3;
	v4 =	vmul.f32 $9.973958130e-01, v4;
	_ =	sdelay $0x1  }
0xd2: {  	v3 =	vadd.f32 $1.915000000e+02, v3;
	v4 =	vadd.f32 $1.915000000e+02, v4;
	_ =	sdelay $0x1  }
0xd3: {  	v3 =	vmax.f32 v3, $0.0e+00;
	v4 =	vmax.f32 v4, $0.0e+00  }
0xd4: {  	v3 =	vmin.f32 v3, $3.830000000e+02;
	v4 =	vmin.f32 v4, $3.830000000e+02  }
0xd5: {  	v5 =	vtrunc.f32 v3;
	v6 =	vtrunc.f32 v4  }
0xd6: {  	v5 =	vcvt.f32.s32 v5;
	v6 =	vcvt.f32.s32 v6;
	_ =	sdelay $0x1  }
0xd7: {  	v7 =	vsub.s32 v5, v0;
	v8 =	vcvt.s32.f32 v5;
	v9 =	vcvt.s32.f32 v6  }
0xd8: {  	vm0 =	vge.s32 v5, v0;
	v7 =	vmul.u32 $0x180, v7  }
0xd9: {  	vm1 =	vgt.s32 v1, v5;
	v3 =	vsub.f32 v3, v8;
	v4 =	vsub.f32 v4, v9  }
0xda: {  	vm0 =	vmand vm0, vm1;
	v7 =	vadd.s32 v6, v7;
	v6 =	vand.u32 $0x7F, v6  }
0xdb: {  	v8 =	vand.u32 $0xFFFFFF80, v7;
	v9 =	vsub.f32 $1.000000000e+00, v4;
	v10 =	vsub.f32 $1.000000000e+00, v3  }
0xdc: {  	v6 =	vor.u32 v6, v8  }
0xdd: {  	v5 =	vadd.s32 $0x1, v5;
	v8 =	vadd.s32 $0x4800, v6;
	v11 =	vmul.f32 v9, v10  }
0xde: {  	vm1 =	vge.s32 v5, v0;
	v10 =	vmul.f32 v4, v10;
	v12 =	vadd.s32 $0x9000, v6  }
0xdf: {  	v9 =	vmul.f32 v9, v3;
	v14 =	vadd.s32 $0xD800, v6;
	v13 =	vmul.f32 v11, v11  }
0xe0: {  	v15 =	vadd.s32 $0x1, v7;
	v3 =	vmul.f32 v4, v3;
	v4 =	vmul.f32 v11, v10  }
0xe1: {  	vm2 =	vlt.s32 v5, v1;
	v5 =	vmul.f32 v9, v11;
	[tilespmem:v7+s11+$0x0] =	vst.idx.add.f32.msk vm0, v13;
	v13 =	vadd.s32 $0x12001, v7  }
0xe2: {  	vm1 =	vmand vm1, vm2;
	[tilespmem:v8+s11+$0x0] =	vst.idx.add.f32.msk vm0, v4;
	v4 =	vmul.f32 v11, v3;
	v8 =	vadd.s32 $0x9001, v7  }
0xe3: {  	v11 =	vadd.s32 $0x180, v6;
	[tilespmem:v12+s11+$0x0] =	vst.idx.add.f32.msk vm0, v5;
	v5 =	vmul.f32 v10, v10  }
0xe4: {  	v12 =	vmul.f32 v9, v10;
	[tilespmem:v14+s11+$0x0] =	vst.idx.add.f32.msk vm0, v4;
	v4 =	vadd.s32 $0x4980, v6  }
0xe5: {  	v6 =	vmul.f32 v3, v10;
	[tilespmem:v15+s11+$0x0] =	vst.idx.add.f32.msk vm0, v5;
	v5 =	vadd.s32 $0x181, v7  }
0xe6: {  	v7 =	vmul.f32 v9, v9;
	[tilespmem:v13+s11+$0x0] =	vst.idx.add.f32.msk vm0, v12  }
0xe7: {  	v9 =	vmul.f32 v9, v3;
	[tilespmem:v8+s11+$0x0] =	vst.idx.add.f32.msk vm0, v6  }
0xe8: {  	v3 =	vmul.f32 v3, v3;
	[tilespmem:v11+s11+$0x0] =	vst.idx.add.f32.msk vm1, v7  }
0xe9: {  	[tilespmem:v4+s11+$0x0] =	vst.idx.add.f32.msk vm1, v9  }
0xea: {  	[tilespmem:v5+s11+$0x0] =	vst.idx.add.f32.msk vm1, v3  }
0xeb: {  	v3 =	vld [tilespmem:s31+$0x70]  }
0xec: {  	v4 =	vld [tilespmem:s31+$0xF0];
	_ =	sdelay $0x4  }
0xed: {  	v3 =	vmul.f32 $9.973958130e-01, v3;
	v4 =	vmul.f32 $9.973958130e-01, v4;
	_ =	sdelay $0x1  }
0xee: {  	v3 =	vadd.f32 $1.915000000e+02, v3;
	v4 =	vadd.f32 $1.915000000e+02, v4;
	_ =	sdelay $0x1  }
0xef: {  	v3 =	vmax.f32 v3, $0.0e+00;
	v4 =	vmax.f32 v4, $0.0e+00  }
0xf0: {  	v3 =	vmin.f32 v3, $3.830000000e+02;
	v4 =	vmin.f32 v4, $3.830000000e+02  }
0xf1: {  	v5 =	vtrunc.f32 v3;
	v6 =	vtrunc.f32 v4  }
0xf2: {  	v5 =	vcvt.f32.s32 v5;
	v6 =	vcvt.f32.s32 v6;
	_ =	sdelay $0x1  }
0xf3: {  	v7 =	vcvt.s32.f32 v5;
	v9 =	vcvt.s32.f32 v6;
	v8 =	vsub.s32 v6, v0  }
0xf4: {  	vm0 =	vge.s32 v6, v0;
	vm1 =	vgt.s32 v1, v6;
	v10 =	vmul.u32 $0x180, v8  }
0xf5: {  	v8 =	vadd.s32 $0x1, v6;
	v11 =	vsub.f32 v3, v7;
	v6 =	vsub.f32 v4, v9  }
0xf6: {  	vm0 =	vmand vm0, vm1;
	v4 =	vadd.s32 v5, v10;
	v5 =	vand.u32 $0x7F, v5  }
0xf7: {  	v10 =	vsub.f32 $1.000000000e+00, v11;
	v9 =	vsub.f32 $1.000000000e+00, v6;
	v7 =	vand.u32 $0xFFFFFF80, v4  }
0xf8: {  	v3 =	vmul.f32 v11, v6;
	v7 =	vor.u32 v5, v7;
	v5 =	vadd.s32 $0x12001, v4  }
0xf9: {  	v14 =	vmul.f32 v10, v9;
	v9 =	vmul.f32 v11, v9;
	v13 =	vadd.s32 $0x4800, v7  }
0xfa: {  	v6 =	vmul.f32 v10, v6;
	v12 =	vadd.s32 $0x9000, v7;
	v10 =	vadd.s32 $0xD800, v7  }
0xfb: {  	s19 =	simm.s32 $0x400;
	v11 =	vadd.s32 $0x1, v4;
	v16 =	vmul.f32 v14, v14;
	v15 =	vmul.f32 v14, v9  }
.LBB2_4:
0xfc: {  	p0 =	sne.s32 s19, $0x11C00;
	vm1 =	vge.s32 v8, v0;
	v17 =	vmul.f32 v6, v14;
	v18 =	vmul.f32 v3, v9;
	s20 =	smov.u32 s19;
	s19 =	sadd.s32 $0x400, s19  }
0xfd: {  	vm2 =	vlt.s32 v8, v1;
	v8 =	vmul.f32 v14, v3;
	v14 =	vadd.s32 $0x9001, v4;
	[tilespmem:v4+s11+$0x0] =	vst.idx.add.f32.msk vm0, v16  }
0xfe: {  	vm1 =	vmand vm1, vm2;
	[tilespmem:v13+s11+$0x0] =	vst.idx.add.f32.msk vm0, v15;
	v13 =	vmul.f32 v9, v9;
	v15 =	vadd.s32 $0x180, v7  }
0xff: {  	v9 =	vmul.f32 v6, v9;
	v7 =	vadd.s32 $0x4980, v7;
	[tilespmem:v12+s11+$0x0] =	vst.idx.add.f32.msk vm0, v17  }
0x100: {  	v4 =	vadd.s32 $0x181, v4;
	[tilespmem:v10+s11+$0x0] =	vst.idx.add.f32.msk vm0, v8  }
0x101: {  	v8 =	vmul.f32 v6, v6;
	[tilespmem:v11+s11+$0x0] =	vst.idx.add.f32.msk vm0, v13  }
0x102: {  	[tilespmem:v5+s11+$0x0] =	vst.idx.add.f32.msk vm0, v9;
	v5 =	vmul.f32 v6, v3  }
0x103: {  	v3 =	vmul.f32 v3, v3;
	[tilespmem:v14+s11+$0x0] =	vst.idx.add.f32.msk vm0, v18  }
0x104: {  	s20 =	sshra.s32 s20, $0x2;
	[tilespmem:v15+s11+$0x0] =	vst.idx.add.f32.msk vm1, v8  }
0x105: {  	[tilespmem:v7+s11+$0x0] =	vst.idx.add.f32.msk vm1, v5  }
0x106: {  	[tilespmem:v4+s11+$0x0] =	vst.idx.add.f32.msk vm1, v3  }
0x107: {  	v3 =	vld [tilespmem:s20+$0x80]  }
0x108: {  	v4 =	vld [tilespmem:s20+$0x0];
	_ =	sdelay $0x3  }
0x109: {  	v3 =	vmul.f32 $9.973958130e-01, v3  }
0x10a: {  	v4 =	vmul.f32 $9.973958130e-01, v4  }
0x10b: {  	v3 =	vadd.f32 $1.915000000e+02, v3  }
0x10c: {  	v4 =	vadd.f32 $1.915000000e+02, v4  }
0x10d: {  	v3 =	vmax.f32 v3, $0.0e+00  }
0x10e: {  	v3 =	vmin.f32 v3, $3.830000000e+02;
	v4 =	vmax.f32 v4, $0.0e+00  }
0x10f: {  	v5 =	vtrunc.f32 v3;
	v4 =	vmin.f32 v4, $3.830000000e+02  }
0x110: {  	v5 =	vcvt.f32.s32 v5;
	v6 =	vtrunc.f32 v4  }
0x111: {  	v6 =	vcvt.f32.s32 v6  }
0x112: {  	vm0 =	vge.s32 v5, v0;
	v7 =	vcvt.s32.f32 v5;
	v8 =	vsub.s32 v5, v0  }
0x113: {  	vm2 =	vgt.s32 v1, v5;
	v9 =	vcvt.s32.f32 v6;
	v8 =	vmul.u32 $0x180, v8  }
0x114: {  	v5 =	vadd.s32 $0x1, v5;
	v3 =	vsub.f32 v3, v7  }
0x115: {  	vm1 =	vge.s32 v5, v0;
	v4 =	vsub.f32 v4, v9;
	v7 =	vadd.s32 v6, v8  }
0x116: {  	vm0 =	vmand vm0, vm2;
	v6 =	vand.u32 $0x7F, v6;
	v8 =	vand.u32 $0xFFFFFF80, v7  }
0x117: {  	v10 =	vsub.f32 $1.000000000e+00, v3;
	v9 =	vsub.f32 $1.000000000e+00, v4;
	v6 =	vor.u32 v6, v8  }
0x118: {  	vm2 =	vlt.s32 v5, v1;
	v5 =	vmul.f32 v4, v3  }
0x119: {  	v4 =	vmul.f32 v4, v10;
	v8 =	vmul.f32 v9, v10;
	v10 =	vadd.s32 $0x4800, v6  }
0x11a: {  	v3 =	vmul.f32 v9, v3;
	v9 =	vadd.s32 $0x9000, v6  }
0x11b: {  	v13 =	vadd.s32 $0xD800, v6;
	v11 =	vmul.f32 v8, v8;
	v12 =	vmul.f32 v8, v4  }
0x11c: {  	v15 =	vadd.s32 $0x1, v7;
	v14 =	vmul.f32 v3, v8;
	v16 =	vmul.f32 v3, v4  }
0x11d: {  	v17 =	vmul.f32 v5, v4;
	v18 =	vmul.f32 v3, v5;
	[tilespmem:v7+s11+$0x0] =	vst.idx.add.f32.msk vm0, v11;
	v11 =	vadd.s32 $0x12001, v7  }
0x11e: {  	vm1 =	vmand vm1, vm2;
	v8 =	vmul.f32 v8, v5;
	[tilespmem:v10+s11+$0x0] =	vst.idx.add.f32.msk vm0, v12;
	v10 =	vadd.s32 $0x9001, v7  }
0x11f: {  	v4 =	vmul.f32 v4, v4;
	[tilespmem:v9+s11+$0x0] =	vst.idx.add.f32.msk vm0, v14;
	v9 =	vadd.s32 $0x180, v6  }
0x120: {  	v6 =	vadd.s32 $0x4980, v6;
	[tilespmem:v13+s11+$0x0] =	vst.idx.add.f32.msk vm0, v8  }
0x121: {  	[tilespmem:v15+s11+$0x0] =	vst.idx.add.f32.msk vm0, v4;
	v4 =	vadd.s32 $0x181, v7  }
0x122: {  	v3 =	vmul.f32 v3, v3;
	[tilespmem:v11+s11+$0x0] =	vst.idx.add.f32.msk vm0, v16  }
0x123: {  	[tilespmem:v10+s11+$0x0] =	vst.idx.add.f32.msk vm0, v17  }
0x124: {  	[tilespmem:v9+s11+$0x0] =	vst.idx.add.f32.msk vm1, v3;
	v3 =	vmul.f32 v5, v5  }
0x125: {  	[tilespmem:v6+s11+$0x0] =	vst.idx.add.f32.msk vm1, v18  }
0x126: {  	[tilespmem:v4+s11+$0x0] =	vst.idx.add.f32.msk vm1, v3  }
0x127: {  	v3 =	vld [tilespmem:s20+$0x90]  }
0x128: {  	v4 =	vld [tilespmem:s20+$0x10];
	_ =	sdelay $0x3  }
0x129: {  	v3 =	vmul.f32 $9.973958130e-01, v3  }
0x12a: {  	v4 =	vmul.f32 $9.973958130e-01, v4  }
0x12b: {  	v3 =	vadd.f32 $1.915000000e+02, v3  }
0x12c: {  	v4 =	vadd.f32 $1.915000000e+02, v4  }
0x12d: {  	v3 =	vmax.f32 v3, $0.0e+00  }
0x12e: {  	v3 =	vmin.f32 v3, $3.830000000e+02;
	v4 =	vmax.f32 v4, $0.0e+00  }
0x12f: {  	v5 =	vtrunc.f32 v3;
	v4 =	vmin.f32 v4, $3.830000000e+02  }
0x130: {  	v5 =	vcvt.f32.s32 v5;
	v6 =	vtrunc.f32 v4  }
0x131: {  	v6 =	vcvt.f32.s32 v6  }
0x132: {  	vm0 =	vge.s32 v5, v0;
	v7 =	vcvt.s32.f32 v5;
	v8 =	vsub.s32 v5, v0  }
0x133: {  	vm2 =	vgt.s32 v1, v5;
	v9 =	vcvt.s32.f32 v6;
	v8 =	vmul.u32 $0x180, v8  }
0x134: {  	v5 =	vadd.s32 $0x1, v5;
	v3 =	vsub.f32 v3, v7  }
0x135: {  	vm1 =	vge.s32 v5, v0;
	v4 =	vsub.f32 v4, v9;
	v7 =	vadd.s32 v6, v8  }
0x136: {  	vm0 =	vmand vm0, vm2;
	v6 =	vand.u32 $0x7F, v6;
	v8 =	vand.u32 $0xFFFFFF80, v7  }
0x137: {  	v10 =	vsub.f32 $1.000000000e+00, v3;
	v9 =	vsub.f32 $1.000000000e+00, v4;
	v6 =	vor.u32 v6, v8  }
0x138: {  	vm2 =	vlt.s32 v5, v1;
	v5 =	vmul.f32 v4, v3  }
0x139: {  	v4 =	vmul.f32 v4, v10;
	v8 =	vmul.f32 v9, v10;
	v10 =	vadd.s32 $0x4800, v6  }
0x13a: {  	v3 =	vmul.f32 v9, v3;
	v9 =	vadd.s32 $0x9000, v6  }
0x13b: {  	v13 =	vadd.s32 $0xD800, v6;
	v11 =	vmul.f32 v8, v8;
	v12 =	vmul.f32 v8, v4  }
0x13c: {  	v15 =	vadd.s32 $0x1, v7;
	v14 =	vmul.f32 v3, v8;
	v16 =	vmul.f32 v3, v4  }
0x13d: {  	v17 =	vmul.f32 v5, v4;
	v18 =	vmul.f32 v3, v5;
	[tilespmem:v7+s11+$0x0] =	vst.idx.add.f32.msk vm0, v11;
	v11 =	vadd.s32 $0x12001, v7  }
0x13e: {  	vm1 =	vmand vm1, vm2;
	v8 =	vmul.f32 v8, v5;
	[tilespmem:v10+s11+$0x0] =	vst.idx.add.f32.msk vm0, v12;
	v10 =	vadd.s32 $0x9001, v7  }
0x13f: {  	v4 =	vmul.f32 v4, v4;
	[tilespmem:v9+s11+$0x0] =	vst.idx.add.f32.msk vm0, v14;
	v9 =	vadd.s32 $0x180, v6  }
0x140: {  	v6 =	vadd.s32 $0x4980, v6;
	[tilespmem:v13+s11+$0x0] =	vst.idx.add.f32.msk vm0, v8  }
0x141: {  	[tilespmem:v15+s11+$0x0] =	vst.idx.add.f32.msk vm0, v4;
	v4 =	vadd.s32 $0x181, v7  }
0x142: {  	v3 =	vmul.f32 v3, v3;
	[tilespmem:v11+s11+$0x0] =	vst.idx.add.f32.msk vm0, v16  }
0x143: {  	[tilespmem:v10+s11+$0x0] =	vst.idx.add.f32.msk vm0, v17  }
0x144: {  	[tilespmem:v9+s11+$0x0] =	vst.idx.add.f32.msk vm1, v3;
	v3 =	vmul.f32 v5, v5  }
0x145: {  	[tilespmem:v6+s11+$0x0] =	vst.idx.add.f32.msk vm1, v18  }
0x146: {  	[tilespmem:v4+s11+$0x0] =	vst.idx.add.f32.msk vm1, v3  }
0x147: {  	v3 =	vld [tilespmem:s20+$0xA0]  }
0x148: {  	v4 =	vld [tilespmem:s20+$0x20];
	_ =	sdelay $0x3  }
0x149: {  	v3 =	vmul.f32 $9.973958130e-01, v3  }
0x14a: {  	v4 =	vmul.f32 $9.973958130e-01, v4  }
0x14b: {  	v3 =	vadd.f32 $1.915000000e+02, v3  }
0x14c: {  	v4 =	vadd.f32 $1.915000000e+02, v4  }
0x14d: {  	v3 =	vmax.f32 v3, $0.0e+00  }
0x14e: {  	v3 =	vmin.f32 v3, $3.830000000e+02;
	v4 =	vmax.f32 v4, $0.0e+00  }
0x14f: {  	v5 =	vtrunc.f32 v3;
	v4 =	vmin.f32 v4, $3.830000000e+02  }
0x150: {  	v5 =	vcvt.f32.s32 v5;
	v6 =	vtrunc.f32 v4  }
0x151: {  	v6 =	vcvt.f32.s32 v6  }
0x152: {  	vm0 =	vge.s32 v5, v0;
	vm1 =	vgt.s32 v1, v5;
	v7 =	vsub.s32 v5, v0  }
0x153: {  	v9 =	vcvt.s32.f32 v5;
	v8 =	vcvt.s32.f32 v6;
	v10 =	vand.u32 $0x7F, v6  }
0x154: {  	v5 =	vadd.s32 $0x1, v5;
	v7 =	vmul.u32 $0x180, v7  }
0x155: {  	vm2 =	vge.s32 v5, v0;
	v3 =	vsub.f32 v3, v9;
	v4 =	vsub.f32 v4, v8  }
0x156: {  	vm0 =	vmand vm0, vm1;
	vm1 =	vlt.s32 v5, v1;
	v5 =	vadd.s32 v6, v7  }
0x157: {  	v7 =	vsub.f32 $1.000000000e+00, v3;
	v8 =	vand.u32 $0xFFFFFF80, v5;
	v6 =	vsub.f32 $1.000000000e+00, v4  }
0x158: {  	v9 =	vmul.f32 v4, v3;
	v8 =	vor.u32 v10, v8  }
0x159: {  	v4 =	vmul.f32 v4, v7;
	v10 =	vmul.f32 v6, v7;
	v7 =	vadd.s32 $0x4800, v8  }
0x15a: {  	vm1 =	vmand vm2, vm1;
	v11 =	vadd.s32 $0x9000, v8  }
0x15b: {  	v12 =	vadd.s32 $0xD800, v8;
	v3 =	vmul.f32 v6, v3;
	v6 =	vmul.f32 v10, v10  }
0x15c: {  	v14 =	vadd.s32 $0x1, v5;
	v15 =	vmul.f32 v9, v4;
	v13 =	vmul.f32 v10, v4  }
0x15d: {  	v16 =	vadd.s32 $0x12001, v5;
	v17 =	vmul.f32 v3, v4;
	[tilespmem:v5+s11+$0x0] =	vst.idx.add.f32.msk vm0, v6;
	v6 =	vmul.f32 v3, v10  }
0x15e: {  	[tilespmem:v7+s11+$0x0] =	vst.idx.add.f32.msk vm0, v13;
	v7 =	vmul.f32 v10, v9;
	v10 =	vadd.s32 $0x9001, v5;
	v13 =	vmul.f32 v3, v9  }
0x15f: {  	v4 =	vmul.f32 v4, v4;
	[tilespmem:v11+s11+$0x0] =	vst.idx.add.f32.msk vm0, v6;
	v6 =	vadd.s32 $0x180, v8  }
0x160: {  	[tilespmem:v12+s11+$0x0] =	vst.idx.add.f32.msk vm0, v7;
	v7 =	vadd.s32 $0x4980, v8  }
0x161: {  	[tilespmem:v14+s11+$0x0] =	vst.idx.add.f32.msk vm0, v4;
	v4 =	vadd.s32 $0x181, v5  }
0x162: {  	v3 =	vmul.f32 v3, v3;
	[tilespmem:v16+s11+$0x0] =	vst.idx.add.f32.msk vm0, v17  }
0x163: {  	[tilespmem:v10+s11+$0x0] =	vst.idx.add.f32.msk vm0, v15  }
0x164: {  	[tilespmem:v6+s11+$0x0] =	vst.idx.add.f32.msk vm1, v3;
	v3 =	vmul.f32 v9, v9  }
0x165: {  	[tilespmem:v7+s11+$0x0] =	vst.idx.add.f32.msk vm1, v13  }
0x166: {  	[tilespmem:v4+s11+$0x0] =	vst.idx.add.f32.msk vm1, v3  }
0x167: {  	v3 =	vld [tilespmem:s20+$0xB0]  }
0x168: {  	v4 =	vld [tilespmem:s20+$0x30];
	_ =	sdelay $0x3  }
0x169: {  	v3 =	vmul.f32 $9.973958130e-01, v3  }
0x16a: {  	v4 =	vmul.f32 $9.973958130e-01, v4  }
0x16b: {  	v3 =	vadd.f32 $1.915000000e+02, v3  }
0x16c: {  	v4 =	vadd.f32 $1.915000000e+02, v4  }
0x16d: {  	v3 =	vmax.f32 v3, $0.0e+00  }
0x16e: {  	v3 =	vmin.f32 v3, $3.830000000e+02;
	v4 =	vmax.f32 v4, $0.0e+00  }
0x16f: {  	v5 =	vtrunc.f32 v3;
	v4 =	vmin.f32 v4, $3.830000000e+02  }
0x170: {  	v5 =	vcvt.f32.s32 v5;
	v6 =	vtrunc.f32 v4  }
0x171: {  	v6 =	vcvt.f32.s32 v6  }
0x172: {  	vm0 =	vge.s32 v5, v0;
	v7 =	vcvt.s32.f32 v5;
	v8 =	vsub.s32 v5, v0  }
0x173: {  	vm2 =	vgt.s32 v1, v5;
	v9 =	vcvt.s32.f32 v6;
	v8 =	vmul.u32 $0x180, v8  }
0x174: {  	v5 =	vadd.s32 $0x1, v5;
	v3 =	vsub.f32 v3, v7  }
0x175: {  	vm1 =	vge.s32 v5, v0;
	v4 =	vsub.f32 v4, v9;
	v7 =	vadd.s32 v6, v8  }
0x176: {  	vm0 =	vmand vm0, vm2;
	v6 =	vand.u32 $0x7F, v6;
	v8 =	vand.u32 $0xFFFFFF80, v7  }
0x177: {  	v10 =	vsub.f32 $1.000000000e+00, v3;
	v9 =	vsub.f32 $1.000000000e+00, v4;
	v6 =	vor.u32 v6, v8  }
0x178: {  	v8 =	vmul.f32 v4, v3;
	v11 =	vadd.s32 $0x4800, v6;
	v12 =	vadd.s32 $0xD800, v6  }
0x179: {  	vm2 =	vlt.s32 v5, v1;
	v4 =	vmul.f32 v4, v10;
	v5 =	vmul.f32 v9, v10  }
0x17a: {  	v3 =	vmul.f32 v9, v3;
	v9 =	vadd.s32 $0x9000, v6  }
0x17b: {  	v13 =	vmul.f32 v8, v4;
	v10 =	vmul.f32 v5, v5  }
0x17c: {  	v16 =	vadd.s32 $0x1, v7;
	v14 =	vmul.f32 v5, v4;
	v15 =	vmul.f32 v3, v5  }
0x17d: {  	v17 =	vmul.f32 v3, v4;
	v18 =	vmul.f32 v3, v8;
	[tilespmem:v7+s11+$0x0] =	vst.idx.add.f32.msk vm0, v10;
	v10 =	vadd.s32 $0x12001, v7  }
0x17e: {  	vm1 =	vmand vm1, vm2;
	v5 =	vmul.f32 v5, v8;
	[tilespmem:v11+s11+$0x0] =	vst.idx.add.f32.msk vm0, v14;
	v11 =	vadd.s32 $0x9001, v7  }
0x17f: {  	v4 =	vmul.f32 v4, v4;
	[tilespmem:v9+s11+$0x0] =	vst.idx.add.f32.msk vm0, v15;
	v9 =	vadd.s32 $0x180, v6  }
0x180: {  	[tilespmem:v12+s11+$0x0] =	vst.idx.add.f32.msk vm0, v5;
	v5 =	vadd.s32 $0x4980, v6  }
0x181: {  	[tilespmem:v16+s11+$0x0] =	vst.idx.add.f32.msk vm0, v4;
	v4 =	vadd.s32 $0x181, v7  }
0x182: {  	v3 =	vmul.f32 v3, v3;
	[tilespmem:v10+s11+$0x0] =	vst.idx.add.f32.msk vm0, v17  }
0x183: {  	[tilespmem:v11+s11+$0x0] =	vst.idx.add.f32.msk vm0, v13  }
0x184: {  	[tilespmem:v9+s11+$0x0] =	vst.idx.add.f32.msk vm1, v3;
	v3 =	vmul.f32 v8, v8  }
0x185: {  	[tilespmem:v5+s11+$0x0] =	vst.idx.add.f32.msk vm1, v18  }
0x186: {  	[tilespmem:v4+s11+$0x0] =	vst.idx.add.f32.msk vm1, v3  }
0x187: {  	v3 =	vld [tilespmem:s20+$0x40]  }
0x188: {  	v4 =	vld [tilespmem:s20+$0xC0];
	_ =	sdelay $0x3  }
0x189: {  	v3 =	vmul.f32 $9.973958130e-01, v3  }
0x18a: {  	v4 =	vmul.f32 $9.973958130e-01, v4  }
0x18b: {  	v3 =	vadd.f32 $1.915000000e+02, v3  }
0x18c: {  	v4 =	vadd.f32 $1.915000000e+02, v4  }
0x18d: {  	v3 =	vmax.f32 v3, $0.0e+00  }
0x18e: {  	v4 =	vmax.f32 v4, $0.0e+00;
	v3 =	vmin.f32 v3, $3.830000000e+02  }
0x18f: {  	v4 =	vmin.f32 v4, $3.830000000e+02;
	v5 =	vtrunc.f32 v3  }
0x190: {  	v6 =	vtrunc.f32 v4  }
0x191: {  	v5 =	vcvt.f32.s32 v5;
	v6 =	vcvt.f32.s32 v6;
	_ =	sdelay $0x1  }
0x192: {  	v7 =	vcvt.s32.f32 v5;
	v8 =	vcvt.s32.f32 v6;
	v9 =	vsub.s32 v6, v0  }
0x193: {  	vm0 =	vge.s32 v6, v0;
	vm1 =	vgt.s32 v1, v6;
	v9 =	vmul.u32 $0x180, v9  }
0x194: {  	v6 =	vadd.s32 $0x1, v6;
	v3 =	vsub.f32 v3, v7;
	v4 =	vsub.f32 v4, v8  }
0x195: {  	vm0 =	vmand vm0, vm1;
	v7 =	vadd.s32 v5, v9;
	v5 =	vand.u32 $0x7F, v5  }
0x196: {  	v8 =	vsub.f32 $1.000000000e+00, v3;
	v9 =	vsub.f32 $1.000000000e+00, v4;
	v10 =	vand.u32 $0xFFFFFF80, v7  }
0x197: {  	vm1 =	vge.s32 v6, v0;
	v11 =	vmul.f32 v3, v4;
	v5 =	vor.u32 v5, v10  }
0x198: {  	v10 =	vmul.f32 v8, v9;
	v3 =	vmul.f32 v3, v9;
	v9 =	vadd.s32 $0x4800, v5  }
0x199: {  	vm2 =	vlt.s32 v6, v1;
	v4 =	vmul.f32 v8, v4;
	v6 =	vadd.s32 $0x9000, v5  }
0x19a: {  	v12 =	vadd.s32 $0xD800, v5;
	v8 =	vmul.f32 v10, v10;
	v13 =	vmul.f32 v11, v3  }
0x19b: {  	v15 =	vadd.s32 $0x1, v7;
	v14 =	vmul.f32 v10, v3;
	v16 =	vmul.f32 v4, v3  }
0x19c: {  	v17 =	vadd.s32 $0x12001, v7;
	v18 =	vmul.f32 v4, v11;
	[tilespmem:v7+s11+$0x0] =	vst.idx.add.f32.msk vm0, v8;
	v8 =	vmul.f32 v4, v10  }
0x19d: {  	vm1 =	vmand vm1, vm2;
	[tilespmem:v9+s11+$0x0] =	vst.idx.add.f32.msk vm0, v14;
	v9 =	vmul.f32 v10, v11;
	v10 =	vadd.s32 $0x9001, v7  }
0x19e: {  	v3 =	vmul.f32 v3, v3;
	[tilespmem:v6+s11+$0x0] =	vst.idx.add.f32.msk vm0, v8;
	v6 =	vadd.s32 $0x180, v5  }
0x19f: {  	v5 =	vadd.s32 $0x4980, v5;
	[tilespmem:v12+s11+$0x0] =	vst.idx.add.f32.msk vm0, v9  }
0x1a0: {  	[tilespmem:v15+s11+$0x0] =	vst.idx.add.f32.msk vm0, v3;
	v3 =	vadd.s32 $0x181, v7  }
0x1a1: {  	v4 =	vmul.f32 v4, v4;
	[tilespmem:v17+s11+$0x0] =	vst.idx.add.f32.msk vm0, v16  }
0x1a2: {  	[tilespmem:v10+s11+$0x0] =	vst.idx.add.f32.msk vm0, v13  }
0x1a3: {  	[tilespmem:v6+s11+$0x0] =	vst.idx.add.f32.msk vm1, v4;
	v4 =	vmul.f32 v11, v11  }
0x1a4: {  	[tilespmem:v5+s11+$0x0] =	vst.idx.add.f32.msk vm1, v18  }
0x1a5: {  	[tilespmem:v3+s11+$0x0] =	vst.idx.add.f32.msk vm1, v4  }
0x1a6: {  	v3 =	vld [tilespmem:s20+$0xD0]  }
0x1a7: {  	v4 =	vld [tilespmem:s20+$0x50];
	_ =	sdelay $0x3  }
0x1a8: {  	v3 =	vmul.f32 $9.973958130e-01, v3  }
0x1a9: {  	v4 =	vmul.f32 $9.973958130e-01, v4  }
0x1aa: {  	v3 =	vadd.f32 $1.915000000e+02, v3  }
0x1ab: {  	v4 =	vadd.f32 $1.915000000e+02, v4  }
0x1ac: {  	v3 =	vmax.f32 v3, $0.0e+00  }
0x1ad: {  	v3 =	vmin.f32 v3, $3.830000000e+02;
	v4 =	vmax.f32 v4, $0.0e+00  }
0x1ae: {  	v5 =	vtrunc.f32 v3;
	v4 =	vmin.f32 v4, $3.830000000e+02  }
0x1af: {  	v5 =	vcvt.f32.s32 v5;
	v6 =	vtrunc.f32 v4  }
0x1b0: {  	v6 =	vcvt.f32.s32 v6  }
0x1b1: {  	vm0 =	vge.s32 v5, v0;
	v7 =	vcvt.s32.f32 v5;
	v8 =	vsub.s32 v5, v0  }
0x1b2: {  	vm2 =	vgt.s32 v1, v5;
	v9 =	vcvt.s32.f32 v6;
	v8 =	vmul.u32 $0x180, v8  }
0x1b3: {  	v5 =	vadd.s32 $0x1, v5;
	v3 =	vsub.f32 v3, v7  }
0x1b4: {  	vm1 =	vge.s32 v5, v0;
	v4 =	vsub.f32 v4, v9;
	v7 =	vadd.s32 v6, v8  }
0x1b5: {  	v6 =	vand.u32 $0x7F, v6;
	v8 =	vsub.f32 $1.000000000e+00, v3;
	v9 =	vand.u32 $0xFFFFFF80, v7  }
0x1b6: {  	vm0 =	vmand vm0, vm2;
	v10 =	vsub.f32 $1.000000000e+00, v4;
	v6 =	vor.u32 v6, v9  }
0x1b7: {  	v9 =	vmul.f32 v4, v8;
	v4 =	vmul.f32 v4, v3;
	v11 =	vadd.s32 $0x4800, v6  }
0x1b8: {  	vm2 =	vlt.s32 v5, v1;
	v5 =	vmul.f32 v10, v8;
	v3 =	vmul.f32 v10, v3  }
0x1b9: {  	v8 =	vadd.s32 $0x9000, v6;
	v10 =	vmul.f32 v4, v9  }
0x1ba: {  	v14 =	vadd.s32 $0xD800, v6;
	v12 =	vmul.f32 v5, v5;
	v13 =	vmul.f32 v5, v9  }
0x1bb: {  	v16 =	vadd.s32 $0x1, v7;
	v15 =	vmul.f32 v3, v5;
	v17 =	vmul.f32 v3, v9  }
0x1bc: {  	v18 =	vmul.f32 v3, v4;
	[tilespmem:v7+s11+$0x0] =	vst.idx.add.f32.msk vm0, v12;
	v12 =	vadd.s32 $0x12001, v7  }
0x1bd: {  	vm1 =	vmand vm1, vm2;
	v5 =	vmul.f32 v5, v4;
	[tilespmem:v11+s11+$0x0] =	vst.idx.add.f32.msk vm0, v13;
	v11 =	vadd.s32 $0x9001, v7  }
0x1be: {  	[tilespmem:v8+s11+$0x0] =	vst.idx.add.f32.msk vm0, v15;
	v8 =	vmul.f32 v9, v9;
	v9 =	vadd.s32 $0x180, v6  }
0x1bf: {  	[tilespmem:v14+s11+$0x0] =	vst.idx.add.f32.msk vm0, v5;
	v5 =	vadd.s32 $0x4980, v6  }
0x1c0: {  	v6 =	vadd.s32 $0x181, v7;
	[tilespmem:v16+s11+$0x0] =	vst.idx.add.f32.msk vm0, v8  }
0x1c1: {  	v3 =	vmul.f32 v3, v3;
	[tilespmem:v12+s11+$0x0] =	vst.idx.add.f32.msk vm0, v17  }
0x1c2: {  	[tilespmem:v11+s11+$0x0] =	vst.idx.add.f32.msk vm0, v10  }
0x1c3: {  	[tilespmem:v9+s11+$0x0] =	vst.idx.add.f32.msk vm1, v3;
	v3 =	vmul.f32 v4, v4  }
0x1c4: {  	[tilespmem:v5+s11+$0x0] =	vst.idx.add.f32.msk vm1, v18  }
0x1c5: {  	[tilespmem:v6+s11+$0x0] =	vst.idx.add.f32.msk vm1, v3  }
0x1c6: {  	v3 =	vld [tilespmem:s20+$0xE0]  }
0x1c7: {  	v4 =	vld [tilespmem:s20+$0x60];
	_ =	sdelay $0x3  }
0x1c8: {  	v3 =	vmul.f32 $9.973958130e-01, v3  }
0x1c9: {  	v4 =	vmul.f32 $9.973958130e-01, v4  }
0x1ca: {  	v3 =	vadd.f32 $1.915000000e+02, v3  }
0x1cb: {  	v4 =	vadd.f32 $1.915000000e+02, v4  }
0x1cc: {  	v3 =	vmax.f32 v3, $0.0e+00  }
0x1cd: {  	v3 =	vmin.f32 v3, $3.830000000e+02;
	v4 =	vmax.f32 v4, $0.0e+00  }
0x1ce: {  	v5 =	vtrunc.f32 v3;
	v4 =	vmin.f32 v4, $3.830000000e+02  }
0x1cf: {  	v5 =	vcvt.f32.s32 v5;
	v6 =	vtrunc.f32 v4  }
0x1d0: {  	v6 =	vcvt.f32.s32 v6  }
0x1d1: {  	vm0 =	vge.s32 v5, v0;
	v7 =	vcvt.s32.f32 v5;
	v8 =	vsub.s32 v5, v0  }
0x1d2: {  	vm2 =	vgt.s32 v1, v5;
	v9 =	vcvt.s32.f32 v6;
	v8 =	vmul.u32 $0x180, v8  }
0x1d3: {  	v5 =	vadd.s32 $0x1, v5;
	v3 =	vsub.f32 v3, v7  }
0x1d4: {  	vm1 =	vge.s32 v5, v0;
	v4 =	vsub.f32 v4, v9;
	v7 =	vadd.s32 v6, v8  }
0x1d5: {  	vm0 =	vmand vm0, vm2;
	v6 =	vand.u32 $0x7F, v6;
	v8 =	vand.u32 $0xFFFFFF80, v7  }
0x1d6: {  	v10 =	vsub.f32 $1.000000000e+00, v3;
	v9 =	vsub.f32 $1.000000000e+00, v4;
	v6 =	vor.u32 v6, v8  }
0x1d7: {  	vm2 =	vlt.s32 v5, v1;
	v5 =	vmul.f32 v4, v3;
	v8 =	vadd.s32 $0x4800, v6  }
0x1d8: {  	v4 =	vmul.f32 v4, v10;
	v11 =	vmul.f32 v9, v10  }
0x1d9: {  	v3 =	vmul.f32 v9, v3;
	v9 =	vadd.s32 $0x9000, v6  }
0x1da: {  	v12 =	vadd.s32 $0xD800, v6;
	v13 =	vmul.f32 v5, v4;
	v10 =	vmul.f32 v11, v11  }
0x1db: {  	v16 =	vadd.s32 $0x1, v7;
	v14 =	vmul.f32 v11, v4;
	v15 =	vmul.f32 v3, v11  }
0x1dc: {  	v17 =	vmul.f32 v3, v4;
	v18 =	vmul.f32 v3, v5;
	[tilespmem:v7+s11+$0x0] =	vst.idx.add.f32.msk vm0, v10;
	v10 =	vadd.s32 $0x12001, v7  }
0x1dd: {  	vm1 =	vmand vm1, vm2;
	[tilespmem:v8+s11+$0x0] =	vst.idx.add.f32.msk vm0, v14;
	v8 =	vmul.f32 v11, v5;
	v11 =	vadd.s32 $0x9001, v7  }
0x1de: {  	v4 =	vmul.f32 v4, v4;
	[tilespmem:v9+s11+$0x0] =	vst.idx.add.f32.msk vm0, v15;
	v9 =	vadd.s32 $0x180, v6  }
0x1df: {  	v6 =	vadd.s32 $0x4980, v6;
	[tilespmem:v12+s11+$0x0] =	vst.idx.add.f32.msk vm0, v8  }
0x1e0: {  	[tilespmem:v16+s11+$0x0] =	vst.idx.add.f32.msk vm0, v4;
	v4 =	vadd.s32 $0x181, v7  }
0x1e1: {  	v3 =	vmul.f32 v3, v3;
	[tilespmem:v10+s11+$0x0] =	vst.idx.add.f32.msk vm0, v17  }
0x1e2: {  	[tilespmem:v11+s11+$0x0] =	vst.idx.add.f32.msk vm0, v13  }
0x1e3: {  	[tilespmem:v9+s11+$0x0] =	vst.idx.add.f32.msk vm1, v3;
	v3 =	vmul.f32 v5, v5  }
0x1e4: {  	[tilespmem:v6+s11+$0x0] =	vst.idx.add.f32.msk vm1, v18  }
0x1e5: {  	[tilespmem:v4+s11+$0x0] =	vst.idx.add.f32.msk vm1, v3  }
0x1e6: {  	v3 =	vld [tilespmem:s20+$0x70]  }
0x1e7: {  	v4 =	vld [tilespmem:s20+$0xF0];
	_ =	sdelay $0x3  }
0x1e8: {  	v3 =	vmul.f32 $9.973958130e-01, v3  }
0x1e9: {  	v4 =	vmul.f32 $9.973958130e-01, v4  }
0x1ea: {  	v3 =	vadd.f32 $1.915000000e+02, v3  }
0x1eb: {  	v4 =	vadd.f32 $1.915000000e+02, v4  }
0x1ec: {  	v3 =	vmax.f32 v3, $0.0e+00  }
0x1ed: {  	v4 =	vmax.f32 v4, $0.0e+00;
	v3 =	vmin.f32 v3, $3.830000000e+02  }
0x1ee: {  	v4 =	vmin.f32 v4, $3.830000000e+02;
	v5 =	vtrunc.f32 v3  }
0x1ef: {  	v6 =	vtrunc.f32 v4;
	v5 =	vcvt.f32.s32 v5  }
0x1f0: {  	v6 =	vcvt.f32.s32 v6  }
0x1f1: {  	v7 =	vcvt.s32.f32 v5  }
0x1f2: {  	vm0 =	vge.s32 v6, v0;
	v9 =	vcvt.s32.f32 v6;
	v8 =	vsub.s32 v6, v0  }
0x1f3: {  	vm1 =	vgt.s32 v1, v6;
	v10 =	vsub.f32 v3, v7;
	v3 =	vmul.u32 $0x180, v8  }
0x1f4: {  	v8 =	vadd.s32 $0x1, v6;
	v6 =	vsub.f32 v4, v9  }
0x1f5: {  	vm0 =	vmand vm0, vm1;
	v4 =	vadd.s32 v5, v3;
	v5 =	vand.u32 $0x7F, v5  }
.Ltmp1:
0x1f6: {  	v11 =	vsub.f32 $1.000000000e+00, v10;
	v9 =	vsub.f32 $1.000000000e+00, v6;
	v7 =	vand.u32 $0xFFFFFF80, v4;
	(pc) =	sbr.rel @p0 .LBB2_4-.Ltmp1, $4  }
0x1f7: {  	v3 =	vmul.f32 v10, v6;
	v7 =	vor.u32 v5, v7;
	v5 =	vadd.s32 $0x12001, v4  }
0x1f8: {  	v14 =	vmul.f32 v11, v9;
	v9 =	vmul.f32 v10, v9;
	v13 =	vadd.s32 $0x4800, v7  }
0x1f9: {  	v6 =	vmul.f32 v11, v6;
	v12 =	vadd.s32 $0x9000, v7;
	v10 =	vadd.s32 $0xD800, v7  }
0x1fa: {  	v11 =	vadd.s32 $0x1, v4;
	v16 =	vmul.f32 v14, v14;
	v15 =	vmul.f32 v14, v9  }
0x1fb: {  	_ =	sdelay $0x3  }
0x1fc: {  	vm1 =	vge.s32 v8, v0  }
0x1fd: {  	v17 =	vmul.f32 v6, v14;
	vm2 =	vlt.s32 v8, v1;
	[tilespmem:v4+s11+$0x0] =	vst.idx.add.f32.msk vm0, v16  }
0x1fe: {  	v54 =	vmul.f32 v14, v3;
	v55 =	vadd.s32 $0x9001, v4;
	vm1 =	vmand vm1, vm2;
	[tilespmem:v13+s11+$0x0] =	vst.idx.add.f32.msk vm0, v15  }
0x1ff: {  	v56 =	vmul.f32 v9, v9;
	v57 =	vadd.s32 $0x180, v7;
	[tilespmem:v12+s11+$0x0] =	vst.idx.add.f32.msk vm0, v17  }
0x200: {  	v58 =	vmul.f32 v6, v9;
	v59 =	vadd.s32 $0x4980, v7;
	[tilespmem:v10+s11+$0x0] =	vst.idx.add.f32.msk vm0, v54  }
0x201: {  	v60 =	vmul.f32 v3, v9;
	v61 =	vadd.s32 $0x181, v4;
	[tilespmem:v11+s11+$0x0] =	vst.idx.add.f32.msk vm0, v56  }
0x202: {  	v62 =	vmul.f32 v6, v6;
	[tilespmem:v5+s11+$0x0] =	vst.idx.add.f32.msk vm0, v58  }
0x203: {  	v63 =	vmul.f32 v6, v3;
	[tilespmem:v55+s11+$0x0] =	vst.idx.add.f32.msk vm0, v60  }
0x204: {  	v3 =	vmul.f32 v3, v3;
	[tilespmem:v57+s11+$0x0] =	vst.idx.add.f32.msk vm1, v62  }
0x205: {  	[tilespmem:v59+s11+$0x0] =	vst.idx.add.f32.msk vm1, v63  }
0x206: {  	[tilespmem:v61+s11+$0x0] =	vst.idx.add.f32.msk vm1, v3  }
0x207: {  	[hbm4b:s4+s12] =	stream.strided.scatter [tilespmem:s11], [sflag:$0x1], $0x4800, s13, s12, $0x38;
	[tilespmem:$0x1B000] =	vst v63  }
0x208: {  	_ =	swait.ge [sflag:s10], $0x4800  }
0x209: {  	[sflag:s10] =	ssyncset.done $0x0  }
0x20a: {  	[sflag:s10] =	ssyncadd.s32 $0xFFFFB800  }
0x20b: {  	[hbm4b:s5+s12] =	stream.strided.scatter [tilespmem:s14], [sflag:$0x1], $0x4800, s13, s12, $0x38;
	[tilespmem:$0x1B000] =	vst v63  }
0x20c: {  	_ =	swait.ge [sflag:s10], $0x4800  }
0x20d: {  	[sflag:s10] =	ssyncset.done $0x0  }
0x20e: {  	[sflag:s10] =	ssyncadd.s32 $0xFFFFB800  }
0x20f: {  	[hbm4b:s6+s12] =	stream.strided.scatter [tilespmem:s15], [sflag:$0x1], $0x4800, s13, s12, $0x38;
	[tilespmem:$0x1B000] =	vst v63  }
0x210: {  	_ =	swait.ge [sflag:s10], $0x4800  }
0x211: {  	[sflag:s10] =	ssyncset.done $0x0  }
0x212: {  	[sflag:s10] =	ssyncadd.s32 $0xFFFFB800  }
0x213: {  	[hbm4b:s7+s12] =	stream.strided.scatter [tilespmem:s16], [sflag:$0x1], $0x4800, s13, s12, $0x38;
	[tilespmem:$0x1B000] =	vst v63  }
0x214: {  	s18 =	sadd.s32 $0x1, s18;
	_ =	swait.ge [sflag:s10], $0x4800  }
0x215: {  	p0 =	sne.s32 s18, s9;
	[sflag:s10] =	ssyncset.done $0x0  }
.Ltmp2:
0x216: {  	[sflag:s10] =	ssyncadd.s32 $0xFFFFB800;
	(pc) =	sbr.rel @p0 .LBB2_1-.Ltmp2, $4  }
0x217: {  	[hbm4b:s8+s12] =	stream.strided.scatter [tilespmem:s17], [sflag:$0x1], $0x4800, s13, s12, $0x38;
	[tilespmem:$0x1B000] =	vst v63  }
0x218: {  	_ =	swait.ge [sflag:s10], $0x4800  }
0x219: {  	[sflag:s10] =	ssyncset.done $0x0  }
0x21a: {  	[sflag:s10] =	ssyncadd.s32 $0xFFFFB800  }
0x21b: {  	_ =	sfence.sel $0x180000  }
0x21c: {  	[bflag:$0x0] =	sbarrier.arrive $0xFFFF  }
0x21d: {  	p0 =	sne.s32 s1, $0x0;
	_ =	strace $0x90000047  }
0x21e: {  	s0 =	sadd.s32 @!p0 $0x100000, s0;
	[bflag:$0x2] =	sbarrier.arrive $0xFFFF  }
0x21f: {  	[sflag:s0] =	ssyncadd.tile.s32 @!p0 $0x1;
	_ =	shalt  }
.Lfunc_end2:
_tile_overlayer_lowered:
.L_overlay_start_2:
0x220: {  	(tag) =	ssettag $0x2  }
0x221: {  	s0 =	rddreg [dreg:$0x0];
	s2 =	stileid.u32  }
0x222: {  	s1 =	rddreg [dreg:$0x1];
	p0 =	sne.s32 s2, $0x0  }
0x223: {  	s3 =	rddreg [dreg:$0x2];
	[bflag:$0x3] =	sbarrier.arrive $0xFFFF;
	s2 =	simm.s32 @!p0 $0x1C01  }
0x224: {  	[timem:s3], [sflag:s2] =	dma.local @!p0 [hbm:s0], s1  }
0x225: {  	s0 =	simm.s32 @!p0 $0x1  }
0x226: {  	_ =	swait.ge @!p0 [sflag:s0], s1  }
0x227: {  	s1 =	ssub.s32 @!p0 $0x0, s1;
	[sflag:s0] =	ssyncset.done @!p0 $0x0  }
0x228: {  	[sflag:s0] =	ssyncadd.s32 @!p0 s1  }
0x229: {  	[bflag:$0x3] =	sbarrier.arrive $0xFFFF  }
0x22a: {  	_ =	shalt  }

</sc_bundles>
